<compile_context>
chip_gen: v7x
topology: tpu7x:2x2x1
jax: 0.10.2.dev20260603
libtpu: 0.0.44.dev20260713+nightly
codegen_flags: <defaults>
</compile_context>

<pallas_src>
import functools

import jax
import jax.numpy as jnp
from jax import lax
from jax.experimental import pallas as pl
from jax.experimental.pallas import tpu as pltpu
from jax.experimental.pallas import tpu_sc as plsc

N = 10000
E = 320000
F = 128
H = 128
HH = H // 2
C = 40

NC = 2
NS = 16
NW = NC * NS
EW = E // NW
K = 100
KA = 128
ECH = 160
EPAD = NS * ECH * KA
NBUF = 4
NPAD = 10240
RPT = NPAD // NS

_mesh = plsc.VectorSubcoreMesh(core_axis_name="c", subcore_axis_name="s")


DW = 8
DCH = EW // K


@functools.partial(
    pl.kernel,
    out_type=jax.ShapeDtypeStruct((NC, NPAD, DW), jnp.float32),
    mesh=_mesh,
    scratch_types=[
        pltpu.VMEM((DCH, K), jnp.int32),
        pltpu.VMEM((K, DW), jnp.float32),
        pltpu.VMEM_SHARED((NPAD, DW), jnp.float32),
    ],
    compiler_params=pltpu.CompilerParams(use_tc_tiling_on_sc=False),
)
def _deg_kernel(dst_hbm, ones_hbm, zeros_hbm, out_hbm, dst_v, ones_v, acc):
    c = lax.axis_index("c")
    s = lax.axis_index("s")
    w = s * NC + c
    pltpu.sync_copy(dst_hbm.at[w], dst_v)
    pltpu.sync_copy(ones_hbm, ones_v)
    pltpu.sync_copy(zeros_hbm, acc.at[pl.ds(s * RPT, RPT)])
    plsc.subcore_barrier()

    def body(j, _):
        pltpu.sync_copy(ones_v, acc.at[dst_v.at[j]], add=True)
        return ()
    lax.fori_loop(0, DCH, body, ())

    plsc.subcore_barrier()
    pltpu.sync_copy(acc.at[pl.ds(s * RPT, RPT)],
                    out_hbm.at[c, pl.ds(s * RPT, RPT)])


@functools.partial(
    pl.kernel,
    out_type=jax.ShapeDtypeStruct((NC, NPAD, HH), jnp.float32),
    mesh=_mesh,
    scratch_types=[
        pltpu.VMEM((ECH, KA), jnp.int32),
        pltpu.VMEM((ECH, KA), jnp.int32),
        [pltpu.VMEM((KA, HH), jnp.float32) for _ in range(NBUF)],
        [pltpu.SemaphoreType.DMA for _ in range(NBUF)],
        [pltpu.SemaphoreType.DMA for _ in range(NBUF)],
        pltpu.VMEM_SHARED((NPAD, HH), jnp.float32),
    ],
    compiler_params=pltpu.CompilerParams(use_tc_tiling_on_sc=False),
)
def _agg_kernel(t_hbm, src_hbm, dst_hbm, zeros_hbm, out_hbm,
                src_v, dst_v, bufs, semg, sems, acc):
    c = lax.axis_index("c")
    s = lax.axis_index("s")
    pltpu.sync_copy(src_hbm.at[s], src_v)
    pltpu.sync_copy(dst_hbm.at[s], dst_v)
    pltpu.sync_copy(zeros_hbm, acc.at[pl.ds(s * RPT, RPT)])
    plsc.subcore_barrier()

    th = t_hbm.at[c]

    def gather(b, j):
        return pltpu.async_copy(th.at[src_v.at[j]], bufs[b], semg[b])

    def wait_gather(b, j):
        pltpu.make_async_copy(th.at[src_v.at[j]], bufs[b], semg[b]).wait()

    def scatter(b, j):
        return pltpu.async_copy(bufs[b], acc.at[dst_v.at[j]], sems[b],
                                add=True)

    def wait_scatter(b, j):
        pltpu.make_async_copy(bufs[b], acc.at[dst_v.at[j]], sems[b]).wait()

    for b in range(NBUF):
        gather(b, b)

    ITER = ECH // NBUF

    def body(i, _):
        for b in range(NBUF):
            j = NBUF * i + b
            wait_gather(b, j)
            scatter(b, j)
        for b in range(NBUF):
            j = NBUF * i + b
            wait_scatter(b, j)
            gather(b, j + NBUF)
        return ()
    lax.fori_loop(0, ITER - 1, body, ())

    for b in range(NBUF):
        j = NBUF * (ITER - 1) + b
        wait_gather(b, j)
        scatter(b, j)
    for b in range(NBUF):
        j = NBUF * (ITER - 1) + b
        wait_scatter(b, j)

    plsc.subcore_barrier()
    pltpu.sync_copy(acc.at[pl.ds(s * RPT, RPT)],
                    out_hbm.at[c, pl.ds(s * RPT, RPT)])


BR = 1000


def _dinv_of(deg_blk):
    return lax.rsqrt(deg_blk[0, :, 0:1] + deg_blk[1, :, 0:1] + 1.0)


def _split_store(o_ref, t):
    o_ref[0] = t[:, :HH]
    o_ref[1] = t[:, HH:]


def _tc0_body(x_ref, w_ref, deg_ref, o_ref):
    dinv = _dinv_of(deg_ref[...])
    t = jnp.dot(x_ref[...], w_ref[...],
                preferred_element_type=jnp.float32) * dinv
    _split_store(o_ref, t)


def _ln_relu(z, g, be):
    mu = jnp.mean(z, axis=-1, keepdims=True)
    zc = z - mu
    var = jnp.mean(zc * zc, axis=-1, keepdims=True)
    h = zc * lax.rsqrt(var + 1e-5) * g + be
    return jnp.maximum(h, 0.0)


def _pre(a_ref, t_ref, deg_ref, b_ref):
    dinv = _dinv_of(deg_ref[...])
    z = jnp.concatenate(
        [a_ref[0] + t_ref[0], a_ref[1] + t_ref[1]], axis=-1)
    return dinv, dinv * z + b_ref[...]


def _tcmid_body(a_ref, t_ref, deg_ref, b_ref, g_ref, be_ref, w_ref, o_ref):
    dinv, z = _pre(a_ref, t_ref, deg_ref, b_ref)
    h = _ln_relu(z, g_ref[...], be_ref[...])
    t = jnp.dot(h, w_ref[...], preferred_element_type=jnp.float32) * dinv
    _split_store(o_ref, t)


def _tcfin_body(a_ref, t_ref, deg_ref, b_ref, g_ref, be_ref, wl_ref, bl_ref,
                o_ref):
    _, z = _pre(a_ref, t_ref, deg_ref, b_ref)
    h = _ln_relu(z, g_ref[...], be_ref[...])
    o_ref[...] = jnp.dot(h, wl_ref[...],
                         preferred_element_type=jnp.float32) + bl_ref[...]


def _row_spec(width):
    return pl.BlockSpec((BR, width), lambda i: (i, 0))


def _half_spec():
    return pl.BlockSpec((2, BR, HH), lambda i: (0, i, 0))


def _deg_spec():
    return pl.BlockSpec((2, BR, DW), lambda i: (0, i, 0))


def _full_spec(shape):
    return pl.BlockSpec(shape, lambda i: tuple(0 for _ in shape))


_SPLIT_OUT = jax.ShapeDtypeStruct((2, N, HH), jnp.float32)


def _tc0(x, w, deg_t):
    return pl.pallas_call(
        _tc0_body,
        grid=(N // BR,),
        in_specs=[_row_spec(F), _full_spec((F, H)), _deg_spec()],
        out_specs=_half_spec(),
        out_shape=_SPLIT_OUT,
    )(x, w, deg_t)


def _tcmid(a, t, deg_t, b, g, be, w):
    return pl.pallas_call(
        _tcmid_body,
        grid=(N // BR,),
        in_specs=[_half_spec(), _half_spec(), _deg_spec(),
                  _full_spec((1, H)), _full_spec((1, H)), _full_spec((1, H)),
                  _full_spec((H, H))],
        out_specs=_half_spec(),
        out_shape=_SPLIT_OUT,
    )(a, t, deg_t, b, g, be, w)


def _tcfin(a, t, deg_t, b, g, be, wl, bl):
    return pl.pallas_call(
        _tcfin_body,
        grid=(N // BR,),
        in_specs=[_half_spec(), _half_spec(), _deg_spec(),
                  _full_spec((1, H)), _full_spec((1, H)), _full_spec((1, H)),
                  _full_spec((H, C)), _full_spec((1, C))],
        out_specs=_row_spec(C),
        out_shape=jax.ShapeDtypeStruct((N, C), jnp.float32),
    )(a, t, deg_t, b, g, be, wl, bl)


def kernel(x, edge_index, W0, b0, g0, be0, W1, b1, g1, be1, W2, b2, g2, be2,
           Wl, bl):
    pad = EPAD - E
    src = jnp.concatenate(
        [edge_index[0], jnp.zeros((pad,), edge_index.dtype)]
    ).reshape(NS, ECH, KA)
    dst = jnp.concatenate(
        [edge_index[1], jnp.full((pad,), NPAD - 1, edge_index.dtype)]
    ).reshape(NS, ECH, KA)
    dst_flat = edge_index[1].reshape(NW, DCH, K)

    ones8 = jnp.ones((K, DW), jnp.float32)
    zeros8 = jnp.zeros((RPT, DW), jnp.float32)
    deg_t = _deg_kernel(dst_flat, ones8, zeros8)
    zeros = jnp.zeros((RPT, HH), jnp.float32)

    b0r, g0r, be0r = b0.reshape(1, H), g0.reshape(1, H), be0.reshape(1, H)
    b1r, g1r, be1r = b1.reshape(1, H), g1.reshape(1, H), be1.reshape(1, H)
    b2r, g2r, be2r = b2.reshape(1, H), g2.reshape(1, H), be2.reshape(1, H)
    blr = bl.reshape(1, C)

    t0 = _tc0(x, W0, deg_t)
    a0 = _agg_kernel(t0, src, dst, zeros)
    t1 = _tcmid(a0, t0, deg_t, b0r, g0r, be0r, W1)
    a1 = _agg_kernel(t1, src, dst, zeros)
    t2 = _tcmid(a1, t1, deg_t, b1r, g1r, be1r, W2)
    a2 = _agg_kernel(t2, src, dst, zeros)
    return _tcfin(a2, t2, deg_t, b2r, g2r, be2r, Wl, blr)

# --- scband reference (transcript-rebuilt; emitter-appended) ---
"""Pipeline reference for scband-gcn-84000970375232 (READ-ONLY COPY).

The authoritative reference and input builder live on the scoring server;
editing this copy changes nothing except your own understanding.
"""

import jax, jax.numpy as jnp
import numpy as np

N = 10000
E = 320000
F = 128
H = 128
C = 40

def setup_inputs(seed: int = 0):
    key = jax.random.key(seed)
    ks = jax.random.split(key, 16)
    inp = {}
    inp["x"] = jax.random.normal(ks[0], (N, F), jnp.float32)
    inp["edge_index"] = jax.random.randint(ks[1], (2, E), 0, N)
    dims = [(F, H), (H, H), (H, H)]
    for i, (di, do) in enumerate(dims):
        inp[f"W{i}"] = jax.random.normal(ks[2 + 4 * i], (di, do), jnp.float32) * (1.0 / np.sqrt(di))
        inp[f"b{i}"] = jnp.zeros((do,), jnp.float32)
        inp[f"g{i}"] = jnp.ones((do,), jnp.float32)
        inp[f"be{i}"] = jnp.zeros((do,), jnp.float32)
    inp["Wl"] = jax.random.normal(ks[15], (H, C), jnp.float32) * (1.0 / np.sqrt(H))
    inp["bl"] = jnp.zeros((C,), jnp.float32)
    return inp

def _gcn_conv(x, src, dst, W, b):
    loop = jnp.arange(N)
    s = jnp.concatenate([src, loop])
    d = jnp.concatenate([dst, loop])
    deg = jnp.zeros((N,), jnp.float32).at[d].add(1.0)
    dinv = jnp.where(deg > 0, jax.lax.rsqrt(jnp.maximum(deg, 1e-12)), 0.0)
    norm = dinv[s] * dinv[d]
    h = x @ W
    msg = h[s] * norm[:, None]
    out = jnp.zeros((N, W.shape[1]), jnp.float32).at[d].add(msg)
    return out + b

def _layernorm(h, g, be):
    mu = jnp.mean(h, axis=-1, keepdims=True)
    var = jnp.mean((h - mu) ** 2, axis=-1, keepdims=True)
    return (h - mu) / jnp.sqrt(var + 1e-5) * g + be

def reference(x, edge_index, W0, b0, g0, be0, W1, b1, g1, be1, W2, b2, g2, be2, Wl, bl):
    src, dst = edge_index[0], edge_index[1]
    h = x
    for (W, b, g, be) in ((W0, b0, g0, be0), (W1, b1, g1, be1), (W2, b2, g2, be2)):
        h = _gcn_conv(h, src, dst, W, b)
        h = _layernorm(h, g, be)
        h = jax.nn.relu(h)  # dropout p=0.5 is identity in eval mode
    return h @ Wl + bl

if __name__ == "__main__":
    import jax
    _d = setup_inputs()
    print(jax.jit(kernel)(*tuple(_d.values())))

</pallas_src>

<mosaic_0001>
#map = affine_map<(d0, d1) -> (0, 0, 0)>
#map1 = affine_map<(d0, d1) -> (0, 0)>
module attributes {stable_mosaic.version = 14 : i64} {
  func.func @_deg_kernel(%arg0: i32, %arg1: i32, %arg2: memref<32x100x100xi32, #tpu.memory_space<hbm>>, %arg3: memref<100x8xf32, #tpu.memory_space<hbm>>, %arg4: memref<640x8xf32, #tpu.memory_space<hbm>>, %arg5: memref<2x10240x8xf32, #tpu.memory_space<hbm>>, %arg6: memref<100x100xi32, #tpu.memory_space<vmem>>, %arg7: memref<100x8xf32, #tpu.memory_space<vmem>>, %arg8: memref<10240x8xf32, #tpu.memory_space<vmem_shared>>) attributes {dimension_semantics = [#tpu.dimension_semantics<core_parallel>, #tpu.dimension_semantics<subcore_parallel>], iteration_bounds = array<i64: 2, 16>, scalar_prefetch = 0 : i64, scratch_operands = 3 : i64, tpu.core_type = #tpu.core_type<sc_vector_subcore>, window_params = [{transform_indices = #map}, {transform_indices = #map1}, {transform_indices = #map1}, {transform_indices = #map}]} {
    %mul3A = arith.constant 2 : i32
    %mul3A_0 = arith.muli %arg1, %mul3A : i32
    %add3A = arith.addi %mul3A_0, %arg0 : i32
    "tpu.region"() ({
      %run_scoped3A = tpu.sem_alloc : memref<!tpu.dma_semaphore, #tpu.memory_space<semaphore_mem>>
      %dma_start3A = arith.constant 0 : i32
      %dma_start3A_12 = arith.constant 0 : i32
      %dma_start3A_13 = tpu.memref_slice %arg2[%add3A, %dma_start3A, %dma_start3A_12] : memref<32x100x100xi32, #tpu.memory_space<hbm>> -> memref<1x100x100xi32, #tpu.memory_space<hbm>>
      %dma_start3A_14 = tpu.memref_squeeze %dma_start3A_13 : memref<1x100x100xi32, #tpu.memory_space<hbm>> -> memref<100x100xi32, #tpu.memory_space<hbm>>
      %dma_start3A_15 = arith.constant 0 : i32
      %dma_start3A_16 = arith.constant 0 : i32
      %dma_start3A_17 = tpu.memref_slice %arg2[%add3A, %dma_start3A_15, %dma_start3A_16] : memref<32x100x100xi32, #tpu.memory_space<hbm>> -> memref<1x100x100xi32, #tpu.memory_space<hbm>>
      %dma_start3A_18 = tpu.memref_squeeze %dma_start3A_17 : memref<1x100x100xi32, #tpu.memory_space<hbm>> -> memref<100x100xi32, #tpu.memory_space<hbm>>
      tpu.enqueue_dma source(%dma_start3A_18 : memref<100x100xi32, #tpu.memory_space<hbm>>) target(%arg6 : memref<100x100xi32, #tpu.memory_space<vmem>>) target_semaphore(%run_scoped3A : memref<!tpu.dma_semaphore, #tpu.memory_space<semaphore_mem>>)
      %dma_wait3A = arith.constant 0 : i32
      %dma_wait3A_19 = arith.constant 0 : i32
      %dma_wait3A_20 = tpu.memref_slice %arg2[%add3A, %dma_wait3A, %dma_wait3A_19] : memref<32x100x100xi32, #tpu.memory_space<hbm>> -> memref<1x100x100xi32, #tpu.memory_space<hbm>>
      %dma_wait3A_21 = tpu.memref_squeeze %dma_wait3A_20 : memref<1x100x100xi32, #tpu.memory_space<hbm>> -> memref<100x100xi32, #tpu.memory_space<hbm>>
      %dma_wait3A_22 = arith.constant 0 : i32
      %dma_wait3A_23 = arith.constant 0 : i32
      %dma_wait3A_24 = tpu.memref_slice %arg2[%add3A, %dma_wait3A_22, %dma_wait3A_23] : memref<32x100x100xi32, #tpu.memory_space<hbm>> -> memref<1x100x100xi32, #tpu.memory_space<hbm>>
      %dma_wait3A_25 = tpu.memref_squeeze %dma_wait3A_24 : memref<1x100x100xi32, #tpu.memory_space<hbm>> -> memref<100x100xi32, #tpu.memory_space<hbm>>
      tpu.wait_dma2 semaphore(%run_scoped3A : memref<!tpu.dma_semaphore, #tpu.memory_space<semaphore_mem>>) src(%dma_wait3A_25 : memref<100x100xi32, #tpu.memory_space<hbm>>) dst(%arg6 : memref<100x100xi32, #tpu.memory_space<vmem>>)
      tpu.yield
    }) : () -> ()
    "tpu.region"() ({
      %run_scoped3A = tpu.sem_alloc : memref<!tpu.dma_semaphore, #tpu.memory_space<semaphore_mem>>
      tpu.enqueue_dma source(%arg3 : memref<100x8xf32, #tpu.memory_space<hbm>>) target(%arg7 : memref<100x8xf32, #tpu.memory_space<vmem>>) target_semaphore(%run_scoped3A : memref<!tpu.dma_semaphore, #tpu.memory_space<semaphore_mem>>)
      tpu.wait_dma2 semaphore(%run_scoped3A : memref<!tpu.dma_semaphore, #tpu.memory_space<semaphore_mem>>) src(%arg3 : memref<100x8xf32, #tpu.memory_space<hbm>>) dst(%arg7 : memref<100x8xf32, #tpu.memory_space<vmem>>)
      tpu.yield
    }) : () -> ()
    %mul3A_1 = arith.constant 640 : i32
    %mul3A_2 = arith.muli %arg1, %mul3A_1 : i32
    "tpu.region"() ({
      %run_scoped3A = tpu.sem_alloc : memref<!tpu.dma_semaphore, #tpu.memory_space<semaphore_mem>>
      %dma_start3A = arith.constant 0 : i32
      %dma_start3A_12 = tpu.memref_slice %arg8[%mul3A_2, %dma_start3A] : memref<10240x8xf32, #tpu.memory_space<vmem_shared>> -> memref<640x8xf32, #tpu.memory_space<vmem_shared>>
      tpu.enqueue_dma source(%arg4 : memref<640x8xf32, #tpu.memory_space<hbm>>) target(%dma_start3A_12 : memref<640x8xf32, #tpu.memory_space<vmem_shared>>) target_semaphore(%run_scoped3A : memref<!tpu.dma_semaphore, #tpu.memory_space<semaphore_mem>>)
      %dma_wait3A = arith.constant 0 : i32
      %dma_wait3A_13 = tpu.memref_slice %arg8[%mul3A_2, %dma_wait3A] : memref<10240x8xf32, #tpu.memory_space<vmem_shared>> -> memref<640x8xf32, #tpu.memory_space<vmem_shared>>
      tpu.wait_dma2 semaphore(%run_scoped3A : memref<!tpu.dma_semaphore, #tpu.memory_space<semaphore_mem>>) src(%arg4 : memref<640x8xf32, #tpu.memory_space<hbm>>) dst(%dma_wait3A_13 : memref<640x8xf32, #tpu.memory_space<vmem_shared>>)
      tpu.yield
    }) : () -> ()
    %barrier3A = arith.constant 0 : index
    tpu.barrier barrier_id(%barrier3A)
    %scan3A = arith.constant 0 : i32
    %scan3A_3 = arith.constant 100 : i32
    %scan3A_4 = arith.addi %scan3A, %scan3A_3 : i32
    %scan3A_5 = arith.constant 1 : i32
    scf.for %scan3A_12 = %scan3A to %scan3A_4 step %scan3A_5  : i32 {
      "tpu.region"() ({
        %run_scoped3A = tpu.sem_alloc : memref<!tpu.dma_semaphore, #tpu.memory_space<semaphore_mem>>
        %dma_start3A = arith.constant 0 : i32
        %dma_start3A_13 = tpu.memref_slice %arg6[%scan3A_12, %dma_start3A] : memref<100x100xi32, #tpu.memory_space<vmem>> -> memref<1x100xi32, #tpu.memory_space<vmem>>
        %dma_start3A_14 = tpu.memref_squeeze %dma_start3A_13 : memref<1x100xi32, #tpu.memory_space<vmem>> -> memref<100xi32, #tpu.memory_space<vmem>>
        %dma_start3A_15 = arith.constant 0 : i32
        %dma_start3A_16 = arith.constant 0 : i32
        %dma_start3A_17 = tpu.memref_slice %arg8[%dma_start3A_15, %dma_start3A_16] : memref<10240x8xf32, #tpu.memory_space<vmem_shared>> -> memref<10240x8xf32, #tpu.memory_space<vmem_shared>>
        tpu.enqueue_indirect_dma source(%arg7 : memref<100x8xf32, #tpu.memory_space<vmem>>) target(%dma_start3A_17 : memref<10240x8xf32, #tpu.memory_space<vmem_shared>>) offsets(%dma_start3A_14 : memref<100xi32, #tpu.memory_space<vmem>>) semaphore(%run_scoped3A : memref<!tpu.dma_semaphore, #tpu.memory_space<semaphore_mem>>) {add = true}
        %dma_wait3A = arith.constant 0 : i32
        %dma_wait3A_18 = tpu.memref_slice %arg6[%scan3A_12, %dma_wait3A] : memref<100x100xi32, #tpu.memory_space<vmem>> -> memref<1x100xi32, #tpu.memory_space<vmem>>
        %dma_wait3A_19 = tpu.memref_squeeze %dma_wait3A_18 : memref<1x100xi32, #tpu.memory_space<vmem>> -> memref<100xi32, #tpu.memory_space<vmem>>
        %dma_wait3A_20 = arith.constant 0 : i32
        %dma_wait3A_21 = arith.constant 0 : i32
        %dma_wait3A_22 = tpu.memref_slice %arg8[%dma_wait3A_20, %dma_wait3A_21] : memref<10240x8xf32, #tpu.memory_space<vmem_shared>> -> memref<10240x8xf32, #tpu.memory_space<vmem_shared>>
        tpu.wait_indirect_dma semaphore(%run_scoped3A : memref<!tpu.dma_semaphore, #tpu.memory_space<semaphore_mem>>) src(%arg7 : memref<100x8xf32, #tpu.memory_space<vmem>>) dst(%dma_wait3A_22 : memref<10240x8xf32, #tpu.memory_space<vmem_shared>>)
        tpu.yield
      }) : () -> ()
    }
    %scan3A_6 = arith.constant 100 : i32
    %barrier3A_7 = arith.constant 0 : index
    tpu.barrier barrier_id(%barrier3A_7)
    %mul3A_8 = arith.constant 640 : i32
    %mul3A_9 = arith.muli %arg1, %mul3A_8 : i32
    %mul3A_10 = arith.constant 640 : i32
    %mul3A_11 = arith.muli %arg1, %mul3A_10 : i32
    "tpu.region"() ({
      %run_scoped3A = tpu.sem_alloc : memref<!tpu.dma_semaphore, #tpu.memory_space<semaphore_mem>>
      %dma_start3A = arith.constant 0 : i32
      %dma_start3A_12 = tpu.memref_slice %arg5[%arg0, %mul3A_11, %dma_start3A] : memref<2x10240x8xf32, #tpu.memory_space<hbm>> -> memref<1x640x8xf32, #tpu.memory_space<hbm>>
      %dma_start3A_13 = tpu.memref_squeeze %dma_start3A_12 : memref<1x640x8xf32, #tpu.memory_space<hbm>> -> memref<640x8xf32, #tpu.memory_space<hbm>>
      %dma_start3A_14 = arith.constant 0 : i32
      %dma_start3A_15 = tpu.memref_slice %arg8[%mul3A_9, %dma_start3A_14] : memref<10240x8xf32, #tpu.memory_space<vmem_shared>> -> memref<640x8xf32, #tpu.memory_space<vmem_shared>>
      tpu.enqueue_dma source(%dma_start3A_15 : memref<640x8xf32, #tpu.memory_space<vmem_shared>>) target(%dma_start3A_13 : memref<640x8xf32, #tpu.memory_space<hbm>>) target_semaphore(%run_scoped3A : memref<!tpu.dma_semaphore, #tpu.memory_space<semaphore_mem>>)
      %dma_wait3A = arith.constant 0 : i32
      %dma_wait3A_16 = tpu.memref_slice %arg5[%arg0, %mul3A_11, %dma_wait3A] : memref<2x10240x8xf32, #tpu.memory_space<hbm>> -> memref<1x640x8xf32, #tpu.memory_space<hbm>>
      %dma_wait3A_17 = tpu.memref_squeeze %dma_wait3A_16 : memref<1x640x8xf32, #tpu.memory_space<hbm>> -> memref<640x8xf32, #tpu.memory_space<hbm>>
      %dma_wait3A_18 = arith.constant 0 : i32
      %dma_wait3A_19 = tpu.memref_slice %arg8[%mul3A_9, %dma_wait3A_18] : memref<10240x8xf32, #tpu.memory_space<vmem_shared>> -> memref<640x8xf32, #tpu.memory_space<vmem_shared>>
      tpu.wait_dma2 semaphore(%run_scoped3A : memref<!tpu.dma_semaphore, #tpu.memory_space<semaphore_mem>>) src(%dma_wait3A_19 : memref<640x8xf32, #tpu.memory_space<vmem_shared>>) dst(%dma_wait3A_17 : memref<640x8xf32, #tpu.memory_space<hbm>>)
      tpu.yield
    }) : () -> ()
    return
  }
}

#map = affine_map<(d0, d1) -> (0, 0, 0)>
#map1 = affine_map<(d0, d1) -> (0, 0)>
module attributes {stable_mosaic.version = 14 : i64} {
  func.func @_agg_kernel(%arg0: i32, %arg1: i32, %arg2: memref<2x10000x64xf32, #tpu.memory_space<hbm>>, %arg3: memref<16x160x128xi32, #tpu.memory_space<hbm>>, %arg4: memref<16x160x128xi32, #tpu.memory_space<hbm>>, %arg5: memref<640x64xf32, #tpu.memory_space<hbm>>, %arg6: memref<2x10240x64xf32, #tpu.memory_space<hbm>>, %arg7: memref<160x128xi32, #tpu.memory_space<vmem>>, %arg8: memref<160x128xi32, #tpu.memory_space<vmem>>, %arg9: memref<128x64xf32, #tpu.memory_space<vmem>>, %arg10: memref<128x64xf32, #tpu.memory_space<vmem>>, %arg11: memref<128x64xf32, #tpu.memory_space<vmem>>, %arg12: memref<128x64xf32, #tpu.memory_space<vmem>>, %arg13: memref<!tpu.dma_semaphore, #tpu.memory_space<semaphore_mem>>, %arg14: memref<!tpu.dma_semaphore, #tpu.memory_space<semaphore_mem>>, %arg15: memref<!tpu.dma_semaphore, #tpu.memory_space<semaphore_mem>>, %arg16: memref<!tpu.dma_semaphore, #tpu.memory_space<semaphore_mem>>, %arg17: memref<!tpu.dma_semaphore, #tpu.memory_space<semaphore_mem>>, %arg18: memref<!tpu.dma_semaphore, #tpu.memory_space<semaphore_mem>>, %arg19: memref<!tpu.dma_semaphore, #tpu.memory_space<semaphore_mem>>, %arg20: memref<!tpu.dma_semaphore, #tpu.memory_space<semaphore_mem>>, %arg21: memref<10240x64xf32, #tpu.memory_space<vmem_shared>>) attributes {dimension_semantics = [#tpu.dimension_semantics<core_parallel>, #tpu.dimension_semantics<subcore_parallel>], iteration_bounds = array<i64: 2, 16>, scalar_prefetch = 0 : i64, scratch_operands = 15 : i64, tpu.core_type = #tpu.core_type<sc_vector_subcore>, window_params = [{transform_indices = #map}, {transform_indices = #map}, {transform_indices = #map}, {transform_indices = #map1}, {transform_indices = #map}]} {
    "tpu.region"() ({
      %run_scoped3A = tpu.sem_alloc : memref<!tpu.dma_semaphore, #tpu.memory_space<semaphore_mem>>
      %dma_start3A_152 = arith.constant 0 : i32
      %dma_start3A_153 = arith.constant 0 : i32
      %dma_start3A_154 = tpu.memref_slice %arg3[%arg1, %dma_start3A_152, %dma_start3A_153] : memref<16x160x128xi32, #tpu.memory_space<hbm>> -> memref<1x160x128xi32, #tpu.memory_space<hbm>>
      %dma_start3A_155 = tpu.memref_squeeze %dma_start3A_154 : memref<1x160x128xi32, #tpu.memory_space<hbm>> -> memref<160x128xi32, #tpu.memory_space<hbm>>
      %dma_start3A_156 = arith.constant 0 : i32
      %dma_start3A_157 = arith.constant 0 : i32
      %dma_start3A_158 = tpu.memref_slice %arg3[%arg1, %dma_start3A_156, %dma_start3A_157] : memref<16x160x128xi32, #tpu.memory_space<hbm>> -> memref<1x160x128xi32, #tpu.memory_space<hbm>>
      %dma_start3A_159 = tpu.memref_squeeze %dma_start3A_158 : memref<1x160x128xi32, #tpu.memory_space<hbm>> -> memref<160x128xi32, #tpu.memory_space<hbm>>
      tpu.enqueue_dma source(%dma_start3A_159 : memref<160x128xi32, #tpu.memory_space<hbm>>) target(%arg7 : memref<160x128xi32, #tpu.memory_space<vmem>>) target_semaphore(%run_scoped3A : memref<!tpu.dma_semaphore, #tpu.memory_space<semaphore_mem>>)
      %dma_wait3A_160 = arith.constant 0 : i32
      %dma_wait3A_161 = arith.constant 0 : i32
      %dma_wait3A_162 = tpu.memref_slice %arg3[%arg1, %dma_wait3A_160, %dma_wait3A_161] : memref<16x160x128xi32, #tpu.memory_space<hbm>> -> memref<1x160x128xi32, #tpu.memory_space<hbm>>
      %dma_wait3A_163 = tpu.memref_squeeze %dma_wait3A_162 : memref<1x160x128xi32, #tpu.memory_space<hbm>> -> memref<160x128xi32, #tpu.memory_space<hbm>>
      %dma_wait3A_164 = arith.constant 0 : i32
      %dma_wait3A_165 = arith.constant 0 : i32
      %dma_wait3A_166 = tpu.memref_slice %arg3[%arg1, %dma_wait3A_164, %dma_wait3A_165] : memref<16x160x128xi32, #tpu.memory_space<hbm>> -> memref<1x160x128xi32, #tpu.memory_space<hbm>>
      %dma_wait3A_167 = tpu.memref_squeeze %dma_wait3A_166 : memref<1x160x128xi32, #tpu.memory_space<hbm>> -> memref<160x128xi32, #tpu.memory_space<hbm>>
      tpu.wait_dma2 semaphore(%run_scoped3A : memref<!tpu.dma_semaphore, #tpu.memory_space<semaphore_mem>>) src(%dma_wait3A_167 : memref<160x128xi32, #tpu.memory_space<hbm>>) dst(%arg7 : memref<160x128xi32, #tpu.memory_space<vmem>>)
      tpu.yield
    }) : () -> ()
    "tpu.region"() ({
      %run_scoped3A = tpu.sem_alloc : memref<!tpu.dma_semaphore, #tpu.memory_space<semaphore_mem>>
      %dma_start3A_152 = arith.constant 0 : i32
      %dma_start3A_153 = arith.constant 0 : i32
      %dma_start3A_154 = tpu.memref_slice %arg4[%arg1, %dma_start3A_152, %dma_start3A_153] : memref<16x160x128xi32, #tpu.memory_space<hbm>> -> memref<1x160x128xi32, #tpu.memory_space<hbm>>
      %dma_start3A_155 = tpu.memref_squeeze %dma_start3A_154 : memref<1x160x128xi32, #tpu.memory_space<hbm>> -> memref<160x128xi32, #tpu.memory_space<hbm>>
      %dma_start3A_156 = arith.constant 0 : i32
      %dma_start3A_157 = arith.constant 0 : i32
      %dma_start3A_158 = tpu.memref_slice %arg4[%arg1, %dma_start3A_156, %dma_start3A_157] : memref<16x160x128xi32, #tpu.memory_space<hbm>> -> memref<1x160x128xi32, #tpu.memory_space<hbm>>
      %dma_start3A_159 = tpu.memref_squeeze %dma_start3A_158 : memref<1x160x128xi32, #tpu.memory_space<hbm>> -> memref<160x128xi32, #tpu.memory_space<hbm>>
      tpu.enqueue_dma source(%dma_start3A_159 : memref<160x128xi32, #tpu.memory_space<hbm>>) target(%arg8 : memref<160x128xi32, #tpu.memory_space<vmem>>) target_semaphore(%run_scoped3A : memref<!tpu.dma_semaphore, #tpu.memory_space<semaphore_mem>>)
      %dma_wait3A_160 = arith.constant 0 : i32
      %dma_wait3A_161 = arith.constant 0 : i32
      %dma_wait3A_162 = tpu.memref_slice %arg4[%arg1, %dma_wait3A_160, %dma_wait3A_161] : memref<16x160x128xi32, #tpu.memory_space<hbm>> -> memref<1x160x128xi32, #tpu.memory_space<hbm>>
      %dma_wait3A_163 = tpu.memref_squeeze %dma_wait3A_162 : memref<1x160x128xi32, #tpu.memory_space<hbm>> -> memref<160x128xi32, #tpu.memory_space<hbm>>
      %dma_wait3A_164 = arith.constant 0 : i32
      %dma_wait3A_165 = arith.constant 0 : i32
      %dma_wait3A_166 = tpu.memref_slice %arg4[%arg1, %dma_wait3A_164, %dma_wait3A_165] : memref<16x160x128xi32, #tpu.memory_space<hbm>> -> memref<1x160x128xi32, #tpu.memory_space<hbm>>
      %dma_wait3A_167 = tpu.memref_squeeze %dma_wait3A_166 : memref<1x160x128xi32, #tpu.memory_space<hbm>> -> memref<160x128xi32, #tpu.memory_space<hbm>>
      tpu.wait_dma2 semaphore(%run_scoped3A : memref<!tpu.dma_semaphore, #tpu.memory_space<semaphore_mem>>) src(%dma_wait3A_167 : memref<160x128xi32, #tpu.memory_space<hbm>>) dst(%arg8 : memref<160x128xi32, #tpu.memory_space<vmem>>)
      tpu.yield
    }) : () -> ()
    %mul3A = arith.constant 640 : i32
    %mul3A_0 = arith.muli %arg1, %mul3A : i32
    "tpu.region"() ({
      %run_scoped3A = tpu.sem_alloc : memref<!tpu.dma_semaphore, #tpu.memory_space<semaphore_mem>>
      %dma_start3A_152 = arith.constant 0 : i32
      %dma_start3A_153 = tpu.memref_slice %arg21[%mul3A_0, %dma_start3A_152] : memref<10240x64xf32, #tpu.memory_space<vmem_shared>> -> memref<640x64xf32, #tpu.memory_space<vmem_shared>>
      tpu.enqueue_dma source(%arg5 : memref<640x64xf32, #tpu.memory_space<hbm>>) target(%dma_start3A_153 : memref<640x64xf32, #tpu.memory_space<vmem_shared>>) target_semaphore(%run_scoped3A : memref<!tpu.dma_semaphore, #tpu.memory_space<semaphore_mem>>)
      %dma_wait3A_154 = arith.constant 0 : i32
      %dma_wait3A_155 = tpu.memref_slice %arg21[%mul3A_0, %dma_wait3A_154] : memref<10240x64xf32, #tpu.memory_space<vmem_shared>> -> memref<640x64xf32, #tpu.memory_space<vmem_shared>>
      tpu.wait_dma2 semaphore(%run_scoped3A : memref<!tpu.dma_semaphore, #tpu.memory_space<semaphore_mem>>) src(%arg5 : memref<640x64xf32, #tpu.memory_space<hbm>>) dst(%dma_wait3A_155 : memref<640x64xf32, #tpu.memory_space<vmem_shared>>)
      tpu.yield
    }) : () -> ()
    %barrier3A = arith.constant 0 : index
    tpu.barrier barrier_id(%barrier3A)
    %dma_start3A = arith.constant 0 : i32
    %dma_start3A_1 = arith.constant 0 : i32
    %dma_start3A_2 = tpu.memref_slice %arg7[%dma_start3A, %dma_start3A_1] : memref<160x128xi32, #tpu.memory_space<vmem>> -> memref<1x128xi32, #tpu.memory_space<vmem>>
    %dma_start3A_3 = tpu.memref_squeeze %dma_start3A_2 : memref<1x128xi32, #tpu.memory_space<vmem>> -> memref<128xi32, #tpu.memory_space<vmem>>
    %dma_start3A_4 = arith.constant 0 : i32
    %dma_start3A_5 = arith.constant 0 : i32
    %dma_start3A_6 = tpu.memref_slice %arg2[%arg0, %dma_start3A_4, %dma_start3A_5] : memref<2x10000x64xf32, #tpu.memory_space<hbm>> -> memref<1x10000x64xf32, #tpu.memory_space<hbm>>
    %dma_start3A_7 = tpu.memref_squeeze %dma_start3A_6 : memref<1x10000x64xf32, #tpu.memory_space<hbm>> -> memref<10000x64xf32, #tpu.memory_space<hbm>>
    %dma_start3A_8 = arith.constant 0 : i32
    %dma_start3A_9 = arith.constant 0 : i32
    %dma_start3A_10 = tpu.memref_slice %dma_start3A_7[%dma_start3A_8, %dma_start3A_9] : memref<10000x64xf32, #tpu.memory_space<hbm>> -> memref<10000x64xf32, #tpu.memory_space<hbm>>
    tpu.enqueue_indirect_dma source(%dma_start3A_10 : memref<10000x64xf32, #tpu.memory_space<hbm>>) target(%arg9 : memref<128x64xf32, #tpu.memory_space<vmem>>) offsets(%dma_start3A_3 : memref<128xi32, #tpu.memory_space<vmem>>) semaphore(%arg13 : memref<!tpu.dma_semaphore, #tpu.memory_space<semaphore_mem>>)
    %dma_start3A_11 = arith.constant 1 : i32
    %dma_start3A_12 = arith.constant 0 : i32
    %dma_start3A_13 = tpu.memref_slice %arg7[%dma_start3A_11, %dma_start3A_12] : memref<160x128xi32, #tpu.memory_space<vmem>> -> memref<1x128xi32, #tpu.memory_space<vmem>>
    %dma_start3A_14 = tpu.memref_squeeze %dma_start3A_13 : memref<1x128xi32, #tpu.memory_space<vmem>> -> memref<128xi32, #tpu.memory_space<vmem>>
    %dma_start3A_15 = arith.constant 0 : i32
    %dma_start3A_16 = arith.constant 0 : i32
    %dma_start3A_17 = tpu.memref_slice %arg2[%arg0, %dma_start3A_15, %dma_start3A_16] : memref<2x10000x64xf32, #tpu.memory_space<hbm>> -> memref<1x10000x64xf32, #tpu.memory_space<hbm>>
    %dma_start3A_18 = tpu.memref_squeeze %dma_start3A_17 : memref<1x10000x64xf32, #tpu.memory_space<hbm>> -> memref<10000x64xf32, #tpu.memory_space<hbm>>
    %dma_start3A_19 = arith.constant 0 : i32
    %dma_start3A_20 = arith.constant 0 : i32
    %dma_start3A_21 = tpu.memref_slice %dma_start3A_18[%dma_start3A_19, %dma_start3A_20] : memref<10000x64xf32, #tpu.memory_space<hbm>> -> memref<10000x64xf32, #tpu.memory_space<hbm>>
    tpu.enqueue_indirect_dma source(%dma_start3A_21 : memref<10000x64xf32, #tpu.memory_space<hbm>>) target(%arg10 : memref<128x64xf32, #tpu.memory_space<vmem>>) offsets(%dma_start3A_14 : memref<128xi32, #tpu.memory_space<vmem>>) semaphore(%arg14 : memref<!tpu.dma_semaphore, #tpu.memory_space<semaphore_mem>>)
    %dma_start3A_22 = arith.constant 2 : i32
    %dma_start3A_23 = arith.constant 0 : i32
    %dma_start3A_24 = tpu.memref_slice %arg7[%dma_start3A_22, %dma_start3A_23] : memref<160x128xi32, #tpu.memory_space<vmem>> -> memref<1x128xi32, #tpu.memory_space<vmem>>
    %dma_start3A_25 = tpu.memref_squeeze %dma_start3A_24 : memref<1x128xi32, #tpu.memory_space<vmem>> -> memref<128xi32, #tpu.memory_space<vmem>>
    %dma_start3A_26 = arith.constant 0 : i32
    %dma_start3A_27 = arith.constant 0 : i32
    %dma_start3A_28 = tpu.memref_slice %arg2[%arg0, %dma_start3A_26, %dma_start3A_27] : memref<2x10000x64xf32, #tpu.memory_space<hbm>> -> memref<1x10000x64xf32, #tpu.memory_space<hbm>>
    %dma_start3A_29 = tpu.memref_squeeze %dma_start3A_28 : memref<1x10000x64xf32, #tpu.memory_space<hbm>> -> memref<10000x64xf32, #tpu.memory_space<hbm>>
    %dma_start3A_30 = arith.constant 0 : i32
    %dma_start3A_31 = arith.constant 0 : i32
    %dma_start3A_32 = tpu.memref_slice %dma_start3A_29[%dma_start3A_30, %dma_start3A_31] : memref<10000x64xf32, #tpu.memory_space<hbm>> -> memref<10000x64xf32, #tpu.memory_space<hbm>>
    tpu.enqueue_indirect_dma source(%dma_start3A_32 : memref<10000x64xf32, #tpu.memory_space<hbm>>) target(%arg11 : memref<128x64xf32, #tpu.memory_space<vmem>>) offsets(%dma_start3A_25 : memref<128xi32, #tpu.memory_space<vmem>>) semaphore(%arg15 : memref<!tpu.dma_semaphore, #tpu.memory_space<semaphore_mem>>)
    %dma_start3A_33 = arith.constant 3 : i32
    %dma_start3A_34 = arith.constant 0 : i32
    %dma_start3A_35 = tpu.memref_slice %arg7[%dma_start3A_33, %dma_start3A_34] : memref<160x128xi32, #tpu.memory_space<vmem>> -> memref<1x128xi32, #tpu.memory_space<vmem>>
    %dma_start3A_36 = tpu.memref_squeeze %dma_start3A_35 : memref<1x128xi32, #tpu.memory_space<vmem>> -> memref<128xi32, #tpu.memory_space<vmem>>
    %dma_start3A_37 = arith.constant 0 : i32
    %dma_start3A_38 = arith.constant 0 : i32
    %dma_start3A_39 = tpu.memref_slice %arg2[%arg0, %dma_start3A_37, %dma_start3A_38] : memref<2x10000x64xf32, #tpu.memory_space<hbm>> -> memref<1x10000x64xf32, #tpu.memory_space<hbm>>
    %dma_start3A_40 = tpu.memref_squeeze %dma_start3A_39 : memref<1x10000x64xf32, #tpu.memory_space<hbm>> -> memref<10000x64xf32, #tpu.memory_space<hbm>>
    %dma_start3A_41 = arith.constant 0 : i32
    %dma_start3A_42 = arith.constant 0 : i32
    %dma_start3A_43 = tpu.memref_slice %dma_start3A_40[%dma_start3A_41, %dma_start3A_42] : memref<10000x64xf32, #tpu.memory_space<hbm>> -> memref<10000x64xf32, #tpu.memory_space<hbm>>
    tpu.enqueue_indirect_dma source(%dma_start3A_43 : memref<10000x64xf32, #tpu.memory_space<hbm>>) target(%arg12 : memref<128x64xf32, #tpu.memory_space<vmem>>) offsets(%dma_start3A_36 : memref<128xi32, #tpu.memory_space<vmem>>) semaphore(%arg16 : memref<!tpu.dma_semaphore, #tpu.memory_space<semaphore_mem>>)
    %scan3A = arith.constant 0 : i32
    %scan3A_44 = arith.constant 39 : i32
    %scan3A_45 = arith.addi %scan3A, %scan3A_44 : i32
    %scan3A_46 = arith.constant 1 : i32
    scf.for %scan3A_152 = %scan3A to %scan3A_45 step %scan3A_46  : i32 {
      %mul3A_153 = arith.constant 4 : i32
      %mul3A_154 = arith.muli %mul3A_153, %scan3A_152 : i32
      %add3A = arith.constant 0 : i32
      %add3A_155 = arith.addi %mul3A_154, %add3A : i32
      %dma_wait3A_156 = arith.constant 0 : i32
      %dma_wait3A_157 = tpu.memref_slice %arg7[%add3A_155, %dma_wait3A_156] : memref<160x128xi32, #tpu.memory_space<vmem>> -> memref<1x128xi32, #tpu.memory_space<vmem>>
      %dma_wait3A_158 = tpu.memref_squeeze %dma_wait3A_157 : memref<1x128xi32, #tpu.memory_space<vmem>> -> memref<128xi32, #tpu.memory_space<vmem>>
      %dma_wait3A_159 = arith.constant 0 : i32
      %dma_wait3A_160 = arith.constant 0 : i32
      %dma_wait3A_161 = tpu.memref_slice %arg2[%arg0, %dma_wait3A_159, %dma_wait3A_160] : memref<2x10000x64xf32, #tpu.memory_space<hbm>> -> memref<1x10000x64xf32, #tpu.memory_space<hbm>>
      %dma_wait3A_162 = tpu.memref_squeeze %dma_wait3A_161 : memref<1x10000x64xf32, #tpu.memory_space<hbm>> -> memref<10000x64xf32, #tpu.memory_space<hbm>>
      %dma_wait3A_163 = arith.constant 0 : i32
      %dma_wait3A_164 = arith.constant 0 : i32
      %dma_wait3A_165 = tpu.memref_slice %dma_wait3A_162[%dma_wait3A_163, %dma_wait3A_164] : memref<10000x64xf32, #tpu.memory_space<hbm>> -> memref<10000x64xf32, #tpu.memory_space<hbm>>
      tpu.wait_indirect_dma semaphore(%arg13 : memref<!tpu.dma_semaphore, #tpu.memory_space<semaphore_mem>>) src(%dma_wait3A_165 : memref<10000x64xf32, #tpu.memory_space<hbm>>) dst(%arg9 : memref<128x64xf32, #tpu.memory_space<vmem>>)
      %dma_start3A_166 = arith.constant 0 : i32
      %dma_start3A_167 = tpu.memref_slice %arg8[%add3A_155, %dma_start3A_166] : memref<160x128xi32, #tpu.memory_space<vmem>> -> memref<1x128xi32, #tpu.memory_space<vmem>>
      %dma_start3A_168 = tpu.memref_squeeze %dma_start3A_167 : memref<1x128xi32, #tpu.memory_space<vmem>> -> memref<128xi32, #tpu.memory_space<vmem>>
      %dma_start3A_169 = arith.constant 0 : i32
      %dma_start3A_170 = arith.constant 0 : i32
      %dma_start3A_171 = tpu.memref_slice %arg21[%dma_start3A_169, %dma_start3A_170] : memref<10240x64xf32, #tpu.memory_space<vmem_shared>> -> memref<10240x64xf32, #tpu.memory_space<vmem_shared>>
      tpu.enqueue_indirect_dma source(%arg9 : memref<128x64xf32, #tpu.memory_space<vmem>>) target(%dma_start3A_171 : memref<10240x64xf32, #tpu.memory_space<vmem_shared>>) offsets(%dma_start3A_168 : memref<128xi32, #tpu.memory_space<vmem>>) semaphore(%arg17 : memref<!tpu.dma_semaphore, #tpu.memory_space<semaphore_mem>>) {add = true}
      %mul3A_172 = arith.constant 4 : i32
      %mul3A_173 = arith.muli %mul3A_172, %scan3A_152 : i32
      %add3A_174 = arith.constant 1 : i32
      %add3A_175 = arith.addi %mul3A_173, %add3A_174 : i32
      %dma_wait3A_176 = arith.constant 0 : i32
      %dma_wait3A_177 = tpu.memref_slice %arg7[%add3A_175, %dma_wait3A_176] : memref<160x128xi32, #tpu.memory_space<vmem>> -> memref<1x128xi32, #tpu.memory_space<vmem>>
      %dma_wait3A_178 = tpu.memref_squeeze %dma_wait3A_177 : memref<1x128xi32, #tpu.memory_space<vmem>> -> memref<128xi32, #tpu.memory_space<vmem>>
      %dma_wait3A_179 = arith.constant 0 : i32
      %dma_wait3A_180 = arith.constant 0 : i32
      %dma_wait3A_181 = tpu.memref_slice %arg2[%arg0, %dma_wait3A_179, %dma_wait3A_180] : memref<2x10000x64xf32, #tpu.memory_space<hbm>> -> memref<1x10000x64xf32, #tpu.memory_space<hbm>>
      %dma_wait3A_182 = tpu.memref_squeeze %dma_wait3A_181 : memref<1x10000x64xf32, #tpu.memory_space<hbm>> -> memref<10000x64xf32, #tpu.memory_space<hbm>>
      %dma_wait3A_183 = arith.constant 0 : i32
      %dma_wait3A_184 = arith.constant 0 : i32
      %dma_wait3A_185 = tpu.memref_slice %dma_wait3A_182[%dma_wait3A_183, %dma_wait3A_184] : memref<10000x64xf32, #tpu.memory_space<hbm>> -> memref<10000x64xf32, #tpu.memory_space<hbm>>
      tpu.wait_indirect_dma semaphore(%arg14 : memref<!tpu.dma_semaphore, #tpu.memory_space<semaphore_mem>>) src(%dma_wait3A_185 : memref<10000x64xf32, #tpu.memory_space<hbm>>) dst(%arg10 : memref<128x64xf32, #tpu.memory_space<vmem>>)
      %dma_start3A_186 = arith.constant 0 : i32
      %dma_start3A_187 = tpu.memref_slice %arg8[%add3A_175, %dma_start3A_186] : memref<160x128xi32, #tpu.memory_space<vmem>> -> memref<1x128xi32, #tpu.memory_space<vmem>>
      %dma_start3A_188 = tpu.memref_squeeze %dma_start3A_187 : memref<1x128xi32, #tpu.memory_space<vmem>> -> memref<128xi32, #tpu.memory_space<vmem>>
      %dma_start3A_189 = arith.constant 0 : i32
      %dma_start3A_190 = arith.constant 0 : i32
      %dma_start3A_191 = tpu.memref_slice %arg21[%dma_start3A_189, %dma_start3A_190] : memref<10240x64xf32, #tpu.memory_space<vmem_shared>> -> memref<10240x64xf32, #tpu.memory_space<vmem_shared>>
      tpu.enqueue_indirect_dma source(%arg10 : memref<128x64xf32, #tpu.memory_space<vmem>>) target(%dma_start3A_191 : memref<10240x64xf32, #tpu.memory_space<vmem_shared>>) offsets(%dma_start3A_188 : memref<128xi32, #tpu.memory_space<vmem>>) semaphore(%arg18 : memref<!tpu.dma_semaphore, #tpu.memory_space<semaphore_mem>>) {add = true}
      %mul3A_192 = arith.constant 4 : i32
      %mul3A_193 = arith.muli %mul3A_192, %scan3A_152 : i32
      %add3A_194 = arith.constant 2 : i32
      %add3A_195 = arith.addi %mul3A_193, %add3A_194 : i32
      %dma_wait3A_196 = arith.constant 0 : i32
      %dma_wait3A_197 = tpu.memref_slice %arg7[%add3A_195, %dma_wait3A_196] : memref<160x128xi32, #tpu.memory_space<vmem>> -> memref<1x128xi32, #tpu.memory_space<vmem>>
      %dma_wait3A_198 = tpu.memref_squeeze %dma_wait3A_197 : memref<1x128xi32, #tpu.memory_space<vmem>> -> memref<128xi32, #tpu.memory_space<vmem>>
      %dma_wait3A_199 = arith.constant 0 : i32
      %dma_wait3A_200 = arith.constant 0 : i32
      %dma_wait3A_201 = tpu.memref_slice %arg2[%arg0, %dma_wait3A_199, %dma_wait3A_200] : memref<2x10000x64xf32, #tpu.memory_space<hbm>> -> memref<1x10000x64xf32, #tpu.memory_space<hbm>>
      %dma_wait3A_202 = tpu.memref_squeeze %dma_wait3A_201 : memref<1x10000x64xf32, #tpu.memory_space<hbm>> -> memref<10000x64xf32, #tpu.memory_space<hbm>>
      %dma_wait3A_203 = arith.constant 0 : i32
      %dma_wait3A_204 = arith.constant 0 : i32
      %dma_wait3A_205 = tpu.memref_slice %dma_wait3A_202[%dma_wait3A_203, %dma_wait3A_204] : memref<10000x64xf32, #tpu.memory_space<hbm>> -> memref<10000x64xf32, #tpu.memory_space<hbm>>
      tpu.wait_indirect_dma semaphore(%arg15 : memref<!tpu.dma_semaphore, #tpu.memory_space<semaphore_mem>>) src(%dma_wait3A_205 : memref<10000x64xf32, #tpu.memory_space<hbm>>) dst(%arg11 : memref<128x64xf32, #tpu.memory_space<vmem>>)
      %dma_start3A_206 = arith.constant 0 : i32
      %dma_start3A_207 = tpu.memref_slice %arg8[%add3A_195, %dma_start3A_206] : memref<160x128xi32, #tpu.memory_space<vmem>> -> memref<1x128xi32, #tpu.memory_space<vmem>>
      %dma_start3A_208 = tpu.memref_squeeze %dma_start3A_207 : memref<1x128xi32, #tpu.memory_space<vmem>> -> memref<128xi32, #tpu.memory_space<vmem>>
      %dma_start3A_209 = arith.constant 0 : i32
      %dma_start3A_210 = arith.constant 0 : i32
      %dma_start3A_211 = tpu.memref_slice %arg21[%dma_start3A_209, %dma_start3A_210] : memref<10240x64xf32, #tpu.memory_space<vmem_shared>> -> memref<10240x64xf32, #tpu.memory_space<vmem_shared>>
      tpu.enqueue_indirect_dma source(%arg11 : memref<128x64xf32, #tpu.memory_space<vmem>>) target(%dma_start3A_211 : memref<10240x64xf32, #tpu.memory_space<vmem_shared>>) offsets(%dma_start3A_208 : memref<128xi32, #tpu.memory_space<vmem>>) semaphore(%arg19 : memref<!tpu.dma_semaphore, #tpu.memory_space<semaphore_mem>>) {add = true}
      %mul3A_212 = arith.constant 4 : i32
      %mul3A_213 = arith.muli %mul3A_212, %scan3A_152 : i32
      %add3A_214 = arith.constant 3 : i32
      %add3A_215 = arith.addi %mul3A_213, %add3A_214 : i32
      %dma_wait3A_216 = arith.constant 0 : i32
      %dma_wait3A_217 = tpu.memref_slice %arg7[%add3A_215, %dma_wait3A_216] : memref<160x128xi32, #tpu.memory_space<vmem>> -> memref<1x128xi32, #tpu.memory_space<vmem>>
      %dma_wait3A_218 = tpu.memref_squeeze %dma_wait3A_217 : memref<1x128xi32, #tpu.memory_space<vmem>> -> memref<128xi32, #tpu.memory_space<vmem>>
      %dma_wait3A_219 = arith.constant 0 : i32
      %dma_wait3A_220 = arith.constant 0 : i32
      %dma_wait3A_221 = tpu.memref_slice %arg2[%arg0, %dma_wait3A_219, %dma_wait3A_220] : memref<2x10000x64xf32, #tpu.memory_space<hbm>> -> memref<1x10000x64xf32, #tpu.memory_space<hbm>>
      %dma_wait3A_222 = tpu.memref_squeeze %dma_wait3A_221 : memref<1x10000x64xf32, #tpu.memory_space<hbm>> -> memref<10000x64xf32, #tpu.memory_space<hbm>>
      %dma_wait3A_223 = arith.constant 0 : i32
      %dma_wait3A_224 = arith.constant 0 : i32
      %dma_wait3A_225 = tpu.memref_slice %dma_wait3A_222[%dma_wait3A_223, %dma_wait3A_224] : memref<10000x64xf32, #tpu.memory_space<hbm>> -> memref<10000x64xf32, #tpu.memory_space<hbm>>
      tpu.wait_indirect_dma semaphore(%arg16 : memref<!tpu.dma_semaphore, #tpu.memory_space<semaphore_mem>>) src(%dma_wait3A_225 : memref<10000x64xf32, #tpu.memory_space<hbm>>) dst(%arg12 : memref<128x64xf32, #tpu.memory_space<vmem>>)
      %dma_start3A_226 = arith.constant 0 : i32
      %dma_start3A_227 = tpu.memref_slice %arg8[%add3A_215, %dma_start3A_226] : memref<160x128xi32, #tpu.memory_space<vmem>> -> memref<1x128xi32, #tpu.memory_space<vmem>>
      %dma_start3A_228 = tpu.memref_squeeze %dma_start3A_227 : memref<1x128xi32, #tpu.memory_space<vmem>> -> memref<128xi32, #tpu.memory_space<vmem>>
      %dma_start3A_229 = arith.constant 0 : i32
      %dma_start3A_230 = arith.constant 0 : i32
      %dma_start3A_231 = tpu.memref_slice %arg21[%dma_start3A_229, %dma_start3A_230] : memref<10240x64xf32, #tpu.memory_space<vmem_shared>> -> memref<10240x64xf32, #tpu.memory_space<vmem_shared>>
      tpu.enqueue_indirect_dma source(%arg12 : memref<128x64xf32, #tpu.memory_space<vmem>>) target(%dma_start3A_231 : memref<10240x64xf32, #tpu.memory_space<vmem_shared>>) offsets(%dma_start3A_228 : memref<128xi32, #tpu.memory_space<vmem>>) semaphore(%arg20 : memref<!tpu.dma_semaphore, #tpu.memory_space<semaphore_mem>>) {add = true}
      %mul3A_232 = arith.constant 4 : i32
      %mul3A_233 = arith.muli %mul3A_232, %scan3A_152 : i32
      %add3A_234 = arith.constant 0 : i32
      %add3A_235 = arith.addi %mul3A_233, %add3A_234 : i32
      %dma_wait3A_236 = arith.constant 0 : i32
      %dma_wait3A_237 = tpu.memref_slice %arg8[%add3A_235, %dma_wait3A_236] : memref<160x128xi32, #tpu.memory_space<vmem>> -> memref<1x128xi32, #tpu.memory_space<vmem>>
      %dma_wait3A_238 = tpu.memref_squeeze %dma_wait3A_237 : memref<1x128xi32, #tpu.memory_space<vmem>> -> memref<128xi32, #tpu.memory_space<vmem>>
      %dma_wait3A_239 = arith.constant 0 : i32
      %dma_wait3A_240 = arith.constant 0 : i32
      %dma_wait3A_241 = tpu.memref_slice %arg21[%dma_wait3A_239, %dma_wait3A_240] : memref<10240x64xf32, #tpu.memory_space<vmem_shared>> -> memref<10240x64xf32, #tpu.memory_space<vmem_shared>>
      tpu.wait_indirect_dma semaphore(%arg17 : memref<!tpu.dma_semaphore, #tpu.memory_space<semaphore_mem>>) src(%arg9 : memref<128x64xf32, #tpu.memory_space<vmem>>) dst(%dma_wait3A_241 : memref<10240x64xf32, #tpu.memory_space<vmem_shared>>)
      %add3A_242 = arith.constant 4 : i32
      %add3A_243 = arith.addi %add3A_235, %add3A_242 : i32
      %dma_start3A_244 = arith.constant 0 : i32
      %dma_start3A_245 = tpu.memref_slice %arg7[%add3A_243, %dma_start3A_244] : memref<160x128xi32, #tpu.memory_space<vmem>> -> memref<1x128xi32, #tpu.memory_space<vmem>>
      %dma_start3A_246 = tpu.memref_squeeze %dma_start3A_245 : memref<1x128xi32, #tpu.memory_space<vmem>> -> memref<128xi32, #tpu.memory_space<vmem>>
      %dma_start3A_247 = arith.constant 0 : i32
      %dma_start3A_248 = arith.constant 0 : i32
      %dma_start3A_249 = tpu.memref_slice %arg2[%arg0, %dma_start3A_247, %dma_start3A_248] : memref<2x10000x64xf32, #tpu.memory_space<hbm>> -> memref<1x10000x64xf32, #tpu.memory_space<hbm>>
      %dma_start3A_250 = tpu.memref_squeeze %dma_start3A_249 : memref<1x10000x64xf32, #tpu.memory_space<hbm>> -> memref<10000x64xf32, #tpu.memory_space<hbm>>
      %dma_start3A_251 = arith.constant 0 : i32
      %dma_start3A_252 = arith.constant 0 : i32
      %dma_start3A_253 = tpu.memref_slice %dma_start3A_250[%dma_start3A_251, %dma_start3A_252] : memref<10000x64xf32, #tpu.memory_space<hbm>> -> memref<10000x64xf32, #tpu.memory_space<hbm>>
      tpu.enqueue_indirect_dma source(%dma_start3A_253 : memref<10000x64xf32, #tpu.memory_space<hbm>>) target(%arg9 : memref<128x64xf32, #tpu.memory_space<vmem>>) offsets(%dma_start3A_246 : memref<128xi32, #tpu.memory_space<vmem>>) semaphore(%arg13 : memref<!tpu.dma_semaphore, #tpu.memory_space<semaphore_mem>>)
      %mul3A_254 = arith.constant 4 : i32
      %mul3A_255 = arith.muli %mul3A_254, %scan3A_152 : i32
      %add3A_256 = arith.constant 1 : i32
      %add3A_257 = arith.addi %mul3A_255, %add3A_256 : i32
      %dma_wait3A_258 = arith.constant 0 : i32
      %dma_wait3A_259 = tpu.memref_slice %arg8[%add3A_257, %dma_wait3A_258] : memref<160x128xi32, #tpu.memory_space<vmem>> -> memref<1x128xi32, #tpu.memory_space<vmem>>
      %dma_wait3A_260 = tpu.memref_squeeze %dma_wait3A_259 : memref<1x128xi32, #tpu.memory_space<vmem>> -> memref<128xi32, #tpu.memory_space<vmem>>
      %dma_wait3A_261 = arith.constant 0 : i32
      %dma_wait3A_262 = arith.constant 0 : i32
      %dma_wait3A_263 = tpu.memref_slice %arg21[%dma_wait3A_261, %dma_wait3A_262] : memref<10240x64xf32, #tpu.memory_space<vmem_shared>> -> memref<10240x64xf32, #tpu.memory_space<vmem_shared>>
      tpu.wait_indirect_dma semaphore(%arg18 : memref<!tpu.dma_semaphore, #tpu.memory_space<semaphore_mem>>) src(%arg10 : memref<128x64xf32, #tpu.memory_space<vmem>>) dst(%dma_wait3A_263 : memref<10240x64xf32, #tpu.memory_space<vmem_shared>>)
      %add3A_264 = arith.constant 4 : i32
      %add3A_265 = arith.addi %add3A_257, %add3A_264 : i32
      %dma_start3A_266 = arith.constant 0 : i32
      %dma_start3A_267 = tpu.memref_slice %arg7[%add3A_265, %dma_start3A_266] : memref<160x128xi32, #tpu.memory_space<vmem>> -> memref<1x128xi32, #tpu.memory_space<vmem>>
      %dma_start3A_268 = tpu.memref_squeeze %dma_start3A_267 : memref<1x128xi32, #tpu.memory_space<vmem>> -> memref<128xi32, #tpu.memory_space<vmem>>
      %dma_start3A_269 = arith.constant 0 : i32
      %dma_start3A_270 = arith.constant 0 : i32
      %dma_start3A_271 = tpu.memref_slice %arg2[%arg0, %dma_start3A_269, %dma_start3A_270] : memref<2x10000x64xf32, #tpu.memory_space<hbm>> -> memref<1x10000x64xf32, #tpu.memory_space<hbm>>
      %dma_start3A_272 = tpu.memref_squeeze %dma_start3A_271 : memref<1x10000x64xf32, #tpu.memory_space<hbm>> -> memref<10000x64xf32, #tpu.memory_space<hbm>>
      %dma_start3A_273 = arith.constant 0 : i32
      %dma_start3A_274 = arith.constant 0 : i32
      %dma_start3A_275 = tpu.memref_slice %dma_start3A_272[%dma_start3A_273, %dma_start3A_274] : memref<10000x64xf32, #tpu.memory_space<hbm>> -> memref<10000x64xf32, #tpu.memory_space<hbm>>
      tpu.enqueue_indirect_dma source(%dma_start3A_275 : memref<10000x64xf32, #tpu.memory_space<hbm>>) target(%arg10 : memref<128x64xf32, #tpu.memory_space<vmem>>) offsets(%dma_start3A_268 : memref<128xi32, #tpu.memory_space<vmem>>) semaphore(%arg14 : memref<!tpu.dma_semaphore, #tpu.memory_space<semaphore_mem>>)
      %mul3A_276 = arith.constant 4 : i32
      %mul3A_277 = arith.muli %mul3A_276, %scan3A_152 : i32
      %add3A_278 = arith.constant 2 : i32
      %add3A_279 = arith.addi %mul3A_277, %add3A_278 : i32
      %dma_wait3A_280 = arith.constant 0 : i32
      %dma_wait3A_281 = tpu.memref_slice %arg8[%add3A_279, %dma_wait3A_280] : memref<160x128xi32, #tpu.memory_space<vmem>> -> memref<1x128xi32, #tpu.memory_space<vmem>>
      %dma_wait3A_282 = tpu.memref_squeeze %dma_wait3A_281 : memref<1x128xi32, #tpu.memory_space<vmem>> -> memref<128xi32, #tpu.memory_space<vmem>>
      %dma_wait3A_283 = arith.constant 0 : i32
      %dma_wait3A_284 = arith.constant 0 : i32
      %dma_wait3A_285 = tpu.memref_slice %arg21[%dma_wait3A_283, %dma_wait3A_284] : memref<10240x64xf32, #tpu.memory_space<vmem_shared>> -> memref<10240x64xf32, #tpu.memory_space<vmem_shared>>
      tpu.wait_indirect_dma semaphore(%arg19 : memref<!tpu.dma_semaphore, #tpu.memory_space<semaphore_mem>>) src(%arg11 : memref<128x64xf32, #tpu.memory_space<vmem>>) dst(%dma_wait3A_285 : memref<10240x64xf32, #tpu.memory_space<vmem_shared>>)
      %add3A_286 = arith.constant 4 : i32
      %add3A_287 = arith.addi %add3A_279, %add3A_286 : i32
      %dma_start3A_288 = arith.constant 0 : i32
      %dma_start3A_289 = tpu.memref_slice %arg7[%add3A_287, %dma_start3A_288] : memref<160x128xi32, #tpu.memory_space<vmem>> -> memref<1x128xi32, #tpu.memory_space<vmem>>
      %dma_start3A_290 = tpu.memref_squeeze %dma_start3A_289 : memref<1x128xi32, #tpu.memory_space<vmem>> -> memref<128xi32, #tpu.memory_space<vmem>>
      %dma_start3A_291 = arith.constant 0 : i32
      %dma_start3A_292 = arith.constant 0 : i32
      %dma_start3A_293 = tpu.memref_slice %arg2[%arg0, %dma_start3A_291, %dma_start3A_292] : memref<2x10000x64xf32, #tpu.memory_space<hbm>> -> memref<1x10000x64xf32, #tpu.memory_space<hbm>>
      %dma_start3A_294 = tpu.memref_squeeze %dma_start3A_293 : memref<1x10000x64xf32, #tpu.memory_space<hbm>> -> memref<10000x64xf32, #tpu.memory_space<hbm>>
      %dma_start3A_295 = arith.constant 0 : i32
      %dma_start3A_296 = arith.constant 0 : i32
      %dma_start3A_297 = tpu.memref_slice %dma_start3A_294[%dma_start3A_295, %dma_start3A_296] : memref<10000x64xf32, #tpu.memory_space<hbm>> -> memref<10000x64xf32, #tpu.memory_space<hbm>>
      tpu.enqueue_indirect_dma source(%dma_start3A_297 : memref<10000x64xf32, #tpu.memory_space<hbm>>) target(%arg11 : memref<128x64xf32, #tpu.memory_space<vmem>>) offsets(%dma_start3A_290 : memref<128xi32, #tpu.memory_space<vmem>>) semaphore(%arg15 : memref<!tpu.dma_semaphore, #tpu.memory_space<semaphore_mem>>)
      %mul3A_298 = arith.constant 4 : i32
      %mul3A_299 = arith.muli %mul3A_298, %scan3A_152 : i32
      %add3A_300 = arith.constant 3 : i32
      %add3A_301 = arith.addi %mul3A_299, %add3A_300 : i32
      %dma_wait3A_302 = arith.constant 0 : i32
      %dma_wait3A_303 = tpu.memref_slice %arg8[%add3A_301, %dma_wait3A_302] : memref<160x128xi32, #tpu.memory_space<vmem>> -> memref<1x128xi32, #tpu.memory_space<vmem>>
      %dma_wait3A_304 = tpu.memref_squeeze %dma_wait3A_303 : memref<1x128xi32, #tpu.memory_space<vmem>> -> memref<128xi32, #tpu.memory_space<vmem>>
      %dma_wait3A_305 = arith.constant 0 : i32
      %dma_wait3A_306 = arith.constant 0 : i32
      %dma_wait3A_307 = tpu.memref_slice %arg21[%dma_wait3A_305, %dma_wait3A_306] : memref<10240x64xf32, #tpu.memory_space<vmem_shared>> -> memref<10240x64xf32, #tpu.memory_space<vmem_shared>>
      tpu.wait_indirect_dma semaphore(%arg20 : memref<!tpu.dma_semaphore, #tpu.memory_space<semaphore_mem>>) src(%arg12 : memref<128x64xf32, #tpu.memory_space<vmem>>) dst(%dma_wait3A_307 : memref<10240x64xf32, #tpu.memory_space<vmem_shared>>)
      %add3A_308 = arith.constant 4 : i32
      %add3A_309 = arith.addi %add3A_301, %add3A_308 : i32
      %dma_start3A_310 = arith.constant 0 : i32
      %dma_start3A_311 = tpu.memref_slice %arg7[%add3A_309, %dma_start3A_310] : memref<160x128xi32, #tpu.memory_space<vmem>> -> memref<1x128xi32, #tpu.memory_space<vmem>>
      %dma_start3A_312 = tpu.memref_squeeze %dma_start3A_311 : memref<1x128xi32, #tpu.memory_space<vmem>> -> memref<128xi32, #tpu.memory_space<vmem>>
      %dma_start3A_313 = arith.constant 0 : i32
      %dma_start3A_314 = arith.constant 0 : i32
      %dma_start3A_315 = tpu.memref_slice %arg2[%arg0, %dma_start3A_313, %dma_start3A_314] : memref<2x10000x64xf32, #tpu.memory_space<hbm>> -> memref<1x10000x64xf32, #tpu.memory_space<hbm>>
      %dma_start3A_316 = tpu.memref_squeeze %dma_start3A_315 : memref<1x10000x64xf32, #tpu.memory_space<hbm>> -> memref<10000x64xf32, #tpu.memory_space<hbm>>
      %dma_start3A_317 = arith.constant 0 : i32
      %dma_start3A_318 = arith.constant 0 : i32
      %dma_start3A_319 = tpu.memref_slice %dma_start3A_316[%dma_start3A_317, %dma_start3A_318] : memref<10000x64xf32, #tpu.memory_space<hbm>> -> memref<10000x64xf32, #tpu.memory_space<hbm>>
      tpu.enqueue_indirect_dma source(%dma_start3A_319 : memref<10000x64xf32, #tpu.memory_space<hbm>>) target(%arg12 : memref<128x64xf32, #tpu.memory_space<vmem>>) offsets(%dma_start3A_312 : memref<128xi32, #tpu.memory_space<vmem>>) semaphore(%arg16 : memref<!tpu.dma_semaphore, #tpu.memory_space<semaphore_mem>>)
    }
    %scan3A_47 = arith.constant 39 : i32
    %dma_wait3A = arith.constant 156 : i32
    %dma_wait3A_48 = arith.constant 0 : i32
    %dma_wait3A_49 = tpu.memref_slice %arg7[%dma_wait3A, %dma_wait3A_48] : memref<160x128xi32, #tpu.memory_space<vmem>> -> memref<1x128xi32, #tpu.memory_space<vmem>>
    %dma_wait3A_50 = tpu.memref_squeeze %dma_wait3A_49 : memref<1x128xi32, #tpu.memory_space<vmem>> -> memref<128xi32, #tpu.memory_space<vmem>>
    %dma_wait3A_51 = arith.constant 0 : i32
    %dma_wait3A_52 = arith.constant 0 : i32
    %dma_wait3A_53 = tpu.memref_slice %arg2[%arg0, %dma_wait3A_51, %dma_wait3A_52] : memref<2x10000x64xf32, #tpu.memory_space<hbm>> -> memref<1x10000x64xf32, #tpu.memory_space<hbm>>
    %dma_wait3A_54 = tpu.memref_squeeze %dma_wait3A_53 : memref<1x10000x64xf32, #tpu.memory_space<hbm>> -> memref<10000x64xf32, #tpu.memory_space<hbm>>
    %dma_wait3A_55 = arith.constant 0 : i32
    %dma_wait3A_56 = arith.constant 0 : i32
    %dma_wait3A_57 = tpu.memref_slice %dma_wait3A_54[%dma_wait3A_55, %dma_wait3A_56] : memref<10000x64xf32, #tpu.memory_space<hbm>> -> memref<10000x64xf32, #tpu.memory_space<hbm>>
    tpu.wait_indirect_dma semaphore(%arg13 : memref<!tpu.dma_semaphore, #tpu.memory_space<semaphore_mem>>) src(%dma_wait3A_57 : memref<10000x64xf32, #tpu.memory_space<hbm>>) dst(%arg9 : memref<128x64xf32, #tpu.memory_space<vmem>>)
    %dma_start3A_58 = arith.constant 156 : i32
    %dma_start3A_59 = arith.constant 0 : i32
    %dma_start3A_60 = tpu.memref_slice %arg8[%dma_start3A_58, %dma_start3A_59] : memref<160x128xi32, #tpu.memory_space<vmem>> -> memref<1x128xi32, #tpu.memory_space<vmem>>
    %dma_start3A_61 = tpu.memref_squeeze %dma_start3A_60 : memref<1x128xi32, #tpu.memory_space<vmem>> -> memref<128xi32, #tpu.memory_space<vmem>>
    %dma_start3A_62 = arith.constant 0 : i32
    %dma_start3A_63 = arith.constant 0 : i32
    %dma_start3A_64 = tpu.memref_slice %arg21[%dma_start3A_62, %dma_start3A_63] : memref<10240x64xf32, #tpu.memory_space<vmem_shared>> -> memref<10240x64xf32, #tpu.memory_space<vmem_shared>>
    tpu.enqueue_indirect_dma source(%arg9 : memref<128x64xf32, #tpu.memory_space<vmem>>) target(%dma_start3A_64 : memref<10240x64xf32, #tpu.memory_space<vmem_shared>>) offsets(%dma_start3A_61 : memref<128xi32, #tpu.memory_space<vmem>>) semaphore(%arg17 : memref<!tpu.dma_semaphore, #tpu.memory_space<semaphore_mem>>) {add = true}
    %dma_wait3A_65 = arith.constant 157 : i32
    %dma_wait3A_66 = arith.constant 0 : i32
    %dma_wait3A_67 = tpu.memref_slice %arg7[%dma_wait3A_65, %dma_wait3A_66] : memref<160x128xi32, #tpu.memory_space<vmem>> -> memref<1x128xi32, #tpu.memory_space<vmem>>
    %dma_wait3A_68 = tpu.memref_squeeze %dma_wait3A_67 : memref<1x128xi32, #tpu.memory_space<vmem>> -> memref<128xi32, #tpu.memory_space<vmem>>
    %dma_wait3A_69 = arith.constant 0 : i32
    %dma_wait3A_70 = arith.constant 0 : i32
    %dma_wait3A_71 = tpu.memref_slice %arg2[%arg0, %dma_wait3A_69, %dma_wait3A_70] : memref<2x10000x64xf32, #tpu.memory_space<hbm>> -> memref<1x10000x64xf32, #tpu.memory_space<hbm>>
    %dma_wait3A_72 = tpu.memref_squeeze %dma_wait3A_71 : memref<1x10000x64xf32, #tpu.memory_space<hbm>> -> memref<10000x64xf32, #tpu.memory_space<hbm>>
    %dma_wait3A_73 = arith.constant 0 : i32
    %dma_wait3A_74 = arith.constant 0 : i32
    %dma_wait3A_75 = tpu.memref_slice %dma_wait3A_72[%dma_wait3A_73, %dma_wait3A_74] : memref<10000x64xf32, #tpu.memory_space<hbm>> -> memref<10000x64xf32, #tpu.memory_space<hbm>>
    tpu.wait_indirect_dma semaphore(%arg14 : memref<!tpu.dma_semaphore, #tpu.memory_space<semaphore_mem>>) src(%dma_wait3A_75 : memref<10000x64xf32, #tpu.memory_space<hbm>>) dst(%arg10 : memref<128x64xf32, #tpu.memory_space<vmem>>)
    %dma_start3A_76 = arith.constant 157 : i32
    %dma_start3A_77 = arith.constant 0 : i32
    %dma_start3A_78 = tpu.memref_slice %arg8[%dma_start3A_76, %dma_start3A_77] : memref<160x128xi32, #tpu.memory_space<vmem>> -> memref<1x128xi32, #tpu.memory_space<vmem>>
    %dma_start3A_79 = tpu.memref_squeeze %dma_start3A_78 : memref<1x128xi32, #tpu.memory_space<vmem>> -> memref<128xi32, #tpu.memory_space<vmem>>
    %dma_start3A_80 = arith.constant 0 : i32
    %dma_start3A_81 = arith.constant 0 : i32
    %dma_start3A_82 = tpu.memref_slice %arg21[%dma_start3A_80, %dma_start3A_81] : memref<10240x64xf32, #tpu.memory_space<vmem_shared>> -> memref<10240x64xf32, #tpu.memory_space<vmem_shared>>
    tpu.enqueue_indirect_dma source(%arg10 : memref<128x64xf32, #tpu.memory_space<vmem>>) target(%dma_start3A_82 : memref<10240x64xf32, #tpu.memory_space<vmem_shared>>) offsets(%dma_start3A_79 : memref<128xi32, #tpu.memory_space<vmem>>) semaphore(%arg18 : memref<!tpu.dma_semaphore, #tpu.memory_space<semaphore_mem>>) {add = true}
    %dma_wait3A_83 = arith.constant 158 : i32
    %dma_wait3A_84 = arith.constant 0 : i32
    %dma_wait3A_85 = tpu.memref_slice %arg7[%dma_wait3A_83, %dma_wait3A_84] : memref<160x128xi32, #tpu.memory_space<vmem>> -> memref<1x128xi32, #tpu.memory_space<vmem>>
    %dma_wait3A_86 = tpu.memref_squeeze %dma_wait3A_85 : memref<1x128xi32, #tpu.memory_space<vmem>> -> memref<128xi32, #tpu.memory_space<vmem>>
    %dma_wait3A_87 = arith.constant 0 : i32
    %dma_wait3A_88 = arith.constant 0 : i32
    %dma_wait3A_89 = tpu.memref_slice %arg2[%arg0, %dma_wait3A_87, %dma_wait3A_88] : memref<2x10000x64xf32, #tpu.memory_space<hbm>> -> memref<1x10000x64xf32, #tpu.memory_space<hbm>>
    %dma_wait3A_90 = tpu.memref_squeeze %dma_wait3A_89 : memref<1x10000x64xf32, #tpu.memory_space<hbm>> -> memref<10000x64xf32, #tpu.memory_space<hbm>>
    %dma_wait3A_91 = arith.constant 0 : i32
    %dma_wait3A_92 = arith.constant 0 : i32
    %dma_wait3A_93 = tpu.memref_slice %dma_wait3A_90[%dma_wait3A_91, %dma_wait3A_92] : memref<10000x64xf32, #tpu.memory_space<hbm>> -> memref<10000x64xf32, #tpu.memory_space<hbm>>
    tpu.wait_indirect_dma semaphore(%arg15 : memref<!tpu.dma_semaphore, #tpu.memory_space<semaphore_mem>>) src(%dma_wait3A_93 : memref<10000x64xf32, #tpu.memory_space<hbm>>) dst(%arg11 : memref<128x64xf32, #tpu.memory_space<vmem>>)
    %dma_start3A_94 = arith.constant 158 : i32
    %dma_start3A_95 = arith.constant 0 : i32
    %dma_start3A_96 = tpu.memref_slice %arg8[%dma_start3A_94, %dma_start3A_95] : memref<160x128xi32, #tpu.memory_space<vmem>> -> memref<1x128xi32, #tpu.memory_space<vmem>>
    %dma_start3A_97 = tpu.memref_squeeze %dma_start3A_96 : memref<1x128xi32, #tpu.memory_space<vmem>> -> memref<128xi32, #tpu.memory_space<vmem>>
    %dma_start3A_98 = arith.constant 0 : i32
    %dma_start3A_99 = arith.constant 0 : i32
    %dma_start3A_100 = tpu.memref_slice %arg21[%dma_start3A_98, %dma_start3A_99] : memref<10240x64xf32, #tpu.memory_space<vmem_shared>> -> memref<10240x64xf32, #tpu.memory_space<vmem_shared>>
    tpu.enqueue_indirect_dma source(%arg11 : memref<128x64xf32, #tpu.memory_space<vmem>>) target(%dma_start3A_100 : memref<10240x64xf32, #tpu.memory_space<vmem_shared>>) offsets(%dma_start3A_97 : memref<128xi32, #tpu.memory_space<vmem>>) semaphore(%arg19 : memref<!tpu.dma_semaphore, #tpu.memory_space<semaphore_mem>>) {add = true}
    %dma_wait3A_101 = arith.constant 159 : i32
    %dma_wait3A_102 = arith.constant 0 : i32
    %dma_wait3A_103 = tpu.memref_slice %arg7[%dma_wait3A_101, %dma_wait3A_102] : memref<160x128xi32, #tpu.memory_space<vmem>> -> memref<1x128xi32, #tpu.memory_space<vmem>>
    %dma_wait3A_104 = tpu.memref_squeeze %dma_wait3A_103 : memref<1x128xi32, #tpu.memory_space<vmem>> -> memref<128xi32, #tpu.memory_space<vmem>>
    %dma_wait3A_105 = arith.constant 0 : i32
    %dma_wait3A_106 = arith.constant 0 : i32
    %dma_wait3A_107 = tpu.memref_slice %arg2[%arg0, %dma_wait3A_105, %dma_wait3A_106] : memref<2x10000x64xf32, #tpu.memory_space<hbm>> -> memref<1x10000x64xf32, #tpu.memory_space<hbm>>
    %dma_wait3A_108 = tpu.memref_squeeze %dma_wait3A_107 : memref<1x10000x64xf32, #tpu.memory_space<hbm>> -> memref<10000x64xf32, #tpu.memory_space<hbm>>
    %dma_wait3A_109 = arith.constant 0 : i32
    %dma_wait3A_110 = arith.constant 0 : i32
    %dma_wait3A_111 = tpu.memref_slice %dma_wait3A_108[%dma_wait3A_109, %dma_wait3A_110] : memref<10000x64xf32, #tpu.memory_space<hbm>> -> memref<10000x64xf32, #tpu.memory_space<hbm>>
    tpu.wait_indirect_dma semaphore(%arg16 : memref<!tpu.dma_semaphore, #tpu.memory_space<semaphore_mem>>) src(%dma_wait3A_111 : memref<10000x64xf32, #tpu.memory_space<hbm>>) dst(%arg12 : memref<128x64xf32, #tpu.memory_space<vmem>>)
    %dma_start3A_112 = arith.constant 159 : i32
    %dma_start3A_113 = arith.constant 0 : i32
    %dma_start3A_114 = tpu.memref_slice %arg8[%dma_start3A_112, %dma_start3A_113] : memref<160x128xi32, #tpu.memory_space<vmem>> -> memref<1x128xi32, #tpu.memory_space<vmem>>
    %dma_start3A_115 = tpu.memref_squeeze %dma_start3A_114 : memref<1x128xi32, #tpu.memory_space<vmem>> -> memref<128xi32, #tpu.memory_space<vmem>>
    %dma_start3A_116 = arith.constant 0 : i32
    %dma_start3A_117 = arith.constant 0 : i32
    %dma_start3A_118 = tpu.memref_slice %arg21[%dma_start3A_116, %dma_start3A_117] : memref<10240x64xf32, #tpu.memory_space<vmem_shared>> -> memref<10240x64xf32, #tpu.memory_space<vmem_shared>>
    tpu.enqueue_indirect_dma source(%arg12 : memref<128x64xf32, #tpu.memory_space<vmem>>) target(%dma_start3A_118 : memref<10240x64xf32, #tpu.memory_space<vmem_shared>>) offsets(%dma_start3A_115 : memref<128xi32, #tpu.memory_space<vmem>>) semaphore(%arg20 : memref<!tpu.dma_semaphore, #tpu.memory_space<semaphore_mem>>) {add = true}
    %dma_wait3A_119 = arith.constant 156 : i32
    %dma_wait3A_120 = arith.constant 0 : i32
    %dma_wait3A_121 = tpu.memref_slice %arg8[%dma_wait3A_119, %dma_wait3A_120] : memref<160x128xi32, #tpu.memory_space<vmem>> -> memref<1x128xi32, #tpu.memory_space<vmem>>
    %dma_wait3A_122 = tpu.memref_squeeze %dma_wait3A_121 : memref<1x128xi32, #tpu.memory_space<vmem>> -> memref<128xi32, #tpu.memory_space<vmem>>
    %dma_wait3A_123 = arith.constant 0 : i32
    %dma_wait3A_124 = arith.constant 0 : i32
    %dma_wait3A_125 = tpu.memref_slice %arg21[%dma_wait3A_123, %dma_wait3A_124] : memref<10240x64xf32, #tpu.memory_space<vmem_shared>> -> memref<10240x64xf32, #tpu.memory_space<vmem_shared>>
    tpu.wait_indirect_dma semaphore(%arg17 : memref<!tpu.dma_semaphore, #tpu.memory_space<semaphore_mem>>) src(%arg9 : memref<128x64xf32, #tpu.memory_space<vmem>>) dst(%dma_wait3A_125 : memref<10240x64xf32, #tpu.memory_space<vmem_shared>>)
    %dma_wait3A_126 = arith.constant 157 : i32
    %dma_wait3A_127 = arith.constant 0 : i32
    %dma_wait3A_128 = tpu.memref_slice %arg8[%dma_wait3A_126, %dma_wait3A_127] : memref<160x128xi32, #tpu.memory_space<vmem>> -> memref<1x128xi32, #tpu.memory_space<vmem>>
    %dma_wait3A_129 = tpu.memref_squeeze %dma_wait3A_128 : memref<1x128xi32, #tpu.memory_space<vmem>> -> memref<128xi32, #tpu.memory_space<vmem>>
    %dma_wait3A_130 = arith.constant 0 : i32
    %dma_wait3A_131 = arith.constant 0 : i32
    %dma_wait3A_132 = tpu.memref_slice %arg21[%dma_wait3A_130, %dma_wait3A_131] : memref<10240x64xf32, #tpu.memory_space<vmem_shared>> -> memref<10240x64xf32, #tpu.memory_space<vmem_shared>>
    tpu.wait_indirect_dma semaphore(%arg18 : memref<!tpu.dma_semaphore, #tpu.memory_space<semaphore_mem>>) src(%arg10 : memref<128x64xf32, #tpu.memory_space<vmem>>) dst(%dma_wait3A_132 : memref<10240x64xf32, #tpu.memory_space<vmem_shared>>)
    %dma_wait3A_133 = arith.constant 158 : i32
    %dma_wait3A_134 = arith.constant 0 : i32
    %dma_wait3A_135 = tpu.memref_slice %arg8[%dma_wait3A_133, %dma_wait3A_134] : memref<160x128xi32, #tpu.memory_space<vmem>> -> memref<1x128xi32, #tpu.memory_space<vmem>>
    %dma_wait3A_136 = tpu.memref_squeeze %dma_wait3A_135 : memref<1x128xi32, #tpu.memory_space<vmem>> -> memref<128xi32, #tpu.memory_space<vmem>>
    %dma_wait3A_137 = arith.constant 0 : i32
    %dma_wait3A_138 = arith.constant 0 : i32
    %dma_wait3A_139 = tpu.memref_slice %arg21[%dma_wait3A_137, %dma_wait3A_138] : memref<10240x64xf32, #tpu.memory_space<vmem_shared>> -> memref<10240x64xf32, #tpu.memory_space<vmem_shared>>
    tpu.wait_indirect_dma semaphore(%arg19 : memref<!tpu.dma_semaphore, #tpu.memory_space<semaphore_mem>>) src(%arg11 : memref<128x64xf32, #tpu.memory_space<vmem>>) dst(%dma_wait3A_139 : memref<10240x64xf32, #tpu.memory_space<vmem_shared>>)
    %dma_wait3A_140 = arith.constant 159 : i32
    %dma_wait3A_141 = arith.constant 0 : i32
    %dma_wait3A_142 = tpu.memref_slice %arg8[%dma_wait3A_140, %dma_wait3A_141] : memref<160x128xi32, #tpu.memory_space<vmem>> -> memref<1x128xi32, #tpu.memory_space<vmem>>
    %dma_wait3A_143 = tpu.memref_squeeze %dma_wait3A_142 : memref<1x128xi32, #tpu.memory_space<vmem>> -> memref<128xi32, #tpu.memory_space<vmem>>
    %dma_wait3A_144 = arith.constant 0 : i32
    %dma_wait3A_145 = arith.constant 0 : i32
    %dma_wait3A_146 = tpu.memref_slice %arg21[%dma_wait3A_144, %dma_wait3A_145] : memref<10240x64xf32, #tpu.memory_space<vmem_shared>> -> memref<10240x64xf32, #tpu.memory_space<vmem_shared>>
    tpu.wait_indirect_dma semaphore(%arg20 : memref<!tpu.dma_semaphore, #tpu.memory_space<semaphore_mem>>) src(%arg12 : memref<128x64xf32, #tpu.memory_space<vmem>>) dst(%dma_wait3A_146 : memref<10240x64xf32, #tpu.memory_space<vmem_shared>>)
    %barrier3A_147 = arith.constant 0 : index
    tpu.barrier barrier_id(%barrier3A_147)
    %mul3A_148 = arith.constant 640 : i32
    %mul3A_149 = arith.muli %arg1, %mul3A_148 : i32
    %mul3A_150 = arith.constant 640 : i32
    %mul3A_151 = arith.muli %arg1, %mul3A_150 : i32
    "tpu.region"() ({
      %run_scoped3A = tpu.sem_alloc : memref<!tpu.dma_semaphore, #tpu.memory_space<semaphore_mem>>
      %dma_start3A_152 = arith.constant 0 : i32
      %dma_start3A_153 = tpu.memref_slice %arg6[%arg0, %mul3A_151, %dma_start3A_152] : memref<2x10240x64xf32, #tpu.memory_space<hbm>> -> memref<1x640x64xf32, #tpu.memory_space<hbm>>
      %dma_start3A_154 = tpu.memref_squeeze %dma_start3A_153 : memref<1x640x64xf32, #tpu.memory_space<hbm>> -> memref<640x64xf32, #tpu.memory_space<hbm>>
      %dma_start3A_155 = arith.constant 0 : i32
      %dma_start3A_156 = tpu.memref_slice %arg21[%mul3A_149, %dma_start3A_155] : memref<10240x64xf32, #tpu.memory_space<vmem_shared>> -> memref<640x64xf32, #tpu.memory_space<vmem_shared>>
      tpu.enqueue_dma source(%dma_start3A_156 : memref<640x64xf32, #tpu.memory_space<vmem_shared>>) target(%dma_start3A_154 : memref<640x64xf32, #tpu.memory_space<hbm>>) target_semaphore(%run_scoped3A : memref<!tpu.dma_semaphore, #tpu.memory_space<semaphore_mem>>)
      %dma_wait3A_157 = arith.constant 0 : i32
      %dma_wait3A_158 = tpu.memref_slice %arg6[%arg0, %mul3A_151, %dma_wait3A_157] : memref<2x10240x64xf32, #tpu.memory_space<hbm>> -> memref<1x640x64xf32, #tpu.memory_space<hbm>>
      %dma_wait3A_159 = tpu.memref_squeeze %dma_wait3A_158 : memref<1x640x64xf32, #tpu.memory_space<hbm>> -> memref<640x64xf32, #tpu.memory_space<hbm>>
      %dma_wait3A_160 = arith.constant 0 : i32
      %dma_wait3A_161 = tpu.memref_slice %arg21[%mul3A_149, %dma_wait3A_160] : memref<10240x64xf32, #tpu.memory_space<vmem_shared>> -> memref<640x64xf32, #tpu.memory_space<vmem_shared>>
      tpu.wait_dma2 semaphore(%run_scoped3A : memref<!tpu.dma_semaphore, #tpu.memory_space<semaphore_mem>>) src(%dma_wait3A_161 : memref<640x64xf32, #tpu.memory_space<vmem_shared>>) dst(%dma_wait3A_159 : memref<640x64xf32, #tpu.memory_space<hbm>>)
      tpu.yield
    }) : () -> ()
    return
  }
}

#map = affine_map<(d0, d1) -> (0, 0, 0)>
#map1 = affine_map<(d0, d1) -> (0, 0)>
module attributes {stable_mosaic.version = 14 : i64} {
  func.func @_agg_kernel(%arg0: i32, %arg1: i32, %arg2: memref<2x10000x64xf32, #tpu.memory_space<hbm>>, %arg3: memref<16x160x128xi32, #tpu.memory_space<hbm>>, %arg4: memref<16x160x128xi32, #tpu.memory_space<hbm>>, %arg5: memref<640x64xf32, #tpu.memory_space<hbm>>, %arg6: memref<2x10240x64xf32, #tpu.memory_space<hbm>>, %arg7: memref<160x128xi32, #tpu.memory_space<vmem>>, %arg8: memref<160x128xi32, #tpu.memory_space<vmem>>, %arg9: memref<128x64xf32, #tpu.memory_space<vmem>>, %arg10: memref<128x64xf32, #tpu.memory_space<vmem>>, %arg11: memref<128x64xf32, #tpu.memory_space<vmem>>, %arg12: memref<128x64xf32, #tpu.memory_space<vmem>>, %arg13: memref<!tpu.dma_semaphore, #tpu.memory_space<semaphore_mem>>, %arg14: memref<!tpu.dma_semaphore, #tpu.memory_space<semaphore_mem>>, %arg15: memref<!tpu.dma_semaphore, #tpu.memory_space<semaphore_mem>>, %arg16: memref<!tpu.dma_semaphore, #tpu.memory_space<semaphore_mem>>, %arg17: memref<!tpu.dma_semaphore, #tpu.memory_space<semaphore_mem>>, %arg18: memref<!tpu.dma_semaphore, #tpu.memory_space<semaphore_mem>>, %arg19: memref<!tpu.dma_semaphore, #tpu.memory_space<semaphore_mem>>, %arg20: memref<!tpu.dma_semaphore, #tpu.memory_space<semaphore_mem>>, %arg21: memref<10240x64xf32, #tpu.memory_space<vmem_shared>>) attributes {dimension_semantics = [#tpu.dimension_semantics<core_parallel>, #tpu.dimension_semantics<subcore_parallel>], iteration_bounds = array<i64: 2, 16>, scalar_prefetch = 0 : i64, scratch_operands = 15 : i64, tpu.core_type = #tpu.core_type<sc_vector_subcore>, window_params = [{transform_indices = #map}, {transform_indices = #map}, {transform_indices = #map}, {transform_indices = #map1}, {transform_indices = #map}]} {
    "tpu.region"() ({
      %run_scoped3A = tpu.sem_alloc : memref<!tpu.dma_semaphore, #tpu.memory_space<semaphore_mem>>
      %dma_start3A_152 = arith.constant 0 : i32
      %dma_start3A_153 = arith.constant 0 : i32
      %dma_start3A_154 = tpu.memref_slice %arg3[%arg1, %dma_start3A_152, %dma_start3A_153] : memref<16x160x128xi32, #tpu.memory_space<hbm>> -> memref<1x160x128xi32, #tpu.memory_space<hbm>>
      %dma_start3A_155 = tpu.memref_squeeze %dma_start3A_154 : memref<1x160x128xi32, #tpu.memory_space<hbm>> -> memref<160x128xi32, #tpu.memory_space<hbm>>
      %dma_start3A_156 = arith.constant 0 : i32
      %dma_start3A_157 = arith.constant 0 : i32
      %dma_start3A_158 = tpu.memref_slice %arg3[%arg1, %dma_start3A_156, %dma_start3A_157] : memref<16x160x128xi32, #tpu.memory_space<hbm>> -> memref<1x160x128xi32, #tpu.memory_space<hbm>>
      %dma_start3A_159 = tpu.memref_squeeze %dma_start3A_158 : memref<1x160x128xi32, #tpu.memory_space<hbm>> -> memref<160x128xi32, #tpu.memory_space<hbm>>
      tpu.enqueue_dma source(%dma_start3A_159 : memref<160x128xi32, #tpu.memory_space<hbm>>) target(%arg7 : memref<160x128xi32, #tpu.memory_space<vmem>>) target_semaphore(%run_scoped3A : memref<!tpu.dma_semaphore, #tpu.memory_space<semaphore_mem>>)
      %dma_wait3A_160 = arith.constant 0 : i32
      %dma_wait3A_161 = arith.constant 0 : i32
      %dma_wait3A_162 = tpu.memref_slice %arg3[%arg1, %dma_wait3A_160, %dma_wait3A_161] : memref<16x160x128xi32, #tpu.memory_space<hbm>> -> memref<1x160x128xi32, #tpu.memory_space<hbm>>
      %dma_wait3A_163 = tpu.memref_squeeze %dma_wait3A_162 : memref<1x160x128xi32, #tpu.memory_space<hbm>> -> memref<160x128xi32, #tpu.memory_space<hbm>>
      %dma_wait3A_164 = arith.constant 0 : i32
      %dma_wait3A_165 = arith.constant 0 : i32
      %dma_wait3A_166 = tpu.memref_slice %arg3[%arg1, %dma_wait3A_164, %dma_wait3A_165] : memref<16x160x128xi32, #tpu.memory_space<hbm>> -> memref<1x160x128xi32, #tpu.memory_space<hbm>>
      %dma_wait3A_167 = tpu.memref_squeeze %dma_wait3A_166 : memref<1x160x128xi32, #tpu.memory_space<hbm>> -> memref<160x128xi32, #tpu.memory_space<hbm>>
      tpu.wait_dma2 semaphore(%run_scoped3A : memref<!tpu.dma_semaphore, #tpu.memory_space<semaphore_mem>>) src(%dma_wait3A_167 : memref<160x128xi32, #tpu.memory_space<hbm>>) dst(%arg7 : memref<160x128xi32, #tpu.memory_space<vmem>>)
      tpu.yield
    }) : () -> ()
    "tpu.region"() ({
      %run_scoped3A = tpu.sem_alloc : memref<!tpu.dma_semaphore, #tpu.memory_space<semaphore_mem>>
      %dma_start3A_152 = arith.constant 0 : i32
      %dma_start3A_153 = arith.constant 0 : i32
      %dma_start3A_154 = tpu.memref_slice %arg4[%arg1, %dma_start3A_152, %dma_start3A_153] : memref<16x160x128xi32, #tpu.memory_space<hbm>> -> memref<1x160x128xi32, #tpu.memory_space<hbm>>
      %dma_start3A_155 = tpu.memref_squeeze %dma_start3A_154 : memref<1x160x128xi32, #tpu.memory_space<hbm>> -> memref<160x128xi32, #tpu.memory_space<hbm>>
      %dma_start3A_156 = arith.constant 0 : i32
      %dma_start3A_157 = arith.constant 0 : i32
      %dma_start3A_158 = tpu.memref_slice %arg4[%arg1, %dma_start3A_156, %dma_start3A_157] : memref<16x160x128xi32, #tpu.memory_space<hbm>> -> memref<1x160x128xi32, #tpu.memory_space<hbm>>
      %dma_start3A_159 = tpu.memref_squeeze %dma_start3A_158 : memref<1x160x128xi32, #tpu.memory_space<hbm>> -> memref<160x128xi32, #tpu.memory_space<hbm>>
      tpu.enqueue_dma source(%dma_start3A_159 : memref<160x128xi32, #tpu.memory_space<hbm>>) target(%arg8 : memref<160x128xi32, #tpu.memory_space<vmem>>) target_semaphore(%run_scoped3A : memref<!tpu.dma_semaphore, #tpu.memory_space<semaphore_mem>>)
      %dma_wait3A_160 = arith.constant 0 : i32
      %dma_wait3A_161 = arith.constant 0 : i32
      %dma_wait3A_162 = tpu.memref_slice %arg4[%arg1, %dma_wait3A_160, %dma_wait3A_161] : memref<16x160x128xi32, #tpu.memory_space<hbm>> -> memref<1x160x128xi32, #tpu.memory_space<hbm>>
      %dma_wait3A_163 = tpu.memref_squeeze %dma_wait3A_162 : memref<1x160x128xi32, #tpu.memory_space<hbm>> -> memref<160x128xi32, #tpu.memory_space<hbm>>
      %dma_wait3A_164 = arith.constant 0 : i32
      %dma_wait3A_165 = arith.constant 0 : i32
      %dma_wait3A_166 = tpu.memref_slice %arg4[%arg1, %dma_wait3A_164, %dma_wait3A_165] : memref<16x160x128xi32, #tpu.memory_space<hbm>> -> memref<1x160x128xi32, #tpu.memory_space<hbm>>
      %dma_wait3A_167 = tpu.memref_squeeze %dma_wait3A_166 : memref<1x160x128xi32, #tpu.memory_space<hbm>> -> memref<160x128xi32, #tpu.memory_space<hbm>>
      tpu.wait_dma2 semaphore(%run_scoped3A : memref<!tpu.dma_semaphore, #tpu.memory_space<semaphore_mem>>) src(%dma_wait3A_167 : memref<160x128xi32, #tpu.memory_space<hbm>>) dst(%arg8 : memref<160x128xi32, #tpu.memory_space<vmem>>)
      tpu.yield
    }) : () -> ()
    %mul3A = arith.constant 640 : i32
    %mul3A_0 = arith.muli %arg1, %mul3A : i32
    "tpu.region"() ({
      %run_scoped3A = tpu.sem_alloc : memref<!tpu.dma_semaphore, #tpu.memory_space<semaphore_mem>>
      %dma_start3A_152 = arith.constant 0 : i32
      %dma_start3A_153 = tpu.memref_slice %arg21[%mul3A_0, %dma_start3A_152] : memref<10240x64xf32, #tpu.memory_space<vmem_shared>> -> memref<640x64xf32, #tpu.memory_space<vmem_shared>>
      tpu.enqueue_dma source(%arg5 : memref<640x64xf32, #tpu.memory_space<hbm>>) target(%dma_start3A_153 : memref<640x64xf32, #tpu.memory_space<vmem_shared>>) target_semaphore(%run_scoped3A : memref<!tpu.dma_semaphore, #tpu.memory_space<semaphore_mem>>)
      %dma_wait3A_154 = arith.constant 0 : i32
      %dma_wait3A_155 = tpu.memref_slice %arg21[%mul3A_0, %dma_wait3A_154] : memref<10240x64xf32, #tpu.memory_space<vmem_shared>> -> memref<640x64xf32, #tpu.memory_space<vmem_shared>>
      tpu.wait_dma2 semaphore(%run_scoped3A : memref<!tpu.dma_semaphore, #tpu.memory_space<semaphore_mem>>) src(%arg5 : memref<640x64xf32, #tpu.memory_space<hbm>>) dst(%dma_wait3A_155 : memref<640x64xf32, #tpu.memory_space<vmem_shared>>)
      tpu.yield
    }) : () -> ()
    %barrier3A = arith.constant 0 : index
    tpu.barrier barrier_id(%barrier3A)
    %dma_start3A = arith.constant 0 : i32
    %dma_start3A_1 = arith.constant 0 : i32
    %dma_start3A_2 = tpu.memref_slice %arg7[%dma_start3A, %dma_start3A_1] : memref<160x128xi32, #tpu.memory_space<vmem>> -> memref<1x128xi32, #tpu.memory_space<vmem>>
    %dma_start3A_3 = tpu.memref_squeeze %dma_start3A_2 : memref<1x128xi32, #tpu.memory_space<vmem>> -> memref<128xi32, #tpu.memory_space<vmem>>
    %dma_start3A_4 = arith.constant 0 : i32
    %dma_start3A_5 = arith.constant 0 : i32
    %dma_start3A_6 = tpu.memref_slice %arg2[%arg0, %dma_start3A_4, %dma_start3A_5] : memref<2x10000x64xf32, #tpu.memory_space<hbm>> -> memref<1x10000x64xf32, #tpu.memory_space<hbm>>
    %dma_start3A_7 = tpu.memref_squeeze %dma_start3A_6 : memref<1x10000x64xf32, #tpu.memory_space<hbm>> -> memref<10000x64xf32, #tpu.memory_space<hbm>>
    %dma_start3A_8 = arith.constant 0 : i32
    %dma_start3A_9 = arith.constant 0 : i32
    %dma_start3A_10 = tpu.memref_slice %dma_start3A_7[%dma_start3A_8, %dma_start3A_9] : memref<10000x64xf32, #tpu.memory_space<hbm>> -> memref<10000x64xf32, #tpu.memory_space<hbm>>
    tpu.enqueue_indirect_dma source(%dma_start3A_10 : memref<10000x64xf32, #tpu.memory_space<hbm>>) target(%arg9 : memref<128x64xf32, #tpu.memory_space<vmem>>) offsets(%dma_start3A_3 : memref<128xi32, #tpu.memory_space<vmem>>) semaphore(%arg13 : memref<!tpu.dma_semaphore, #tpu.memory_space<semaphore_mem>>)
    %dma_start3A_11 = arith.constant 1 : i32
    %dma_start3A_12 = arith.constant 0 : i32
    %dma_start3A_13 = tpu.memref_slice %arg7[%dma_start3A_11, %dma_start3A_12] : memref<160x128xi32, #tpu.memory_space<vmem>> -> memref<1x128xi32, #tpu.memory_space<vmem>>
    %dma_start3A_14 = tpu.memref_squeeze %dma_start3A_13 : memref<1x128xi32, #tpu.memory_space<vmem>> -> memref<128xi32, #tpu.memory_space<vmem>>
    %dma_start3A_15 = arith.constant 0 : i32
    %dma_start3A_16 = arith.constant 0 : i32
    %dma_start3A_17 = tpu.memref_slice %arg2[%arg0, %dma_start3A_15, %dma_start3A_16] : memref<2x10000x64xf32, #tpu.memory_space<hbm>> -> memref<1x10000x64xf32, #tpu.memory_space<hbm>>
    %dma_start3A_18 = tpu.memref_squeeze %dma_start3A_17 : memref<1x10000x64xf32, #tpu.memory_space<hbm>> -> memref<10000x64xf32, #tpu.memory_space<hbm>>
    %dma_start3A_19 = arith.constant 0 : i32
    %dma_start3A_20 = arith.constant 0 : i32
    %dma_start3A_21 = tpu.memref_slice %dma_start3A_18[%dma_start3A_19, %dma_start3A_20] : memref<10000x64xf32, #tpu.memory_space<hbm>> -> memref<10000x64xf32, #tpu.memory_space<hbm>>
    tpu.enqueue_indirect_dma source(%dma_start3A_21 : memref<10000x64xf32, #tpu.memory_space<hbm>>) target(%arg10 : memref<128x64xf32, #tpu.memory_space<vmem>>) offsets(%dma_start3A_14 : memref<128xi32, #tpu.memory_space<vmem>>) semaphore(%arg14 : memref<!tpu.dma_semaphore, #tpu.memory_space<semaphore_mem>>)
    %dma_start3A_22 = arith.constant 2 : i32
    %dma_start3A_23 = arith.constant 0 : i32
    %dma_start3A_24 = tpu.memref_slice %arg7[%dma_start3A_22, %dma_start3A_23] : memref<160x128xi32, #tpu.memory_space<vmem>> -> memref<1x128xi32, #tpu.memory_space<vmem>>
    %dma_start3A_25 = tpu.memref_squeeze %dma_start3A_24 : memref<1x128xi32, #tpu.memory_space<vmem>> -> memref<128xi32, #tpu.memory_space<vmem>>
    %dma_start3A_26 = arith.constant 0 : i32
    %dma_start3A_27 = arith.constant 0 : i32
    %dma_start3A_28 = tpu.memref_slice %arg2[%arg0, %dma_start3A_26, %dma_start3A_27] : memref<2x10000x64xf32, #tpu.memory_space<hbm>> -> memref<1x10000x64xf32, #tpu.memory_space<hbm>>
    %dma_start3A_29 = tpu.memref_squeeze %dma_start3A_28 : memref<1x10000x64xf32, #tpu.memory_space<hbm>> -> memref<10000x64xf32, #tpu.memory_space<hbm>>
    %dma_start3A_30 = arith.constant 0 : i32
    %dma_start3A_31 = arith.constant 0 : i32
    %dma_start3A_32 = tpu.memref_slice %dma_start3A_29[%dma_start3A_30, %dma_start3A_31] : memref<10000x64xf32, #tpu.memory_space<hbm>> -> memref<10000x64xf32, #tpu.memory_space<hbm>>
    tpu.enqueue_indirect_dma source(%dma_start3A_32 : memref<10000x64xf32, #tpu.memory_space<hbm>>) target(%arg11 : memref<128x64xf32, #tpu.memory_space<vmem>>) offsets(%dma_start3A_25 : memref<128xi32, #tpu.memory_space<vmem>>) semaphore(%arg15 : memref<!tpu.dma_semaphore, #tpu.memory_space<semaphore_mem>>)
    %dma_start3A_33 = arith.constant 3 : i32
    %dma_start3A_34 = arith.constant 0 : i32
    %dma_start3A_35 = tpu.memref_slice %arg7[%dma_start3A_33, %dma_start3A_34] : memref<160x128xi32, #tpu.memory_space<vmem>> -> memref<1x128xi32, #tpu.memory_space<vmem>>
    %dma_start3A_36 = tpu.memref_squeeze %dma_start3A_35 : memref<1x128xi32, #tpu.memory_space<vmem>> -> memref<128xi32, #tpu.memory_space<vmem>>
    %dma_start3A_37 = arith.constant 0 : i32
    %dma_start3A_38 = arith.constant 0 : i32
    %dma_start3A_39 = tpu.memref_slice %arg2[%arg0, %dma_start3A_37, %dma_start3A_38] : memref<2x10000x64xf32, #tpu.memory_space<hbm>> -> memref<1x10000x64xf32, #tpu.memory_space<hbm>>
    %dma_start3A_40 = tpu.memref_squeeze %dma_start3A_39 : memref<1x10000x64xf32, #tpu.memory_space<hbm>> -> memref<10000x64xf32, #tpu.memory_space<hbm>>
    %dma_start3A_41 = arith.constant 0 : i32
    %dma_start3A_42 = arith.constant 0 : i32
    %dma_start3A_43 = tpu.memref_slice %dma_start3A_40[%dma_start3A_41, %dma_start3A_42] : memref<10000x64xf32, #tpu.memory_space<hbm>> -> memref<10000x64xf32, #tpu.memory_space<hbm>>
    tpu.enqueue_indirect_dma source(%dma_start3A_43 : memref<10000x64xf32, #tpu.memory_space<hbm>>) target(%arg12 : memref<128x64xf32, #tpu.memory_space<vmem>>) offsets(%dma_start3A_36 : memref<128xi32, #tpu.memory_space<vmem>>) semaphore(%arg16 : memref<!tpu.dma_semaphore, #tpu.memory_space<semaphore_mem>>)
    %scan3A = arith.constant 0 : i32
    %scan3A_44 = arith.constant 39 : i32
    %scan3A_45 = arith.addi %scan3A, %scan3A_44 : i32
    %scan3A_46 = arith.constant 1 : i32
    scf.for %scan3A_152 = %scan3A to %scan3A_45 step %scan3A_46  : i32 {
      %mul3A_153 = arith.constant 4 : i32
      %mul3A_154 = arith.muli %mul3A_153, %scan3A_152 : i32
      %add3A = arith.constant 0 : i32
      %add3A_155 = arith.addi %mul3A_154, %add3A : i32
      %dma_wait3A_156 = arith.constant 0 : i32
      %dma_wait3A_157 = tpu.memref_slice %arg7[%add3A_155, %dma_wait3A_156] : memref<160x128xi32, #tpu.memory_space<vmem>> -> memref<1x128xi32, #tpu.memory_space<vmem>>
      %dma_wait3A_158 = tpu.memref_squeeze %dma_wait3A_157 : memref<1x128xi32, #tpu.memory_space<vmem>> -> memref<128xi32, #tpu.memory_space<vmem>>
      %dma_wait3A_159 = arith.constant 0 : i32
      %dma_wait3A_160 = arith.constant 0 : i32
      %dma_wait3A_161 = tpu.memref_slice %arg2[%arg0, %dma_wait3A_159, %dma_wait3A_160] : memref<2x10000x64xf32, #tpu.memory_space<hbm>> -> memref<1x10000x64xf32, #tpu.memory_space<hbm>>
      %dma_wait3A_162 = tpu.memref_squeeze %dma_wait3A_161 : memref<1x10000x64xf32, #tpu.memory_space<hbm>> -> memref<10000x64xf32, #tpu.memory_space<hbm>>
      %dma_wait3A_163 = arith.constant 0 : i32
      %dma_wait3A_164 = arith.constant 0 : i32
      %dma_wait3A_165 = tpu.memref_slice %dma_wait3A_162[%dma_wait3A_163, %dma_wait3A_164] : memref<10000x64xf32, #tpu.memory_space<hbm>> -> memref<10000x64xf32, #tpu.memory_space<hbm>>
      tpu.wait_indirect_dma semaphore(%arg13 : memref<!tpu.dma_semaphore, #tpu.memory_space<semaphore_mem>>) src(%dma_wait3A_165 : memref<10000x64xf32, #tpu.memory_space<hbm>>) dst(%arg9 : memref<128x64xf32, #tpu.memory_space<vmem>>)
      %dma_start3A_166 = arith.constant 0 : i32
      %dma_start3A_167 = tpu.memref_slice %arg8[%add3A_155, %dma_start3A_166] : memref<160x128xi32, #tpu.memory_space<vmem>> -> memref<1x128xi32, #tpu.memory_space<vmem>>
      %dma_start3A_168 = tpu.memref_squeeze %dma_start3A_167 : memref<1x128xi32, #tpu.memory_space<vmem>> -> memref<128xi32, #tpu.memory_space<vmem>>
      %dma_start3A_169 = arith.constant 0 : i32
      %dma_start3A_170 = arith.constant 0 : i32
      %dma_start3A_171 = tpu.memref_slice %arg21[%dma_start3A_169, %dma_start3A_170] : memref<10240x64xf32, #tpu.memory_space<vmem_shared>> -> memref<10240x64xf32, #tpu.memory_space<vmem_shared>>
      tpu.enqueue_indirect_dma source(%arg9 : memref<128x64xf32, #tpu.memory_space<vmem>>) target(%dma_start3A_171 : memref<10240x64xf32, #tpu.memory_space<vmem_shared>>) offsets(%dma_start3A_168 : memref<128xi32, #tpu.memory_space<vmem>>) semaphore(%arg17 : memref<!tpu.dma_semaphore, #tpu.memory_space<semaphore_mem>>) {add = true}
      %mul3A_172 = arith.constant 4 : i32
      %mul3A_173 = arith.muli %mul3A_172, %scan3A_152 : i32
      %add3A_174 = arith.constant 1 : i32
      %add3A_175 = arith.addi %mul3A_173, %add3A_174 : i32
      %dma_wait3A_176 = arith.constant 0 : i32
      %dma_wait3A_177 = tpu.memref_slice %arg7[%add3A_175, %dma_wait3A_176] : memref<160x128xi32, #tpu.memory_space<vmem>> -> memref<1x128xi32, #tpu.memory_space<vmem>>
      %dma_wait3A_178 = tpu.memref_squeeze %dma_wait3A_177 : memref<1x128xi32, #tpu.memory_space<vmem>> -> memref<128xi32, #tpu.memory_space<vmem>>
      %dma_wait3A_179 = arith.constant 0 : i32
      %dma_wait3A_180 = arith.constant 0 : i32
      %dma_wait3A_181 = tpu.memref_slice %arg2[%arg0, %dma_wait3A_179, %dma_wait3A_180] : memref<2x10000x64xf32, #tpu.memory_space<hbm>> -> memref<1x10000x64xf32, #tpu.memory_space<hbm>>
      %dma_wait3A_182 = tpu.memref_squeeze %dma_wait3A_181 : memref<1x10000x64xf32, #tpu.memory_space<hbm>> -> memref<10000x64xf32, #tpu.memory_space<hbm>>
      %dma_wait3A_183 = arith.constant 0 : i32
      %dma_wait3A_184 = arith.constant 0 : i32
      %dma_wait3A_185 = tpu.memref_slice %dma_wait3A_182[%dma_wait3A_183, %dma_wait3A_184] : memref<10000x64xf32, #tpu.memory_space<hbm>> -> memref<10000x64xf32, #tpu.memory_space<hbm>>
      tpu.wait_indirect_dma semaphore(%arg14 : memref<!tpu.dma_semaphore, #tpu.memory_space<semaphore_mem>>) src(%dma_wait3A_185 : memref<10000x64xf32, #tpu.memory_space<hbm>>) dst(%arg10 : memref<128x64xf32, #tpu.memory_space<vmem>>)
      %dma_start3A_186 = arith.constant 0 : i32
      %dma_start3A_187 = tpu.memref_slice %arg8[%add3A_175, %dma_start3A_186] : memref<160x128xi32, #tpu.memory_space<vmem>> -> memref<1x128xi32, #tpu.memory_space<vmem>>
      %dma_start3A_188 = tpu.memref_squeeze %dma_start3A_187 : memref<1x128xi32, #tpu.memory_space<vmem>> -> memref<128xi32, #tpu.memory_space<vmem>>
      %dma_start3A_189 = arith.constant 0 : i32
      %dma_start3A_190 = arith.constant 0 : i32
      %dma_start3A_191 = tpu.memref_slice %arg21[%dma_start3A_189, %dma_start3A_190] : memref<10240x64xf32, #tpu.memory_space<vmem_shared>> -> memref<10240x64xf32, #tpu.memory_space<vmem_shared>>
      tpu.enqueue_indirect_dma source(%arg10 : memref<128x64xf32, #tpu.memory_space<vmem>>) target(%dma_start3A_191 : memref<10240x64xf32, #tpu.memory_space<vmem_shared>>) offsets(%dma_start3A_188 : memref<128xi32, #tpu.memory_space<vmem>>) semaphore(%arg18 : memref<!tpu.dma_semaphore, #tpu.memory_space<semaphore_mem>>) {add = true}
      %mul3A_192 = arith.constant 4 : i32
      %mul3A_193 = arith.muli %mul3A_192, %scan3A_152 : i32
      %add3A_194 = arith.constant 2 : i32
      %add3A_195 = arith.addi %mul3A_193, %add3A_194 : i32
      %dma_wait3A_196 = arith.constant 0 : i32
      %dma_wait3A_197 = tpu.memref_slice %arg7[%add3A_195, %dma_wait3A_196] : memref<160x128xi32, #tpu.memory_space<vmem>> -> memref<1x128xi32, #tpu.memory_space<vmem>>
      %dma_wait3A_198 = tpu.memref_squeeze %dma_wait3A_197 : memref<1x128xi32, #tpu.memory_space<vmem>> -> memref<128xi32, #tpu.memory_space<vmem>>
      %dma_wait3A_199 = arith.constant 0 : i32
      %dma_wait3A_200 = arith.constant 0 : i32
      %dma_wait3A_201 = tpu.memref_slice %arg2[%arg0, %dma_wait3A_199, %dma_wait3A_200] : memref<2x10000x64xf32, #tpu.memory_space<hbm>> -> memref<1x10000x64xf32, #tpu.memory_space<hbm>>
      %dma_wait3A_202 = tpu.memref_squeeze %dma_wait3A_201 : memref<1x10000x64xf32, #tpu.memory_space<hbm>> -> memref<10000x64xf32, #tpu.memory_space<hbm>>
      %dma_wait3A_203 = arith.constant 0 : i32
      %dma_wait3A_204 = arith.constant 0 : i32
      %dma_wait3A_205 = tpu.memref_slice %dma_wait3A_202[%dma_wait3A_203, %dma_wait3A_204] : memref<10000x64xf32, #tpu.memory_space<hbm>> -> memref<10000x64xf32, #tpu.memory_space<hbm>>
      tpu.wait_indirect_dma semaphore(%arg15 : memref<!tpu.dma_semaphore, #tpu.memory_space<semaphore_mem>>) src(%dma_wait3A_205 : memref<10000x64xf32, #tpu.memory_space<hbm>>) dst(%arg11 : memref<128x64xf32, #tpu.memory_space<vmem>>)
      %dma_start3A_206 = arith.constant 0 : i32
      %dma_start3A_207 = tpu.memref_slice %arg8[%add3A_195, %dma_start3A_206] : memref<160x128xi32, #tpu.memory_space<vmem>> -> memref<1x128xi32, #tpu.memory_space<vmem>>
      %dma_start3A_208 = tpu.memref_squeeze %dma_start3A_207 : memref<1x128xi32, #tpu.memory_space<vmem>> -> memref<128xi32, #tpu.memory_space<vmem>>
      %dma_start3A_209 = arith.constant 0 : i32
      %dma_start3A_210 = arith.constant 0 : i32
      %dma_start3A_211 = tpu.memref_slice %arg21[%dma_start3A_209, %dma_start3A_210] : memref<10240x64xf32, #tpu.memory_space<vmem_shared>> -> memref<10240x64xf32, #tpu.memory_space<vmem_shared>>
      tpu.enqueue_indirect_dma source(%arg11 : memref<128x64xf32, #tpu.memory_space<vmem>>) target(%dma_start3A_211 : memref<10240x64xf32, #tpu.memory_space<vmem_shared>>) offsets(%dma_start3A_208 : memref<128xi32, #tpu.memory_space<vmem>>) semaphore(%arg19 : memref<!tpu.dma_semaphore, #tpu.memory_space<semaphore_mem>>) {add = true}
      %mul3A_212 = arith.constant 4 : i32
      %mul3A_213 = arith.muli %mul3A_212, %scan3A_152 : i32
      %add3A_214 = arith.constant 3 : i32
      %add3A_215 = arith.addi %mul3A_213, %add3A_214 : i32
      %dma_wait3A_216 = arith.constant 0 : i32
      %dma_wait3A_217 = tpu.memref_slice %arg7[%add3A_215, %dma_wait3A_216] : memref<160x128xi32, #tpu.memory_space<vmem>> -> memref<1x128xi32, #tpu.memory_space<vmem>>
      %dma_wait3A_218 = tpu.memref_squeeze %dma_wait3A_217 : memref<1x128xi32, #tpu.memory_space<vmem>> -> memref<128xi32, #tpu.memory_space<vmem>>
      %dma_wait3A_219 = arith.constant 0 : i32
      %dma_wait3A_220 = arith.constant 0 : i32
      %dma_wait3A_221 = tpu.memref_slice %arg2[%arg0, %dma_wait3A_219, %dma_wait3A_220] : memref<2x10000x64xf32, #tpu.memory_space<hbm>> -> memref<1x10000x64xf32, #tpu.memory_space<hbm>>
      %dma_wait3A_222 = tpu.memref_squeeze %dma_wait3A_221 : memref<1x10000x64xf32, #tpu.memory_space<hbm>> -> memref<10000x64xf32, #tpu.memory_space<hbm>>
      %dma_wait3A_223 = arith.constant 0 : i32
      %dma_wait3A_224 = arith.constant 0 : i32
      %dma_wait3A_225 = tpu.memref_slice %dma_wait3A_222[%dma_wait3A_223, %dma_wait3A_224] : memref<10000x64xf32, #tpu.memory_space<hbm>> -> memref<10000x64xf32, #tpu.memory_space<hbm>>
      tpu.wait_indirect_dma semaphore(%arg16 : memref<!tpu.dma_semaphore, #tpu.memory_space<semaphore_mem>>) src(%dma_wait3A_225 : memref<10000x64xf32, #tpu.memory_space<hbm>>) dst(%arg12 : memref<128x64xf32, #tpu.memory_space<vmem>>)
      %dma_start3A_226 = arith.constant 0 : i32
      %dma_start3A_227 = tpu.memref_slice %arg8[%add3A_215, %dma_start3A_226] : memref<160x128xi32, #tpu.memory_space<vmem>> -> memref<1x128xi32, #tpu.memory_space<vmem>>
      %dma_start3A_228 = tpu.memref_squeeze %dma_start3A_227 : memref<1x128xi32, #tpu.memory_space<vmem>> -> memref<128xi32, #tpu.memory_space<vmem>>
      %dma_start3A_229 = arith.constant 0 : i32
      %dma_start3A_230 = arith.constant 0 : i32
      %dma_start3A_231 = tpu.memref_slice %arg21[%dma_start3A_229, %dma_start3A_230] : memref<10240x64xf32, #tpu.memory_space<vmem_shared>> -> memref<10240x64xf32, #tpu.memory_space<vmem_shared>>
      tpu.enqueue_indirect_dma source(%arg12 : memref<128x64xf32, #tpu.memory_space<vmem>>) target(%dma_start3A_231 : memref<10240x64xf32, #tpu.memory_space<vmem_shared>>) offsets(%dma_start3A_228 : memref<128xi32, #tpu.memory_space<vmem>>) semaphore(%arg20 : memref<!tpu.dma_semaphore, #tpu.memory_space<semaphore_mem>>) {add = true}
      %mul3A_232 = arith.constant 4 : i32
      %mul3A_233 = arith.muli %mul3A_232, %scan3A_152 : i32
      %add3A_234 = arith.constant 0 : i32
      %add3A_235 = arith.addi %mul3A_233, %add3A_234 : i32
      %dma_wait3A_236 = arith.constant 0 : i32
      %dma_wait3A_237 = tpu.memref_slice %arg8[%add3A_235, %dma_wait3A_236] : memref<160x128xi32, #tpu.memory_space<vmem>> -> memref<1x128xi32, #tpu.memory_space<vmem>>
      %dma_wait3A_238 = tpu.memref_squeeze %dma_wait3A_237 : memref<1x128xi32, #tpu.memory_space<vmem>> -> memref<128xi32, #tpu.memory_space<vmem>>
      %dma_wait3A_239 = arith.constant 0 : i32
      %dma_wait3A_240 = arith.constant 0 : i32
      %dma_wait3A_241 = tpu.memref_slice %arg21[%dma_wait3A_239, %dma_wait3A_240] : memref<10240x64xf32, #tpu.memory_space<vmem_shared>> -> memref<10240x64xf32, #tpu.memory_space<vmem_shared>>
      tpu.wait_indirect_dma semaphore(%arg17 : memref<!tpu.dma_semaphore, #tpu.memory_space<semaphore_mem>>) src(%arg9 : memref<128x64xf32, #tpu.memory_space<vmem>>) dst(%dma_wait3A_241 : memref<10240x64xf32, #tpu.memory_space<vmem_shared>>)
      %add3A_242 = arith.constant 4 : i32
      %add3A_243 = arith.addi %add3A_235, %add3A_242 : i32
      %dma_start3A_244 = arith.constant 0 : i32
      %dma_start3A_245 = tpu.memref_slice %arg7[%add3A_243, %dma_start3A_244] : memref<160x128xi32, #tpu.memory_space<vmem>> -> memref<1x128xi32, #tpu.memory_space<vmem>>
      %dma_start3A_246 = tpu.memref_squeeze %dma_start3A_245 : memref<1x128xi32, #tpu.memory_space<vmem>> -> memref<128xi32, #tpu.memory_space<vmem>>
      %dma_start3A_247 = arith.constant 0 : i32
      %dma_start3A_248 = arith.constant 0 : i32
      %dma_start3A_249 = tpu.memref_slice %arg2[%arg0, %dma_start3A_247, %dma_start3A_248] : memref<2x10000x64xf32, #tpu.memory_space<hbm>> -> memref<1x10000x64xf32, #tpu.memory_space<hbm>>
      %dma_start3A_250 = tpu.memref_squeeze %dma_start3A_249 : memref<1x10000x64xf32, #tpu.memory_space<hbm>> -> memref<10000x64xf32, #tpu.memory_space<hbm>>
      %dma_start3A_251 = arith.constant 0 : i32
      %dma_start3A_252 = arith.constant 0 : i32
      %dma_start3A_253 = tpu.memref_slice %dma_start3A_250[%dma_start3A_251, %dma_start3A_252] : memref<10000x64xf32, #tpu.memory_space<hbm>> -> memref<10000x64xf32, #tpu.memory_space<hbm>>
      tpu.enqueue_indirect_dma source(%dma_start3A_253 : memref<10000x64xf32, #tpu.memory_space<hbm>>) target(%arg9 : memref<128x64xf32, #tpu.memory_space<vmem>>) offsets(%dma_start3A_246 : memref<128xi32, #tpu.memory_space<vmem>>) semaphore(%arg13 : memref<!tpu.dma_semaphore, #tpu.memory_space<semaphore_mem>>)
      %mul3A_254 = arith.constant 4 : i32
      %mul3A_255 = arith.muli %mul3A_254, %scan3A_152 : i32
      %add3A_256 = arith.constant 1 : i32
      %add3A_257 = arith.addi %mul3A_255, %add3A_256 : i32
      %dma_wait3A_258 = arith.constant 0 : i32
      %dma_wait3A_259 = tpu.memref_slice %arg8[%add3A_257, %dma_wait3A_258] : memref<160x128xi32, #tpu.memory_space<vmem>> -> memref<1x128xi32, #tpu.memory_space<vmem>>
      %dma_wait3A_260 = tpu.memref_squeeze %dma_wait3A_259 : memref<1x128xi32, #tpu.memory_space<vmem>> -> memref<128xi32, #tpu.memory_space<vmem>>
      %dma_wait3A_261 = arith.constant 0 : i32
      %dma_wait3A_262 = arith.constant 0 : i32
      %dma_wait3A_263 = tpu.memref_slice %arg21[%dma_wait3A_261, %dma_wait3A_262] : memref<10240x64xf32, #tpu.memory_space<vmem_shared>> -> memref<10240x64xf32, #tpu.memory_space<vmem_shared>>
      tpu.wait_indirect_dma semaphore(%arg18 : memref<!tpu.dma_semaphore, #tpu.memory_space<semaphore_mem>>) src(%arg10 : memref<128x64xf32, #tpu.memory_space<vmem>>) dst(%dma_wait3A_263 : memref<10240x64xf32, #tpu.memory_space<vmem_shared>>)
      %add3A_264 = arith.constant 4 : i32
      %add3A_265 = arith.addi %add3A_257, %add3A_264 : i32
      %dma_start3A_266 = arith.constant 0 : i32
      %dma_start3A_267 = tpu.memref_slice %arg7[%add3A_265, %dma_start3A_266] : memref<160x128xi32, #tpu.memory_space<vmem>> -> memref<1x128xi32, #tpu.memory_space<vmem>>
      %dma_start3A_268 = tpu.memref_squeeze %dma_start3A_267 : memref<1x128xi32, #tpu.memory_space<vmem>> -> memref<128xi32, #tpu.memory_space<vmem>>
      %dma_start3A_269 = arith.constant 0 : i32
      %dma_start3A_270 = arith.constant 0 : i32
      %dma_start3A_271 = tpu.memref_slice %arg2[%arg0, %dma_start3A_269, %dma_start3A_270] : memref<2x10000x64xf32, #tpu.memory_space<hbm>> -> memref<1x10000x64xf32, #tpu.memory_space<hbm>>
      %dma_start3A_272 = tpu.memref_squeeze %dma_start3A_271 : memref<1x10000x64xf32, #tpu.memory_space<hbm>> -> memref<10000x64xf32, #tpu.memory_space<hbm>>
      %dma_start3A_273 = arith.constant 0 : i32
      %dma_start3A_274 = arith.constant 0 : i32
      %dma_start3A_275 = tpu.memref_slice %dma_start3A_272[%dma_start3A_273, %dma_start3A_274] : memref<10000x64xf32, #tpu.memory_space<hbm>> -> memref<10000x64xf32, #tpu.memory_space<hbm>>
      tpu.enqueue_indirect_dma source(%dma_start3A_275 : memref<10000x64xf32, #tpu.memory_space<hbm>>) target(%arg10 : memref<128x64xf32, #tpu.memory_space<vmem>>) offsets(%dma_start3A_268 : memref<128xi32, #tpu.memory_space<vmem>>) semaphore(%arg14 : memref<!tpu.dma_semaphore, #tpu.memory_space<semaphore_mem>>)
      %mul3A_276 = arith.constant 4 : i32
      %mul3A_277 = arith.muli %mul3A_276, %scan3A_152 : i32
      %add3A_278 = arith.constant 2 : i32
      %add3A_279 = arith.addi %mul3A_277, %add3A_278 : i32
      %dma_wait3A_280 = arith.constant 0 : i32
      %dma_wait3A_281 = tpu.memref_slice %arg8[%add3A_279, %dma_wait3A_280] : memref<160x128xi32, #tpu.memory_space<vmem>> -> memref<1x128xi32, #tpu.memory_space<vmem>>
      %dma_wait3A_282 = tpu.memref_squeeze %dma_wait3A_281 : memref<1x128xi32, #tpu.memory_space<vmem>> -> memref<128xi32, #tpu.memory_space<vmem>>
      %dma_wait3A_283 = arith.constant 0 : i32
      %dma_wait3A_284 = arith.constant 0 : i32
      %dma_wait3A_285 = tpu.memref_slice %arg21[%dma_wait3A_283, %dma_wait3A_284] : memref<10240x64xf32, #tpu.memory_space<vmem_shared>> -> memref<10240x64xf32, #tpu.memory_space<vmem_shared>>
      tpu.wait_indirect_dma semaphore(%arg19 : memref<!tpu.dma_semaphore, #tpu.memory_space<semaphore_mem>>) src(%arg11 : memref<128x64xf32, #tpu.memory_space<vmem>>) dst(%dma_wait3A_285 : memref<10240x64xf32, #tpu.memory_space<vmem_shared>>)
      %add3A_286 = arith.constant 4 : i32
      %add3A_287 = arith.addi %add3A_279, %add3A_286 : i32
      %dma_start3A_288 = arith.constant 0 : i32
      %dma_start3A_289 = tpu.memref_slice %arg7[%add3A_287, %dma_start3A_288] : memref<160x128xi32, #tpu.memory_space<vmem>> -> memref<1x128xi32, #tpu.memory_space<vmem>>
      %dma_start3A_290 = tpu.memref_squeeze %dma_start3A_289 : memref<1x128xi32, #tpu.memory_space<vmem>> -> memref<128xi32, #tpu.memory_space<vmem>>
      %dma_start3A_291 = arith.constant 0 : i32
      %dma_start3A_292 = arith.constant 0 : i32
      %dma_start3A_293 = tpu.memref_slice %arg2[%arg0, %dma_start3A_291, %dma_start3A_292] : memref<2x10000x64xf32, #tpu.memory_space<hbm>> -> memref<1x10000x64xf32, #tpu.memory_space<hbm>>
      %dma_start3A_294 = tpu.memref_squeeze %dma_start3A_293 : memref<1x10000x64xf32, #tpu.memory_space<hbm>> -> memref<10000x64xf32, #tpu.memory_space<hbm>>
      %dma_start3A_295 = arith.constant 0 : i32
      %dma_start3A_296 = arith.constant 0 : i32
      %dma_start3A_297 = tpu.memref_slice %dma_start3A_294[%dma_start3A_295, %dma_start3A_296] : memref<10000x64xf32, #tpu.memory_space<hbm>> -> memref<10000x64xf32, #tpu.memory_space<hbm>>
      tpu.enqueue_indirect_dma source(%dma_start3A_297 : memref<10000x64xf32, #tpu.memory_space<hbm>>) target(%arg11 : memref<128x64xf32, #tpu.memory_space<vmem>>) offsets(%dma_start3A_290 : memref<128xi32, #tpu.memory_space<vmem>>) semaphore(%arg15 : memref<!tpu.dma_semaphore, #tpu.memory_space<semaphore_mem>>)
      %mul3A_298 = arith.constant 4 : i32
      %mul3A_299 = arith.muli %mul3A_298, %scan3A_152 : i32
      %add3A_300 = arith.constant 3 : i32
      %add3A_301 = arith.addi %mul3A_299, %add3A_300 : i32
      %dma_wait3A_302 = arith.constant 0 : i32
      %dma_wait3A_303 = tpu.memref_slice %arg8[%add3A_301, %dma_wait3A_302] : memref<160x128xi32, #tpu.memory_space<vmem>> -> memref<1x128xi32, #tpu.memory_space<vmem>>
      %dma_wait3A_304 = tpu.memref_squeeze %dma_wait3A_303 : memref<1x128xi32, #tpu.memory_space<vmem>> -> memref<128xi32, #tpu.memory_space<vmem>>
      %dma_wait3A_305 = arith.constant 0 : i32
      %dma_wait3A_306 = arith.constant 0 : i32
      %dma_wait3A_307 = tpu.memref_slice %arg21[%dma_wait3A_305, %dma_wait3A_306] : memref<10240x64xf32, #tpu.memory_space<vmem_shared>> -> memref<10240x64xf32, #tpu.memory_space<vmem_shared>>
      tpu.wait_indirect_dma semaphore(%arg20 : memref<!tpu.dma_semaphore, #tpu.memory_space<semaphore_mem>>) src(%arg12 : memref<128x64xf32, #tpu.memory_space<vmem>>) dst(%dma_wait3A_307 : memref<10240x64xf32, #tpu.memory_space<vmem_shared>>)
      %add3A_308 = arith.constant 4 : i32
      %add3A_309 = arith.addi %add3A_301, %add3A_308 : i32
      %dma_start3A_310 = arith.constant 0 : i32
      %dma_start3A_311 = tpu.memref_slice %arg7[%add3A_309, %dma_start3A_310] : memref<160x128xi32, #tpu.memory_space<vmem>> -> memref<1x128xi32, #tpu.memory_space<vmem>>
      %dma_start3A_312 = tpu.memref_squeeze %dma_start3A_311 : memref<1x128xi32, #tpu.memory_space<vmem>> -> memref<128xi32, #tpu.memory_space<vmem>>
      %dma_start3A_313 = arith.constant 0 : i32
      %dma_start3A_314 = arith.constant 0 : i32
      %dma_start3A_315 = tpu.memref_slice %arg2[%arg0, %dma_start3A_313, %dma_start3A_314] : memref<2x10000x64xf32, #tpu.memory_space<hbm>> -> memref<1x10000x64xf32, #tpu.memory_space<hbm>>
      %dma_start3A_316 = tpu.memref_squeeze %dma_start3A_315 : memref<1x10000x64xf32, #tpu.memory_space<hbm>> -> memref<10000x64xf32, #tpu.memory_space<hbm>>
      %dma_start3A_317 = arith.constant 0 : i32
      %dma_start3A_318 = arith.constant 0 : i32
      %dma_start3A_319 = tpu.memref_slice %dma_start3A_316[%dma_start3A_317, %dma_start3A_318] : memref<10000x64xf32, #tpu.memory_space<hbm>> -> memref<10000x64xf32, #tpu.memory_space<hbm>>
      tpu.enqueue_indirect_dma source(%dma_start3A_319 : memref<10000x64xf32, #tpu.memory_space<hbm>>) target(%arg12 : memref<128x64xf32, #tpu.memory_space<vmem>>) offsets(%dma_start3A_312 : memref<128xi32, #tpu.memory_space<vmem>>) semaphore(%arg16 : memref<!tpu.dma_semaphore, #tpu.memory_space<semaphore_mem>>)
    }
    %scan3A_47 = arith.constant 39 : i32
    %dma_wait3A = arith.constant 156 : i32
    %dma_wait3A_48 = arith.constant 0 : i32
    %dma_wait3A_49 = tpu.memref_slice %arg7[%dma_wait3A, %dma_wait3A_48] : memref<160x128xi32, #tpu.memory_space<vmem>> -> memref<1x128xi32, #tpu.memory_space<vmem>>
    %dma_wait3A_50 = tpu.memref_squeeze %dma_wait3A_49 : memref<1x128xi32, #tpu.memory_space<vmem>> -> memref<128xi32, #tpu.memory_space<vmem>>
    %dma_wait3A_51 = arith.constant 0 : i32
    %dma_wait3A_52 = arith.constant 0 : i32
    %dma_wait3A_53 = tpu.memref_slice %arg2[%arg0, %dma_wait3A_51, %dma_wait3A_52] : memref<2x10000x64xf32, #tpu.memory_space<hbm>> -> memref<1x10000x64xf32, #tpu.memory_space<hbm>>
    %dma_wait3A_54 = tpu.memref_squeeze %dma_wait3A_53 : memref<1x10000x64xf32, #tpu.memory_space<hbm>> -> memref<10000x64xf32, #tpu.memory_space<hbm>>
    %dma_wait3A_55 = arith.constant 0 : i32
    %dma_wait3A_56 = arith.constant 0 : i32
    %dma_wait3A_57 = tpu.memref_slice %dma_wait3A_54[%dma_wait3A_55, %dma_wait3A_56] : memref<10000x64xf32, #tpu.memory_space<hbm>> -> memref<10000x64xf32, #tpu.memory_space<hbm>>
    tpu.wait_indirect_dma semaphore(%arg13 : memref<!tpu.dma_semaphore, #tpu.memory_space<semaphore_mem>>) src(%dma_wait3A_57 : memref<10000x64xf32, #tpu.memory_space<hbm>>) dst(%arg9 : memref<128x64xf32, #tpu.memory_space<vmem>>)
    %dma_start3A_58 = arith.constant 156 : i32
    %dma_start3A_59 = arith.constant 0 : i32
    %dma_start3A_60 = tpu.memref_slice %arg8[%dma_start3A_58, %dma_start3A_59] : memref<160x128xi32, #tpu.memory_space<vmem>> -> memref<1x128xi32, #tpu.memory_space<vmem>>
    %dma_start3A_61 = tpu.memref_squeeze %dma_start3A_60 : memref<1x128xi32, #tpu.memory_space<vmem>> -> memref<128xi32, #tpu.memory_space<vmem>>
    %dma_start3A_62 = arith.constant 0 : i32
    %dma_start3A_63 = arith.constant 0 : i32
    %dma_start3A_64 = tpu.memref_slice %arg21[%dma_start3A_62, %dma_start3A_63] : memref<10240x64xf32, #tpu.memory_space<vmem_shared>> -> memref<10240x64xf32, #tpu.memory_space<vmem_shared>>
    tpu.enqueue_indirect_dma source(%arg9 : memref<128x64xf32, #tpu.memory_space<vmem>>) target(%dma_start3A_64 : memref<10240x64xf32, #tpu.memory_space<vmem_shared>>) offsets(%dma_start3A_61 : memref<128xi32, #tpu.memory_space<vmem>>) semaphore(%arg17 : memref<!tpu.dma_semaphore, #tpu.memory_space<semaphore_mem>>) {add = true}
    %dma_wait3A_65 = arith.constant 157 : i32
    %dma_wait3A_66 = arith.constant 0 : i32
    %dma_wait3A_67 = tpu.memref_slice %arg7[%dma_wait3A_65, %dma_wait3A_66] : memref<160x128xi32, #tpu.memory_space<vmem>> -> memref<1x128xi32, #tpu.memory_space<vmem>>
    %dma_wait3A_68 = tpu.memref_squeeze %dma_wait3A_67 : memref<1x128xi32, #tpu.memory_space<vmem>> -> memref<128xi32, #tpu.memory_space<vmem>>
    %dma_wait3A_69 = arith.constant 0 : i32
    %dma_wait3A_70 = arith.constant 0 : i32
    %dma_wait3A_71 = tpu.memref_slice %arg2[%arg0, %dma_wait3A_69, %dma_wait3A_70] : memref<2x10000x64xf32, #tpu.memory_space<hbm>> -> memref<1x10000x64xf32, #tpu.memory_space<hbm>>
    %dma_wait3A_72 = tpu.memref_squeeze %dma_wait3A_71 : memref<1x10000x64xf32, #tpu.memory_space<hbm>> -> memref<10000x64xf32, #tpu.memory_space<hbm>>
    %dma_wait3A_73 = arith.constant 0 : i32
    %dma_wait3A_74 = arith.constant 0 : i32
    %dma_wait3A_75 = tpu.memref_slice %dma_wait3A_72[%dma_wait3A_73, %dma_wait3A_74] : memref<10000x64xf32, #tpu.memory_space<hbm>> -> memref<10000x64xf32, #tpu.memory_space<hbm>>
    tpu.wait_indirect_dma semaphore(%arg14 : memref<!tpu.dma_semaphore, #tpu.memory_space<semaphore_mem>>) src(%dma_wait3A_75 : memref<10000x64xf32, #tpu.memory_space<hbm>>) dst(%arg10 : memref<128x64xf32, #tpu.memory_space<vmem>>)
    %dma_start3A_76 = arith.constant 157 : i32
    %dma_start3A_77 = arith.constant 0 : i32
    %dma_start3A_78 = tpu.memref_slice %arg8[%dma_start3A_76, %dma_start3A_77] : memref<160x128xi32, #tpu.memory_space<vmem>> -> memref<1x128xi32, #tpu.memory_space<vmem>>
    %dma_start3A_79 = tpu.memref_squeeze %dma_start3A_78 : memref<1x128xi32, #tpu.memory_space<vmem>> -> memref<128xi32, #tpu.memory_space<vmem>>
    %dma_start3A_80 = arith.constant 0 : i32
    %dma_start3A_81 = arith.constant 0 : i32
    %dma_start3A_82 = tpu.memref_slice %arg21[%dma_start3A_80, %dma_start3A_81] : memref<10240x64xf32, #tpu.memory_space<vmem_shared>> -> memref<10240x64xf32, #tpu.memory_space<vmem_shared>>
    tpu.enqueue_indirect_dma source(%arg10 : memref<128x64xf32, #tpu.memory_space<vmem>>) target(%dma_start3A_82 : memref<10240x64xf32, #tpu.memory_space<vmem_shared>>) offsets(%dma_start3A_79 : memref<128xi32, #tpu.memory_space<vmem>>) semaphore(%arg18 : memref<!tpu.dma_semaphore, #tpu.memory_space<semaphore_mem>>) {add = true}
    %dma_wait3A_83 = arith.constant 158 : i32
    %dma_wait3A_84 = arith.constant 0 : i32
    %dma_wait3A_85 = tpu.memref_slice %arg7[%dma_wait3A_83, %dma_wait3A_84] : memref<160x128xi32, #tpu.memory_space<vmem>> -> memref<1x128xi32, #tpu.memory_space<vmem>>
    %dma_wait3A_86 = tpu.memref_squeeze %dma_wait3A_85 : memref<1x128xi32, #tpu.memory_space<vmem>> -> memref<128xi32, #tpu.memory_space<vmem>>
    %dma_wait3A_87 = arith.constant 0 : i32
    %dma_wait3A_88 = arith.constant 0 : i32
    %dma_wait3A_89 = tpu.memref_slice %arg2[%arg0, %dma_wait3A_87, %dma_wait3A_88] : memref<2x10000x64xf32, #tpu.memory_space<hbm>> -> memref<1x10000x64xf32, #tpu.memory_space<hbm>>
    %dma_wait3A_90 = tpu.memref_squeeze %dma_wait3A_89 : memref<1x10000x64xf32, #tpu.memory_space<hbm>> -> memref<10000x64xf32, #tpu.memory_space<hbm>>
    %dma_wait3A_91 = arith.constant 0 : i32
    %dma_wait3A_92 = arith.constant 0 : i32
    %dma_wait3A_93 = tpu.memref_slice %dma_wait3A_90[%dma_wait3A_91, %dma_wait3A_92] : memref<10000x64xf32, #tpu.memory_space<hbm>> -> memref<10000x64xf32, #tpu.memory_space<hbm>>
    tpu.wait_indirect_dma semaphore(%arg15 : memref<!tpu.dma_semaphore, #tpu.memory_space<semaphore_mem>>) src(%dma_wait3A_93 : memref<10000x64xf32, #tpu.memory_space<hbm>>) dst(%arg11 : memref<128x64xf32, #tpu.memory_space<vmem>>)
    %dma_start3A_94 = arith.constant 158 : i32
    %dma_start3A_95 = arith.constant 0 : i32
    %dma_start3A_96 = tpu.memref_slice %arg8[%dma_start3A_94, %dma_start3A_95] : memref<160x128xi32, #tpu.memory_space<vmem>> -> memref<1x128xi32, #tpu.memory_space<vmem>>
    %dma_start3A_97 = tpu.memref_squeeze %dma_start3A_96 : memref<1x128xi32, #tpu.memory_space<vmem>> -> memref<128xi32, #tpu.memory_space<vmem>>
    %dma_start3A_98 = arith.constant 0 : i32
    %dma_start3A_99 = arith.constant 0 : i32
    %dma_start3A_100 = tpu.memref_slice %arg21[%dma_start3A_98, %dma_start3A_99] : memref<10240x64xf32, #tpu.memory_space<vmem_shared>> -> memref<10240x64xf32, #tpu.memory_space<vmem_shared>>
    tpu.enqueue_indirect_dma source(%arg11 : memref<128x64xf32, #tpu.memory_space<vmem>>) target(%dma_start3A_100 : memref<10240x64xf32, #tpu.memory_space<vmem_shared>>) offsets(%dma_start3A_97 : memref<128xi32, #tpu.memory_space<vmem>>) semaphore(%arg19 : memref<!tpu.dma_semaphore, #tpu.memory_space<semaphore_mem>>) {add = true}
    %dma_wait3A_101 = arith.constant 159 : i32
    %dma_wait3A_102 = arith.constant 0 : i32
    %dma_wait3A_103 = tpu.memref_slice %arg7[%dma_wait3A_101, %dma_wait3A_102] : memref<160x128xi32, #tpu.memory_space<vmem>> -> memref<1x128xi32, #tpu.memory_space<vmem>>
    %dma_wait3A_104 = tpu.memref_squeeze %dma_wait3A_103 : memref<1x128xi32, #tpu.memory_space<vmem>> -> memref<128xi32, #tpu.memory_space<vmem>>
    %dma_wait3A_105 = arith.constant 0 : i32
    %dma_wait3A_106 = arith.constant 0 : i32
    %dma_wait3A_107 = tpu.memref_slice %arg2[%arg0, %dma_wait3A_105, %dma_wait3A_106] : memref<2x10000x64xf32, #tpu.memory_space<hbm>> -> memref<1x10000x64xf32, #tpu.memory_space<hbm>>
    %dma_wait3A_108 = tpu.memref_squeeze %dma_wait3A_107 : memref<1x10000x64xf32, #tpu.memory_space<hbm>> -> memref<10000x64xf32, #tpu.memory_space<hbm>>
    %dma_wait3A_109 = arith.constant 0 : i32
    %dma_wait3A_110 = arith.constant 0 : i32
    %dma_wait3A_111 = tpu.memref_slice %dma_wait3A_108[%dma_wait3A_109, %dma_wait3A_110] : memref<10000x64xf32, #tpu.memory_space<hbm>> -> memref<10000x64xf32, #tpu.memory_space<hbm>>
    tpu.wait_indirect_dma semaphore(%arg16 : memref<!tpu.dma_semaphore, #tpu.memory_space<semaphore_mem>>) src(%dma_wait3A_111 : memref<10000x64xf32, #tpu.memory_space<hbm>>) dst(%arg12 : memref<128x64xf32, #tpu.memory_space<vmem>>)
    %dma_start3A_112 = arith.constant 159 : i32
    %dma_start3A_113 = arith.constant 0 : i32
    %dma_start3A_114 = tpu.memref_slice %arg8[%dma_start3A_112, %dma_start3A_113] : memref<160x128xi32, #tpu.memory_space<vmem>> -> memref<1x128xi32, #tpu.memory_space<vmem>>
    %dma_start3A_115 = tpu.memref_squeeze %dma_start3A_114 : memref<1x128xi32, #tpu.memory_space<vmem>> -> memref<128xi32, #tpu.memory_space<vmem>>
    %dma_start3A_116 = arith.constant 0 : i32
    %dma_start3A_117 = arith.constant 0 : i32
    %dma_start3A_118 = tpu.memref_slice %arg21[%dma_start3A_116, %dma_start3A_117] : memref<10240x64xf32, #tpu.memory_space<vmem_shared>> -> memref<10240x64xf32, #tpu.memory_space<vmem_shared>>
    tpu.enqueue_indirect_dma source(%arg12 : memref<128x64xf32, #tpu.memory_space<vmem>>) target(%dma_start3A_118 : memref<10240x64xf32, #tpu.memory_space<vmem_shared>>) offsets(%dma_start3A_115 : memref<128xi32, #tpu.memory_space<vmem>>) semaphore(%arg20 : memref<!tpu.dma_semaphore, #tpu.memory_space<semaphore_mem>>) {add = true}
    %dma_wait3A_119 = arith.constant 156 : i32
    %dma_wait3A_120 = arith.constant 0 : i32
    %dma_wait3A_121 = tpu.memref_slice %arg8[%dma_wait3A_119, %dma_wait3A_120] : memref<160x128xi32, #tpu.memory_space<vmem>> -> memref<1x128xi32, #tpu.memory_space<vmem>>
    %dma_wait3A_122 = tpu.memref_squeeze %dma_wait3A_121 : memref<1x128xi32, #tpu.memory_space<vmem>> -> memref<128xi32, #tpu.memory_space<vmem>>
    %dma_wait3A_123 = arith.constant 0 : i32
    %dma_wait3A_124 = arith.constant 0 : i32
    %dma_wait3A_125 = tpu.memref_slice %arg21[%dma_wait3A_123, %dma_wait3A_124] : memref<10240x64xf32, #tpu.memory_space<vmem_shared>> -> memref<10240x64xf32, #tpu.memory_space<vmem_shared>>
    tpu.wait_indirect_dma semaphore(%arg17 : memref<!tpu.dma_semaphore, #tpu.memory_space<semaphore_mem>>) src(%arg9 : memref<128x64xf32, #tpu.memory_space<vmem>>) dst(%dma_wait3A_125 : memref<10240x64xf32, #tpu.memory_space<vmem_shared>>)
    %dma_wait3A_126 = arith.constant 157 : i32
    %dma_wait3A_127 = arith.constant 0 : i32
    %dma_wait3A_128 = tpu.memref_slice %arg8[%dma_wait3A_126, %dma_wait3A_127] : memref<160x128xi32, #tpu.memory_space<vmem>> -> memref<1x128xi32, #tpu.memory_space<vmem>>
    %dma_wait3A_129 = tpu.memref_squeeze %dma_wait3A_128 : memref<1x128xi32, #tpu.memory_space<vmem>> -> memref<128xi32, #tpu.memory_space<vmem>>
    %dma_wait3A_130 = arith.constant 0 : i32
    %dma_wait3A_131 = arith.constant 0 : i32
    %dma_wait3A_132 = tpu.memref_slice %arg21[%dma_wait3A_130, %dma_wait3A_131] : memref<10240x64xf32, #tpu.memory_space<vmem_shared>> -> memref<10240x64xf32, #tpu.memory_space<vmem_shared>>
    tpu.wait_indirect_dma semaphore(%arg18 : memref<!tpu.dma_semaphore, #tpu.memory_space<semaphore_mem>>) src(%arg10 : memref<128x64xf32, #tpu.memory_space<vmem>>) dst(%dma_wait3A_132 : memref<10240x64xf32, #tpu.memory_space<vmem_shared>>)
    %dma_wait3A_133 = arith.constant 158 : i32
    %dma_wait3A_134 = arith.constant 0 : i32
    %dma_wait3A_135 = tpu.memref_slice %arg8[%dma_wait3A_133, %dma_wait3A_134] : memref<160x128xi32, #tpu.memory_space<vmem>> -> memref<1x128xi32, #tpu.memory_space<vmem>>
    %dma_wait3A_136 = tpu.memref_squeeze %dma_wait3A_135 : memref<1x128xi32, #tpu.memory_space<vmem>> -> memref<128xi32, #tpu.memory_space<vmem>>
    %dma_wait3A_137 = arith.constant 0 : i32
    %dma_wait3A_138 = arith.constant 0 : i32
    %dma_wait3A_139 = tpu.memref_slice %arg21[%dma_wait3A_137, %dma_wait3A_138] : memref<10240x64xf32, #tpu.memory_space<vmem_shared>> -> memref<10240x64xf32, #tpu.memory_space<vmem_shared>>
    tpu.wait_indirect_dma semaphore(%arg19 : memref<!tpu.dma_semaphore, #tpu.memory_space<semaphore_mem>>) src(%arg11 : memref<128x64xf32, #tpu.memory_space<vmem>>) dst(%dma_wait3A_139 : memref<10240x64xf32, #tpu.memory_space<vmem_shared>>)
    %dma_wait3A_140 = arith.constant 159 : i32
    %dma_wait3A_141 = arith.constant 0 : i32
    %dma_wait3A_142 = tpu.memref_slice %arg8[%dma_wait3A_140, %dma_wait3A_141] : memref<160x128xi32, #tpu.memory_space<vmem>> -> memref<1x128xi32, #tpu.memory_space<vmem>>
    %dma_wait3A_143 = tpu.memref_squeeze %dma_wait3A_142 : memref<1x128xi32, #tpu.memory_space<vmem>> -> memref<128xi32, #tpu.memory_space<vmem>>
    %dma_wait3A_144 = arith.constant 0 : i32
    %dma_wait3A_145 = arith.constant 0 : i32
    %dma_wait3A_146 = tpu.memref_slice %arg21[%dma_wait3A_144, %dma_wait3A_145] : memref<10240x64xf32, #tpu.memory_space<vmem_shared>> -> memref<10240x64xf32, #tpu.memory_space<vmem_shared>>
    tpu.wait_indirect_dma semaphore(%arg20 : memref<!tpu.dma_semaphore, #tpu.memory_space<semaphore_mem>>) src(%arg12 : memref<128x64xf32, #tpu.memory_space<vmem>>) dst(%dma_wait3A_146 : memref<10240x64xf32, #tpu.memory_space<vmem_shared>>)
    %barrier3A_147 = arith.constant 0 : index
    tpu.barrier barrier_id(%barrier3A_147)
    %mul3A_148 = arith.constant 640 : i32
    %mul3A_149 = arith.muli %arg1, %mul3A_148 : i32
    %mul3A_150 = arith.constant 640 : i32
    %mul3A_151 = arith.muli %arg1, %mul3A_150 : i32
    "tpu.region"() ({
      %run_scoped3A = tpu.sem_alloc : memref<!tpu.dma_semaphore, #tpu.memory_space<semaphore_mem>>
      %dma_start3A_152 = arith.constant 0 : i32
      %dma_start3A_153 = tpu.memref_slice %arg6[%arg0, %mul3A_151, %dma_start3A_152] : memref<2x10240x64xf32, #tpu.memory_space<hbm>> -> memref<1x640x64xf32, #tpu.memory_space<hbm>>
      %dma_start3A_154 = tpu.memref_squeeze %dma_start3A_153 : memref<1x640x64xf32, #tpu.memory_space<hbm>> -> memref<640x64xf32, #tpu.memory_space<hbm>>
      %dma_start3A_155 = arith.constant 0 : i32
      %dma_start3A_156 = tpu.memref_slice %arg21[%mul3A_149, %dma_start3A_155] : memref<10240x64xf32, #tpu.memory_space<vmem_shared>> -> memref<640x64xf32, #tpu.memory_space<vmem_shared>>
      tpu.enqueue_dma source(%dma_start3A_156 : memref<640x64xf32, #tpu.memory_space<vmem_shared>>) target(%dma_start3A_154 : memref<640x64xf32, #tpu.memory_space<hbm>>) target_semaphore(%run_scoped3A : memref<!tpu.dma_semaphore, #tpu.memory_space<semaphore_mem>>)
      %dma_wait3A_157 = arith.constant 0 : i32
      %dma_wait3A_158 = tpu.memref_slice %arg6[%arg0, %mul3A_151, %dma_wait3A_157] : memref<2x10240x64xf32, #tpu.memory_space<hbm>> -> memref<1x640x64xf32, #tpu.memory_space<hbm>>
      %dma_wait3A_159 = tpu.memref_squeeze %dma_wait3A_158 : memref<1x640x64xf32, #tpu.memory_space<hbm>> -> memref<640x64xf32, #tpu.memory_space<hbm>>
      %dma_wait3A_160 = arith.constant 0 : i32
      %dma_wait3A_161 = tpu.memref_slice %arg21[%mul3A_149, %dma_wait3A_160] : memref<10240x64xf32, #tpu.memory_space<vmem_shared>> -> memref<640x64xf32, #tpu.memory_space<vmem_shared>>
      tpu.wait_dma2 semaphore(%run_scoped3A : memref<!tpu.dma_semaphore, #tpu.memory_space<semaphore_mem>>) src(%dma_wait3A_161 : memref<640x64xf32, #tpu.memory_space<vmem_shared>>) dst(%dma_wait3A_159 : memref<640x64xf32, #tpu.memory_space<hbm>>)
      tpu.yield
    }) : () -> ()
    return
  }
}

#map = affine_map<(d0, d1) -> (0, 0, 0)>
#map1 = affine_map<(d0, d1) -> (0, 0)>
module attributes {stable_mosaic.version = 14 : i64} {
  func.func @_agg_kernel(%arg0: i32, %arg1: i32, %arg2: memref<2x10000x64xf32, #tpu.memory_space<hbm>>, %arg3: memref<16x160x128xi32, #tpu.memory_space<hbm>>, %arg4: memref<16x160x128xi32, #tpu.memory_space<hbm>>, %arg5: memref<640x64xf32, #tpu.memory_space<hbm>>, %arg6: memref<2x10240x64xf32, #tpu.memory_space<hbm>>, %arg7: memref<160x128xi32, #tpu.memory_space<vmem>>, %arg8: memref<160x128xi32, #tpu.memory_space<vmem>>, %arg9: memref<128x64xf32, #tpu.memory_space<vmem>>, %arg10: memref<128x64xf32, #tpu.memory_space<vmem>>, %arg11: memref<128x64xf32, #tpu.memory_space<vmem>>, %arg12: memref<128x64xf32, #tpu.memory_space<vmem>>, %arg13: memref<!tpu.dma_semaphore, #tpu.memory_space<semaphore_mem>>, %arg14: memref<!tpu.dma_semaphore, #tpu.memory_space<semaphore_mem>>, %arg15: memref<!tpu.dma_semaphore, #tpu.memory_space<semaphore_mem>>, %arg16: memref<!tpu.dma_semaphore, #tpu.memory_space<semaphore_mem>>, %arg17: memref<!tpu.dma_semaphore, #tpu.memory_space<semaphore_mem>>, %arg18: memref<!tpu.dma_semaphore, #tpu.memory_space<semaphore_mem>>, %arg19: memref<!tpu.dma_semaphore, #tpu.memory_space<semaphore_mem>>, %arg20: memref<!tpu.dma_semaphore, #tpu.memory_space<semaphore_mem>>, %arg21: memref<10240x64xf32, #tpu.memory_space<vmem_shared>>) attributes {dimension_semantics = [#tpu.dimension_semantics<core_parallel>, #tpu.dimension_semantics<subcore_parallel>], iteration_bounds = array<i64: 2, 16>, scalar_prefetch = 0 : i64, scratch_operands = 15 : i64, tpu.core_type = #tpu.core_type<sc_vector_subcore>, window_params = [{transform_indices = #map}, {transform_indices = #map}, {transform_indices = #map}, {transform_indices = #map1}, {transform_indices = #map}]} {
    "tpu.region"() ({
      %run_scoped3A = tpu.sem_alloc : memref<!tpu.dma_semaphore, #tpu.memory_space<semaphore_mem>>
      %dma_start3A_152 = arith.constant 0 : i32
      %dma_start3A_153 = arith.constant 0 : i32
      %dma_start3A_154 = tpu.memref_slice %arg3[%arg1, %dma_start3A_152, %dma_start3A_153] : memref<16x160x128xi32, #tpu.memory_space<hbm>> -> memref<1x160x128xi32, #tpu.memory_space<hbm>>
      %dma_start3A_155 = tpu.memref_squeeze %dma_start3A_154 : memref<1x160x128xi32, #tpu.memory_space<hbm>> -> memref<160x128xi32, #tpu.memory_space<hbm>>
      %dma_start3A_156 = arith.constant 0 : i32
      %dma_start3A_157 = arith.constant 0 : i32
      %dma_start3A_158 = tpu.memref_slice %arg3[%arg1, %dma_start3A_156, %dma_start3A_157] : memref<16x160x128xi32, #tpu.memory_space<hbm>> -> memref<1x160x128xi32, #tpu.memory_space<hbm>>
      %dma_start3A_159 = tpu.memref_squeeze %dma_start3A_158 : memref<1x160x128xi32, #tpu.memory_space<hbm>> -> memref<160x128xi32, #tpu.memory_space<hbm>>
      tpu.enqueue_dma source(%dma_start3A_159 : memref<160x128xi32, #tpu.memory_space<hbm>>) target(%arg7 : memref<160x128xi32, #tpu.memory_space<vmem>>) target_semaphore(%run_scoped3A : memref<!tpu.dma_semaphore, #tpu.memory_space<semaphore_mem>>)
      %dma_wait3A_160 = arith.constant 0 : i32
      %dma_wait3A_161 = arith.constant 0 : i32
      %dma_wait3A_162 = tpu.memref_slice %arg3[%arg1, %dma_wait3A_160, %dma_wait3A_161] : memref<16x160x128xi32, #tpu.memory_space<hbm>> -> memref<1x160x128xi32, #tpu.memory_space<hbm>>
      %dma_wait3A_163 = tpu.memref_squeeze %dma_wait3A_162 : memref<1x160x128xi32, #tpu.memory_space<hbm>> -> memref<160x128xi32, #tpu.memory_space<hbm>>
      %dma_wait3A_164 = arith.constant 0 : i32
      %dma_wait3A_165 = arith.constant 0 : i32
      %dma_wait3A_166 = tpu.memref_slice %arg3[%arg1, %dma_wait3A_164, %dma_wait3A_165] : memref<16x160x128xi32, #tpu.memory_space<hbm>> -> memref<1x160x128xi32, #tpu.memory_space<hbm>>
      %dma_wait3A_167 = tpu.memref_squeeze %dma_wait3A_166 : memref<1x160x128xi32, #tpu.memory_space<hbm>> -> memref<160x128xi32, #tpu.memory_space<hbm>>
      tpu.wait_dma2 semaphore(%run_scoped3A : memref<!tpu.dma_semaphore, #tpu.memory_space<semaphore_mem>>) src(%dma_wait3A_167 : memref<160x128xi32, #tpu.memory_space<hbm>>) dst(%arg7 : memref<160x128xi32, #tpu.memory_space<vmem>>)
      tpu.yield
    }) : () -> ()
    "tpu.region"() ({
      %run_scoped3A = tpu.sem_alloc : memref<!tpu.dma_semaphore, #tpu.memory_space<semaphore_mem>>
      %dma_start3A_152 = arith.constant 0 : i32
      %dma_start3A_153 = arith.constant 0 : i32
      %dma_start3A_154 = tpu.memref_slice %arg4[%arg1, %dma_start3A_152, %dma_start3A_153] : memref<16x160x128xi32, #tpu.memory_space<hbm>> -> memref<1x160x128xi32, #tpu.memory_space<hbm>>
      %dma_start3A_155 = tpu.memref_squeeze %dma_start3A_154 : memref<1x160x128xi32, #tpu.memory_space<hbm>> -> memref<160x128xi32, #tpu.memory_space<hbm>>
      %dma_start3A_156 = arith.constant 0 : i32
      %dma_start3A_157 = arith.constant 0 : i32
      %dma_start3A_158 = tpu.memref_slice %arg4[%arg1, %dma_start3A_156, %dma_start3A_157] : memref<16x160x128xi32, #tpu.memory_space<hbm>> -> memref<1x160x128xi32, #tpu.memory_space<hbm>>
      %dma_start3A_159 = tpu.memref_squeeze %dma_start3A_158 : memref<1x160x128xi32, #tpu.memory_space<hbm>> -> memref<160x128xi32, #tpu.memory_space<hbm>>
      tpu.enqueue_dma source(%dma_start3A_159 : memref<160x128xi32, #tpu.memory_space<hbm>>) target(%arg8 : memref<160x128xi32, #tpu.memory_space<vmem>>) target_semaphore(%run_scoped3A : memref<!tpu.dma_semaphore, #tpu.memory_space<semaphore_mem>>)
      %dma_wait3A_160 = arith.constant 0 : i32
      %dma_wait3A_161 = arith.constant 0 : i32
      %dma_wait3A_162 = tpu.memref_slice %arg4[%arg1, %dma_wait3A_160, %dma_wait3A_161] : memref<16x160x128xi32, #tpu.memory_space<hbm>> -> memref<1x160x128xi32, #tpu.memory_space<hbm>>
      %dma_wait3A_163 = tpu.memref_squeeze %dma_wait3A_162 : memref<1x160x128xi32, #tpu.memory_space<hbm>> -> memref<160x128xi32, #tpu.memory_space<hbm>>
      %dma_wait3A_164 = arith.constant 0 : i32
      %dma_wait3A_165 = arith.constant 0 : i32
      %dma_wait3A_166 = tpu.memref_slice %arg4[%arg1, %dma_wait3A_164, %dma_wait3A_165] : memref<16x160x128xi32, #tpu.memory_space<hbm>> -> memref<1x160x128xi32, #tpu.memory_space<hbm>>
      %dma_wait3A_167 = tpu.memref_squeeze %dma_wait3A_166 : memref<1x160x128xi32, #tpu.memory_space<hbm>> -> memref<160x128xi32, #tpu.memory_space<hbm>>
      tpu.wait_dma2 semaphore(%run_scoped3A : memref<!tpu.dma_semaphore, #tpu.memory_space<semaphore_mem>>) src(%dma_wait3A_167 : memref<160x128xi32, #tpu.memory_space<hbm>>) dst(%arg8 : memref<160x128xi32, #tpu.memory_space<vmem>>)
      tpu.yield
    }) : () -> ()
    %mul3A = arith.constant 640 : i32
    %mul3A_0 = arith.muli %arg1, %mul3A : i32
    "tpu.region"() ({
      %run_scoped3A = tpu.sem_alloc : memref<!tpu.dma_semaphore, #tpu.memory_space<semaphore_mem>>
      %dma_start3A_152 = arith.constant 0 : i32
      %dma_start3A_153 = tpu.memref_slice %arg21[%mul3A_0, %dma_start3A_152] : memref<10240x64xf32, #tpu.memory_space<vmem_shared>> -> memref<640x64xf32, #tpu.memory_space<vmem_shared>>
      tpu.enqueue_dma source(%arg5 : memref<640x64xf32, #tpu.memory_space<hbm>>) target(%dma_start3A_153 : memref<640x64xf32, #tpu.memory_space<vmem_shared>>) target_semaphore(%run_scoped3A : memref<!tpu.dma_semaphore, #tpu.memory_space<semaphore_mem>>)
      %dma_wait3A_154 = arith.constant 0 : i32
      %dma_wait3A_155 = tpu.memref_slice %arg21[%mul3A_0, %dma_wait3A_154] : memref<10240x64xf32, #tpu.memory_space<vmem_shared>> -> memref<640x64xf32, #tpu.memory_space<vmem_shared>>
      tpu.wait_dma2 semaphore(%run_scoped3A : memref<!tpu.dma_semaphore, #tpu.memory_space<semaphore_mem>>) src(%arg5 : memref<640x64xf32, #tpu.memory_space<hbm>>) dst(%dma_wait3A_155 : memref<640x64xf32, #tpu.memory_space<vmem_shared>>)
      tpu.yield
    }) : () -> ()
    %barrier3A = arith.constant 0 : index
    tpu.barrier barrier_id(%barrier3A)
    %dma_start3A = arith.constant 0 : i32
    %dma_start3A_1 = arith.constant 0 : i32
    %dma_start3A_2 = tpu.memref_slice %arg7[%dma_start3A, %dma_start3A_1] : memref<160x128xi32, #tpu.memory_space<vmem>> -> memref<1x128xi32, #tpu.memory_space<vmem>>
    %dma_start3A_3 = tpu.memref_squeeze %dma_start3A_2 : memref<1x128xi32, #tpu.memory_space<vmem>> -> memref<128xi32, #tpu.memory_space<vmem>>
    %dma_start3A_4 = arith.constant 0 : i32
    %dma_start3A_5 = arith.constant 0 : i32
    %dma_start3A_6 = tpu.memref_slice %arg2[%arg0, %dma_start3A_4, %dma_start3A_5] : memref<2x10000x64xf32, #tpu.memory_space<hbm>> -> memref<1x10000x64xf32, #tpu.memory_space<hbm>>
    %dma_start3A_7 = tpu.memref_squeeze %dma_start3A_6 : memref<1x10000x64xf32, #tpu.memory_space<hbm>> -> memref<10000x64xf32, #tpu.memory_space<hbm>>
    %dma_start3A_8 = arith.constant 0 : i32
    %dma_start3A_9 = arith.constant 0 : i32
    %dma_start3A_10 = tpu.memref_slice %dma_start3A_7[%dma_start3A_8, %dma_start3A_9] : memref<10000x64xf32, #tpu.memory_space<hbm>> -> memref<10000x64xf32, #tpu.memory_space<hbm>>
    tpu.enqueue_indirect_dma source(%dma_start3A_10 : memref<10000x64xf32, #tpu.memory_space<hbm>>) target(%arg9 : memref<128x64xf32, #tpu.memory_space<vmem>>) offsets(%dma_start3A_3 : memref<128xi32, #tpu.memory_space<vmem>>) semaphore(%arg13 : memref<!tpu.dma_semaphore, #tpu.memory_space<semaphore_mem>>)
    %dma_start3A_11 = arith.constant 1 : i32
    %dma_start3A_12 = arith.constant 0 : i32
    %dma_start3A_13 = tpu.memref_slice %arg7[%dma_start3A_11, %dma_start3A_12] : memref<160x128xi32, #tpu.memory_space<vmem>> -> memref<1x128xi32, #tpu.memory_space<vmem>>
    %dma_start3A_14 = tpu.memref_squeeze %dma_start3A_13 : memref<1x128xi32, #tpu.memory_space<vmem>> -> memref<128xi32, #tpu.memory_space<vmem>>
    %dma_start3A_15 = arith.constant 0 : i32
    %dma_start3A_16 = arith.constant 0 : i32
    %dma_start3A_17 = tpu.memref_slice %arg2[%arg0, %dma_start3A_15, %dma_start3A_16] : memref<2x10000x64xf32, #tpu.memory_space<hbm>> -> memref<1x10000x64xf32, #tpu.memory_space<hbm>>
    %dma_start3A_18 = tpu.memref_squeeze %dma_start3A_17 : memref<1x10000x64xf32, #tpu.memory_space<hbm>> -> memref<10000x64xf32, #tpu.memory_space<hbm>>
    %dma_start3A_19 = arith.constant 0 : i32
    %dma_start3A_20 = arith.constant 0 : i32
    %dma_start3A_21 = tpu.memref_slice %dma_start3A_18[%dma_start3A_19, %dma_start3A_20] : memref<10000x64xf32, #tpu.memory_space<hbm>> -> memref<10000x64xf32, #tpu.memory_space<hbm>>
    tpu.enqueue_indirect_dma source(%dma_start3A_21 : memref<10000x64xf32, #tpu.memory_space<hbm>>) target(%arg10 : memref<128x64xf32, #tpu.memory_space<vmem>>) offsets(%dma_start3A_14 : memref<128xi32, #tpu.memory_space<vmem>>) semaphore(%arg14 : memref<!tpu.dma_semaphore, #tpu.memory_space<semaphore_mem>>)
    %dma_start3A_22 = arith.constant 2 : i32
    %dma_start3A_23 = arith.constant 0 : i32
    %dma_start3A_24 = tpu.memref_slice %arg7[%dma_start3A_22, %dma_start3A_23] : memref<160x128xi32, #tpu.memory_space<vmem>> -> memref<1x128xi32, #tpu.memory_space<vmem>>
    %dma_start3A_25 = tpu.memref_squeeze %dma_start3A_24 : memref<1x128xi32, #tpu.memory_space<vmem>> -> memref<128xi32, #tpu.memory_space<vmem>>
    %dma_start3A_26 = arith.constant 0 : i32
    %dma_start3A_27 = arith.constant 0 : i32
    %dma_start3A_28 = tpu.memref_slice %arg2[%arg0, %dma_start3A_26, %dma_start3A_27] : memref<2x10000x64xf32, #tpu.memory_space<hbm>> -> memref<1x10000x64xf32, #tpu.memory_space<hbm>>
    %dma_start3A_29 = tpu.memref_squeeze %dma_start3A_28 : memref<1x10000x64xf32, #tpu.memory_space<hbm>> -> memref<10000x64xf32, #tpu.memory_space<hbm>>
    %dma_start3A_30 = arith.constant 0 : i32
    %dma_start3A_31 = arith.constant 0 : i32
    %dma_start3A_32 = tpu.memref_slice %dma_start3A_29[%dma_start3A_30, %dma_start3A_31] : memref<10000x64xf32, #tpu.memory_space<hbm>> -> memref<10000x64xf32, #tpu.memory_space<hbm>>
    tpu.enqueue_indirect_dma source(%dma_start3A_32 : memref<10000x64xf32, #tpu.memory_space<hbm>>) target(%arg11 : memref<128x64xf32, #tpu.memory_space<vmem>>) offsets(%dma_start3A_25 : memref<128xi32, #tpu.memory_space<vmem>>) semaphore(%arg15 : memref<!tpu.dma_semaphore, #tpu.memory_space<semaphore_mem>>)
    %dma_start3A_33 = arith.constant 3 : i32
    %dma_start3A_34 = arith.constant 0 : i32
    %dma_start3A_35 = tpu.memref_slice %arg7[%dma_start3A_33, %dma_start3A_34] : memref<160x128xi32, #tpu.memory_space<vmem>> -> memref<1x128xi32, #tpu.memory_space<vmem>>
    %dma_start3A_36 = tpu.memref_squeeze %dma_start3A_35 : memref<1x128xi32, #tpu.memory_space<vmem>> -> memref<128xi32, #tpu.memory_space<vmem>>
    %dma_start3A_37 = arith.constant 0 : i32
    %dma_start3A_38 = arith.constant 0 : i32
    %dma_start3A_39 = tpu.memref_slice %arg2[%arg0, %dma_start3A_37, %dma_start3A_38] : memref<2x10000x64xf32, #tpu.memory_space<hbm>> -> memref<1x10000x64xf32, #tpu.memory_space<hbm>>
    %dma_start3A_40 = tpu.memref_squeeze %dma_start3A_39 : memref<1x10000x64xf32, #tpu.memory_space<hbm>> -> memref<10000x64xf32, #tpu.memory_space<hbm>>
    %dma_start3A_41 = arith.constant 0 : i32
    %dma_start3A_42 = arith.constant 0 : i32
    %dma_start3A_43 = tpu.memref_slice %dma_start3A_40[%dma_start3A_41, %dma_start3A_42] : memref<10000x64xf32, #tpu.memory_space<hbm>> -> memref<10000x64xf32, #tpu.memory_space<hbm>>
    tpu.enqueue_indirect_dma source(%dma_start3A_43 : memref<10000x64xf32, #tpu.memory_space<hbm>>) target(%arg12 : memref<128x64xf32, #tpu.memory_space<vmem>>) offsets(%dma_start3A_36 : memref<128xi32, #tpu.memory_space<vmem>>) semaphore(%arg16 : memref<!tpu.dma_semaphore, #tpu.memory_space<semaphore_mem>>)
    %scan3A = arith.constant 0 : i32
    %scan3A_44 = arith.constant 39 : i32
    %scan3A_45 = arith.addi %scan3A, %scan3A_44 : i32
    %scan3A_46 = arith.constant 1 : i32
    scf.for %scan3A_152 = %scan3A to %scan3A_45 step %scan3A_46  : i32 {
      %mul3A_153 = arith.constant 4 : i32
      %mul3A_154 = arith.muli %mul3A_153, %scan3A_152 : i32
      %add3A = arith.constant 0 : i32
      %add3A_155 = arith.addi %mul3A_154, %add3A : i32
      %dma_wait3A_156 = arith.constant 0 : i32
      %dma_wait3A_157 = tpu.memref_slice %arg7[%add3A_155, %dma_wait3A_156] : memref<160x128xi32, #tpu.memory_space<vmem>> -> memref<1x128xi32, #tpu.memory_space<vmem>>
      %dma_wait3A_158 = tpu.memref_squeeze %dma_wait3A_157 : memref<1x128xi32, #tpu.memory_space<vmem>> -> memref<128xi32, #tpu.memory_space<vmem>>
      %dma_wait3A_159 = arith.constant 0 : i32
      %dma_wait3A_160 = arith.constant 0 : i32
      %dma_wait3A_161 = tpu.memref_slice %arg2[%arg0, %dma_wait3A_159, %dma_wait3A_160] : memref<2x10000x64xf32, #tpu.memory_space<hbm>> -> memref<1x10000x64xf32, #tpu.memory_space<hbm>>
      %dma_wait3A_162 = tpu.memref_squeeze %dma_wait3A_161 : memref<1x10000x64xf32, #tpu.memory_space<hbm>> -> memref<10000x64xf32, #tpu.memory_space<hbm>>
      %dma_wait3A_163 = arith.constant 0 : i32
      %dma_wait3A_164 = arith.constant 0 : i32
      %dma_wait3A_165 = tpu.memref_slice %dma_wait3A_162[%dma_wait3A_163, %dma_wait3A_164] : memref<10000x64xf32, #tpu.memory_space<hbm>> -> memref<10000x64xf32, #tpu.memory_space<hbm>>
      tpu.wait_indirect_dma semaphore(%arg13 : memref<!tpu.dma_semaphore, #tpu.memory_space<semaphore_mem>>) src(%dma_wait3A_165 : memref<10000x64xf32, #tpu.memory_space<hbm>>) dst(%arg9 : memref<128x64xf32, #tpu.memory_space<vmem>>)
      %dma_start3A_166 = arith.constant 0 : i32
      %dma_start3A_167 = tpu.memref_slice %arg8[%add3A_155, %dma_start3A_166] : memref<160x128xi32, #tpu.memory_space<vmem>> -> memref<1x128xi32, #tpu.memory_space<vmem>>
      %dma_start3A_168 = tpu.memref_squeeze %dma_start3A_167 : memref<1x128xi32, #tpu.memory_space<vmem>> -> memref<128xi32, #tpu.memory_space<vmem>>
      %dma_start3A_169 = arith.constant 0 : i32
      %dma_start3A_170 = arith.constant 0 : i32
      %dma_start3A_171 = tpu.memref_slice %arg21[%dma_start3A_169, %dma_start3A_170] : memref<10240x64xf32, #tpu.memory_space<vmem_shared>> -> memref<10240x64xf32, #tpu.memory_space<vmem_shared>>
      tpu.enqueue_indirect_dma source(%arg9 : memref<128x64xf32, #tpu.memory_space<vmem>>) target(%dma_start3A_171 : memref<10240x64xf32, #tpu.memory_space<vmem_shared>>) offsets(%dma_start3A_168 : memref<128xi32, #tpu.memory_space<vmem>>) semaphore(%arg17 : memref<!tpu.dma_semaphore, #tpu.memory_space<semaphore_mem>>) {add = true}
      %mul3A_172 = arith.constant 4 : i32
      %mul3A_173 = arith.muli %mul3A_172, %scan3A_152 : i32
      %add3A_174 = arith.constant 1 : i32
      %add3A_175 = arith.addi %mul3A_173, %add3A_174 : i32
      %dma_wait3A_176 = arith.constant 0 : i32
      %dma_wait3A_177 = tpu.memref_slice %arg7[%add3A_175, %dma_wait3A_176] : memref<160x128xi32, #tpu.memory_space<vmem>> -> memref<1x128xi32, #tpu.memory_space<vmem>>
      %dma_wait3A_178 = tpu.memref_squeeze %dma_wait3A_177 : memref<1x128xi32, #tpu.memory_space<vmem>> -> memref<128xi32, #tpu.memory_space<vmem>>
      %dma_wait3A_179 = arith.constant 0 : i32
      %dma_wait3A_180 = arith.constant 0 : i32
      %dma_wait3A_181 = tpu.memref_slice %arg2[%arg0, %dma_wait3A_179, %dma_wait3A_180] : memref<2x10000x64xf32, #tpu.memory_space<hbm>> -> memref<1x10000x64xf32, #tpu.memory_space<hbm>>
      %dma_wait3A_182 = tpu.memref_squeeze %dma_wait3A_181 : memref<1x10000x64xf32, #tpu.memory_space<hbm>> -> memref<10000x64xf32, #tpu.memory_space<hbm>>
      %dma_wait3A_183 = arith.constant 0 : i32
      %dma_wait3A_184 = arith.constant 0 : i32
      %dma_wait3A_185 = tpu.memref_slice %dma_wait3A_182[%dma_wait3A_183, %dma_wait3A_184] : memref<10000x64xf32, #tpu.memory_space<hbm>> -> memref<10000x64xf32, #tpu.memory_space<hbm>>
      tpu.wait_indirect_dma semaphore(%arg14 : memref<!tpu.dma_semaphore, #tpu.memory_space<semaphore_mem>>) src(%dma_wait3A_185 : memref<10000x64xf32, #tpu.memory_space<hbm>>) dst(%arg10 : memref<128x64xf32, #tpu.memory_space<vmem>>)
      %dma_start3A_186 = arith.constant 0 : i32
      %dma_start3A_187 = tpu.memref_slice %arg8[%add3A_175, %dma_start3A_186] : memref<160x128xi32, #tpu.memory_space<vmem>> -> memref<1x128xi32, #tpu.memory_space<vmem>>
      %dma_start3A_188 = tpu.memref_squeeze %dma_start3A_187 : memref<1x128xi32, #tpu.memory_space<vmem>> -> memref<128xi32, #tpu.memory_space<vmem>>
      %dma_start3A_189 = arith.constant 0 : i32
      %dma_start3A_190 = arith.constant 0 : i32
      %dma_start3A_191 = tpu.memref_slice %arg21[%dma_start3A_189, %dma_start3A_190] : memref<10240x64xf32, #tpu.memory_space<vmem_shared>> -> memref<10240x64xf32, #tpu.memory_space<vmem_shared>>
      tpu.enqueue_indirect_dma source(%arg10 : memref<128x64xf32, #tpu.memory_space<vmem>>) target(%dma_start3A_191 : memref<10240x64xf32, #tpu.memory_space<vmem_shared>>) offsets(%dma_start3A_188 : memref<128xi32, #tpu.memory_space<vmem>>) semaphore(%arg18 : memref<!tpu.dma_semaphore, #tpu.memory_space<semaphore_mem>>) {add = true}
      %mul3A_192 = arith.constant 4 : i32
      %mul3A_193 = arith.muli %mul3A_192, %scan3A_152 : i32
      %add3A_194 = arith.constant 2 : i32
      %add3A_195 = arith.addi %mul3A_193, %add3A_194 : i32
      %dma_wait3A_196 = arith.constant 0 : i32
      %dma_wait3A_197 = tpu.memref_slice %arg7[%add3A_195, %dma_wait3A_196] : memref<160x128xi32, #tpu.memory_space<vmem>> -> memref<1x128xi32, #tpu.memory_space<vmem>>
      %dma_wait3A_198 = tpu.memref_squeeze %dma_wait3A_197 : memref<1x128xi32, #tpu.memory_space<vmem>> -> memref<128xi32, #tpu.memory_space<vmem>>
      %dma_wait3A_199 = arith.constant 0 : i32
      %dma_wait3A_200 = arith.constant 0 : i32
      %dma_wait3A_201 = tpu.memref_slice %arg2[%arg0, %dma_wait3A_199, %dma_wait3A_200] : memref<2x10000x64xf32, #tpu.memory_space<hbm>> -> memref<1x10000x64xf32, #tpu.memory_space<hbm>>
      %dma_wait3A_202 = tpu.memref_squeeze %dma_wait3A_201 : memref<1x10000x64xf32, #tpu.memory_space<hbm>> -> memref<10000x64xf32, #tpu.memory_space<hbm>>
      %dma_wait3A_203 = arith.constant 0 : i32
      %dma_wait3A_204 = arith.constant 0 : i32
      %dma_wait3A_205 = tpu.memref_slice %dma_wait3A_202[%dma_wait3A_203, %dma_wait3A_204] : memref<10000x64xf32, #tpu.memory_space<hbm>> -> memref<10000x64xf32, #tpu.memory_space<hbm>>
      tpu.wait_indirect_dma semaphore(%arg15 : memref<!tpu.dma_semaphore, #tpu.memory_space<semaphore_mem>>) src(%dma_wait3A_205 : memref<10000x64xf32, #tpu.memory_space<hbm>>) dst(%arg11 : memref<128x64xf32, #tpu.memory_space<vmem>>)
      %dma_start3A_206 = arith.constant 0 : i32
      %dma_start3A_207 = tpu.memref_slice %arg8[%add3A_195, %dma_start3A_206] : memref<160x128xi32, #tpu.memory_space<vmem>> -> memref<1x128xi32, #tpu.memory_space<vmem>>
      %dma_start3A_208 = tpu.memref_squeeze %dma_start3A_207 : memref<1x128xi32, #tpu.memory_space<vmem>> -> memref<128xi32, #tpu.memory_space<vmem>>
      %dma_start3A_209 = arith.constant 0 : i32
      %dma_start3A_210 = arith.constant 0 : i32
      %dma_start3A_211 = tpu.memref_slice %arg21[%dma_start3A_209, %dma_start3A_210] : memref<10240x64xf32, #tpu.memory_space<vmem_shared>> -> memref<10240x64xf32, #tpu.memory_space<vmem_shared>>
      tpu.enqueue_indirect_dma source(%arg11 : memref<128x64xf32, #tpu.memory_space<vmem>>) target(%dma_start3A_211 : memref<10240x64xf32, #tpu.memory_space<vmem_shared>>) offsets(%dma_start3A_208 : memref<128xi32, #tpu.memory_space<vmem>>) semaphore(%arg19 : memref<!tpu.dma_semaphore, #tpu.memory_space<semaphore_mem>>) {add = true}
      %mul3A_212 = arith.constant 4 : i32
      %mul3A_213 = arith.muli %mul3A_212, %scan3A_152 : i32
      %add3A_214 = arith.constant 3 : i32
      %add3A_215 = arith.addi %mul3A_213, %add3A_214 : i32
      %dma_wait3A_216 = arith.constant 0 : i32
      %dma_wait3A_217 = tpu.memref_slice %arg7[%add3A_215, %dma_wait3A_216] : memref<160x128xi32, #tpu.memory_space<vmem>> -> memref<1x128xi32, #tpu.memory_space<vmem>>
      %dma_wait3A_218 = tpu.memref_squeeze %dma_wait3A_217 : memref<1x128xi32, #tpu.memory_space<vmem>> -> memref<128xi32, #tpu.memory_space<vmem>>
      %dma_wait3A_219 = arith.constant 0 : i32
      %dma_wait3A_220 = arith.constant 0 : i32
      %dma_wait3A_221 = tpu.memref_slice %arg2[%arg0, %dma_wait3A_219, %dma_wait3A_220] : memref<2x10000x64xf32, #tpu.memory_space<hbm>> -> memref<1x10000x64xf32, #tpu.memory_space<hbm>>
      %dma_wait3A_222 = tpu.memref_squeeze %dma_wait3A_221 : memref<1x10000x64xf32, #tpu.memory_space<hbm>> -> memref<10000x64xf32, #tpu.memory_space<hbm>>
      %dma_wait3A_223 = arith.constant 0 : i32
      %dma_wait3A_224 = arith.constant 0 : i32
      %dma_wait3A_225 = tpu.memref_slice %dma_wait3A_222[%dma_wait3A_223, %dma_wait3A_224] : memref<10000x64xf32, #tpu.memory_space<hbm>> -> memref<10000x64xf32, #tpu.memory_space<hbm>>
      tpu.wait_indirect_dma semaphore(%arg16 : memref<!tpu.dma_semaphore, #tpu.memory_space<semaphore_mem>>) src(%dma_wait3A_225 : memref<10000x64xf32, #tpu.memory_space<hbm>>) dst(%arg12 : memref<128x64xf32, #tpu.memory_space<vmem>>)
      %dma_start3A_226 = arith.constant 0 : i32
      %dma_start3A_227 = tpu.memref_slice %arg8[%add3A_215, %dma_start3A_226] : memref<160x128xi32, #tpu.memory_space<vmem>> -> memref<1x128xi32, #tpu.memory_space<vmem>>
      %dma_start3A_228 = tpu.memref_squeeze %dma_start3A_227 : memref<1x128xi32, #tpu.memory_space<vmem>> -> memref<128xi32, #tpu.memory_space<vmem>>
      %dma_start3A_229 = arith.constant 0 : i32
      %dma_start3A_230 = arith.constant 0 : i32
      %dma_start3A_231 = tpu.memref_slice %arg21[%dma_start3A_229, %dma_start3A_230] : memref<10240x64xf32, #tpu.memory_space<vmem_shared>> -> memref<10240x64xf32, #tpu.memory_space<vmem_shared>>
      tpu.enqueue_indirect_dma source(%arg12 : memref<128x64xf32, #tpu.memory_space<vmem>>) target(%dma_start3A_231 : memref<10240x64xf32, #tpu.memory_space<vmem_shared>>) offsets(%dma_start3A_228 : memref<128xi32, #tpu.memory_space<vmem>>) semaphore(%arg20 : memref<!tpu.dma_semaphore, #tpu.memory_space<semaphore_mem>>) {add = true}
      %mul3A_232 = arith.constant 4 : i32
      %mul3A_233 = arith.muli %mul3A_232, %scan3A_152 : i32
      %add3A_234 = arith.constant 0 : i32
      %add3A_235 = arith.addi %mul3A_233, %add3A_234 : i32
      %dma_wait3A_236 = arith.constant 0 : i32
      %dma_wait3A_237 = tpu.memref_slice %arg8[%add3A_235, %dma_wait3A_236] : memref<160x128xi32, #tpu.memory_space<vmem>> -> memref<1x128xi32, #tpu.memory_space<vmem>>
      %dma_wait3A_238 = tpu.memref_squeeze %dma_wait3A_237 : memref<1x128xi32, #tpu.memory_space<vmem>> -> memref<128xi32, #tpu.memory_space<vmem>>
      %dma_wait3A_239 = arith.constant 0 : i32
      %dma_wait3A_240 = arith.constant 0 : i32
      %dma_wait3A_241 = tpu.memref_slice %arg21[%dma_wait3A_239, %dma_wait3A_240] : memref<10240x64xf32, #tpu.memory_space<vmem_shared>> -> memref<10240x64xf32, #tpu.memory_space<vmem_shared>>
      tpu.wait_indirect_dma semaphore(%arg17 : memref<!tpu.dma_semaphore, #tpu.memory_space<semaphore_mem>>) src(%arg9 : memref<128x64xf32, #tpu.memory_space<vmem>>) dst(%dma_wait3A_241 : memref<10240x64xf32, #tpu.memory_space<vmem_shared>>)
      %add3A_242 = arith.constant 4 : i32
      %add3A_243 = arith.addi %add3A_235, %add3A_242 : i32
      %dma_start3A_244 = arith.constant 0 : i32
      %dma_start3A_245 = tpu.memref_slice %arg7[%add3A_243, %dma_start3A_244] : memref<160x128xi32, #tpu.memory_space<vmem>> -> memref<1x128xi32, #tpu.memory_space<vmem>>
      %dma_start3A_246 = tpu.memref_squeeze %dma_start3A_245 : memref<1x128xi32, #tpu.memory_space<vmem>> -> memref<128xi32, #tpu.memory_space<vmem>>
      %dma_start3A_247 = arith.constant 0 : i32
      %dma_start3A_248 = arith.constant 0 : i32
      %dma_start3A_249 = tpu.memref_slice %arg2[%arg0, %dma_start3A_247, %dma_start3A_248] : memref<2x10000x64xf32, #tpu.memory_space<hbm>> -> memref<1x10000x64xf32, #tpu.memory_space<hbm>>
      %dma_start3A_250 = tpu.memref_squeeze %dma_start3A_249 : memref<1x10000x64xf32, #tpu.memory_space<hbm>> -> memref<10000x64xf32, #tpu.memory_space<hbm>>
      %dma_start3A_251 = arith.constant 0 : i32
      %dma_start3A_252 = arith.constant 0 : i32
      %dma_start3A_253 = tpu.memref_slice %dma_start3A_250[%dma_start3A_251, %dma_start3A_252] : memref<10000x64xf32, #tpu.memory_space<hbm>> -> memref<10000x64xf32, #tpu.memory_space<hbm>>
      tpu.enqueue_indirect_dma source(%dma_start3A_253 : memref<10000x64xf32, #tpu.memory_space<hbm>>) target(%arg9 : memref<128x64xf32, #tpu.memory_space<vmem>>) offsets(%dma_start3A_246 : memref<128xi32, #tpu.memory_space<vmem>>) semaphore(%arg13 : memref<!tpu.dma_semaphore, #tpu.memory_space<semaphore_mem>>)
      %mul3A_254 = arith.constant 4 : i32
      %mul3A_255 = arith.muli %mul3A_254, %scan3A_152 : i32
      %add3A_256 = arith.constant 1 : i32
      %add3A_257 = arith.addi %mul3A_255, %add3A_256 : i32
      %dma_wait3A_258 = arith.constant 0 : i32
      %dma_wait3A_259 = tpu.memref_slice %arg8[%add3A_257, %dma_wait3A_258] : memref<160x128xi32, #tpu.memory_space<vmem>> -> memref<1x128xi32, #tpu.memory_space<vmem>>
      %dma_wait3A_260 = tpu.memref_squeeze %dma_wait3A_259 : memref<1x128xi32, #tpu.memory_space<vmem>> -> memref<128xi32, #tpu.memory_space<vmem>>
      %dma_wait3A_261 = arith.constant 0 : i32
      %dma_wait3A_262 = arith.constant 0 : i32
      %dma_wait3A_263 = tpu.memref_slice %arg21[%dma_wait3A_261, %dma_wait3A_262] : memref<10240x64xf32, #tpu.memory_space<vmem_shared>> -> memref<10240x64xf32, #tpu.memory_space<vmem_shared>>
      tpu.wait_indirect_dma semaphore(%arg18 : memref<!tpu.dma_semaphore, #tpu.memory_space<semaphore_mem>>) src(%arg10 : memref<128x64xf32, #tpu.memory_space<vmem>>) dst(%dma_wait3A_263 : memref<10240x64xf32, #tpu.memory_space<vmem_shared>>)
      %add3A_264 = arith.constant 4 : i32
      %add3A_265 = arith.addi %add3A_257, %add3A_264 : i32
      %dma_start3A_266 = arith.constant 0 : i32
      %dma_start3A_267 = tpu.memref_slice %arg7[%add3A_265, %dma_start3A_266] : memref<160x128xi32, #tpu.memory_space<vmem>> -> memref<1x128xi32, #tpu.memory_space<vmem>>
      %dma_start3A_268 = tpu.memref_squeeze %dma_start3A_267 : memref<1x128xi32, #tpu.memory_space<vmem>> -> memref<128xi32, #tpu.memory_space<vmem>>
      %dma_start3A_269 = arith.constant 0 : i32
      %dma_start3A_270 = arith.constant 0 : i32
      %dma_start3A_271 = tpu.memref_slice %arg2[%arg0, %dma_start3A_269, %dma_start3A_270] : memref<2x10000x64xf32, #tpu.memory_space<hbm>> -> memref<1x10000x64xf32, #tpu.memory_space<hbm>>
      %dma_start3A_272 = tpu.memref_squeeze %dma_start3A_271 : memref<1x10000x64xf32, #tpu.memory_space<hbm>> -> memref<10000x64xf32, #tpu.memory_space<hbm>>
      %dma_start3A_273 = arith.constant 0 : i32
      %dma_start3A_274 = arith.constant 0 : i32
      %dma_start3A_275 = tpu.memref_slice %dma_start3A_272[%dma_start3A_273, %dma_start3A_274] : memref<10000x64xf32, #tpu.memory_space<hbm>> -> memref<10000x64xf32, #tpu.memory_space<hbm>>
      tpu.enqueue_indirect_dma source(%dma_start3A_275 : memref<10000x64xf32, #tpu.memory_space<hbm>>) target(%arg10 : memref<128x64xf32, #tpu.memory_space<vmem>>) offsets(%dma_start3A_268 : memref<128xi32, #tpu.memory_space<vmem>>) semaphore(%arg14 : memref<!tpu.dma_semaphore, #tpu.memory_space<semaphore_mem>>)
      %mul3A_276 = arith.constant 4 : i32
      %mul3A_277 = arith.muli %mul3A_276, %scan3A_152 : i32
      %add3A_278 = arith.constant 2 : i32
      %add3A_279 = arith.addi %mul3A_277, %add3A_278 : i32
      %dma_wait3A_280 = arith.constant 0 : i32
      %dma_wait3A_281 = tpu.memref_slice %arg8[%add3A_279, %dma_wait3A_280] : memref<160x128xi32, #tpu.memory_space<vmem>> -> memref<1x128xi32, #tpu.memory_space<vmem>>
      %dma_wait3A_282 = tpu.memref_squeeze %dma_wait3A_281 : memref<1x128xi32, #tpu.memory_space<vmem>> -> memref<128xi32, #tpu.memory_space<vmem>>
      %dma_wait3A_283 = arith.constant 0 : i32
      %dma_wait3A_284 = arith.constant 0 : i32
      %dma_wait3A_285 = tpu.memref_slice %arg21[%dma_wait3A_283, %dma_wait3A_284] : memref<10240x64xf32, #tpu.memory_space<vmem_shared>> -> memref<10240x64xf32, #tpu.memory_space<vmem_shared>>
      tpu.wait_indirect_dma semaphore(%arg19 : memref<!tpu.dma_semaphore, #tpu.memory_space<semaphore_mem>>) src(%arg11 : memref<128x64xf32, #tpu.memory_space<vmem>>) dst(%dma_wait3A_285 : memref<10240x64xf32, #tpu.memory_space<vmem_shared>>)
      %add3A_286 = arith.constant 4 : i32
      %add3A_287 = arith.addi %add3A_279, %add3A_286 : i32
      %dma_start3A_288 = arith.constant 0 : i32
      %dma_start3A_289 = tpu.memref_slice %arg7[%add3A_287, %dma_start3A_288] : memref<160x128xi32, #tpu.memory_space<vmem>> -> memref<1x128xi32, #tpu.memory_space<vmem>>
      %dma_start3A_290 = tpu.memref_squeeze %dma_start3A_289 : memref<1x128xi32, #tpu.memory_space<vmem>> -> memref<128xi32, #tpu.memory_space<vmem>>
      %dma_start3A_291 = arith.constant 0 : i32
      %dma_start3A_292 = arith.constant 0 : i32
      %dma_start3A_293 = tpu.memref_slice %arg2[%arg0, %dma_start3A_291, %dma_start3A_292] : memref<2x10000x64xf32, #tpu.memory_space<hbm>> -> memref<1x10000x64xf32, #tpu.memory_space<hbm>>
      %dma_start3A_294 = tpu.memref_squeeze %dma_start3A_293 : memref<1x10000x64xf32, #tpu.memory_space<hbm>> -> memref<10000x64xf32, #tpu.memory_space<hbm>>
      %dma_start3A_295 = arith.constant 0 : i32
      %dma_start3A_296 = arith.constant 0 : i32
      %dma_start3A_297 = tpu.memref_slice %dma_start3A_294[%dma_start3A_295, %dma_start3A_296] : memref<10000x64xf32, #tpu.memory_space<hbm>> -> memref<10000x64xf32, #tpu.memory_space<hbm>>
      tpu.enqueue_indirect_dma source(%dma_start3A_297 : memref<10000x64xf32, #tpu.memory_space<hbm>>) target(%arg11 : memref<128x64xf32, #tpu.memory_space<vmem>>) offsets(%dma_start3A_290 : memref<128xi32, #tpu.memory_space<vmem>>) semaphore(%arg15 : memref<!tpu.dma_semaphore, #tpu.memory_space<semaphore_mem>>)
      %mul3A_298 = arith.constant 4 : i32
      %mul3A_299 = arith.muli %mul3A_298, %scan3A_152 : i32
      %add3A_300 = arith.constant 3 : i32
      %add3A_301 = arith.addi %mul3A_299, %add3A_300 : i32
      %dma_wait3A_302 = arith.constant 0 : i32
      %dma_wait3A_303 = tpu.memref_slice %arg8[%add3A_301, %dma_wait3A_302] : memref<160x128xi32, #tpu.memory_space<vmem>> -> memref<1x128xi32, #tpu.memory_space<vmem>>
      %dma_wait3A_304 = tpu.memref_squeeze %dma_wait3A_303 : memref<1x128xi32, #tpu.memory_space<vmem>> -> memref<128xi32, #tpu.memory_space<vmem>>
      %dma_wait3A_305 = arith.constant 0 : i32
      %dma_wait3A_306 = arith.constant 0 : i32
      %dma_wait3A_307 = tpu.memref_slice %arg21[%dma_wait3A_305, %dma_wait3A_306] : memref<10240x64xf32, #tpu.memory_space<vmem_shared>> -> memref<10240x64xf32, #tpu.memory_space<vmem_shared>>
      tpu.wait_indirect_dma semaphore(%arg20 : memref<!tpu.dma_semaphore, #tpu.memory_space<semaphore_mem>>) src(%arg12 : memref<128x64xf32, #tpu.memory_space<vmem>>) dst(%dma_wait3A_307 : memref<10240x64xf32, #tpu.memory_space<vmem_shared>>)
      %add3A_308 = arith.constant 4 : i32
      %add3A_309 = arith.addi %add3A_301, %add3A_308 : i32
      %dma_start3A_310 = arith.constant 0 : i32
      %dma_start3A_311 = tpu.memref_slice %arg7[%add3A_309, %dma_start3A_310] : memref<160x128xi32, #tpu.memory_space<vmem>> -> memref<1x128xi32, #tpu.memory_space<vmem>>
      %dma_start3A_312 = tpu.memref_squeeze %dma_start3A_311 : memref<1x128xi32, #tpu.memory_space<vmem>> -> memref<128xi32, #tpu.memory_space<vmem>>
      %dma_start3A_313 = arith.constant 0 : i32
      %dma_start3A_314 = arith.constant 0 : i32
      %dma_start3A_315 = tpu.memref_slice %arg2[%arg0, %dma_start3A_313, %dma_start3A_314] : memref<2x10000x64xf32, #tpu.memory_space<hbm>> -> memref<1x10000x64xf32, #tpu.memory_space<hbm>>
      %dma_start3A_316 = tpu.memref_squeeze %dma_start3A_315 : memref<1x10000x64xf32, #tpu.memory_space<hbm>> -> memref<10000x64xf32, #tpu.memory_space<hbm>>
      %dma_start3A_317 = arith.constant 0 : i32
      %dma_start3A_318 = arith.constant 0 : i32
      %dma_start3A_319 = tpu.memref_slice %dma_start3A_316[%dma_start3A_317, %dma_start3A_318] : memref<10000x64xf32, #tpu.memory_space<hbm>> -> memref<10000x64xf32, #tpu.memory_space<hbm>>
      tpu.enqueue_indirect_dma source(%dma_start3A_319 : memref<10000x64xf32, #tpu.memory_space<hbm>>) target(%arg12 : memref<128x64xf32, #tpu.memory_space<vmem>>) offsets(%dma_start3A_312 : memref<128xi32, #tpu.memory_space<vmem>>) semaphore(%arg16 : memref<!tpu.dma_semaphore, #tpu.memory_space<semaphore_mem>>)
    }
    %scan3A_47 = arith.constant 39 : i32
    %dma_wait3A = arith.constant 156 : i32
    %dma_wait3A_48 = arith.constant 0 : i32
    %dma_wait3A_49 = tpu.memref_slice %arg7[%dma_wait3A, %dma_wait3A_48] : memref<160x128xi32, #tpu.memory_space<vmem>> -> memref<1x128xi32, #tpu.memory_space<vmem>>
    %dma_wait3A_50 = tpu.memref_squeeze %dma_wait3A_49 : memref<1x128xi32, #tpu.memory_space<vmem>> -> memref<128xi32, #tpu.memory_space<vmem>>
    %dma_wait3A_51 = arith.constant 0 : i32
    %dma_wait3A_52 = arith.constant 0 : i32
    %dma_wait3A_53 = tpu.memref_slice %arg2[%arg0, %dma_wait3A_51, %dma_wait3A_52] : memref<2x10000x64xf32, #tpu.memory_space<hbm>> -> memref<1x10000x64xf32, #tpu.memory_space<hbm>>
    %dma_wait3A_54 = tpu.memref_squeeze %dma_wait3A_53 : memref<1x10000x64xf32, #tpu.memory_space<hbm>> -> memref<10000x64xf32, #tpu.memory_space<hbm>>
    %dma_wait3A_55 = arith.constant 0 : i32
    %dma_wait3A_56 = arith.constant 0 : i32
    %dma_wait3A_57 = tpu.memref_slice %dma_wait3A_54[%dma_wait3A_55, %dma_wait3A_56] : memref<10000x64xf32, #tpu.memory_space<hbm>> -> memref<10000x64xf32, #tpu.memory_space<hbm>>
    tpu.wait_indirect_dma semaphore(%arg13 : memref<!tpu.dma_semaphore, #tpu.memory_space<semaphore_mem>>) src(%dma_wait3A_57 : memref<10000x64xf32, #tpu.memory_space<hbm>>) dst(%arg9 : memref<128x64xf32, #tpu.memory_space<vmem>>)
    %dma_start3A_58 = arith.constant 156 : i32
    %dma_start3A_59 = arith.constant 0 : i32
    %dma_start3A_60 = tpu.memref_slice %arg8[%dma_start3A_58, %dma_start3A_59] : memref<160x128xi32, #tpu.memory_space<vmem>> -> memref<1x128xi32, #tpu.memory_space<vmem>>
    %dma_start3A_61 = tpu.memref_squeeze %dma_start3A_60 : memref<1x128xi32, #tpu.memory_space<vmem>> -> memref<128xi32, #tpu.memory_space<vmem>>
    %dma_start3A_62 = arith.constant 0 : i32
    %dma_start3A_63 = arith.constant 0 : i32
    %dma_start3A_64 = tpu.memref_slice %arg21[%dma_start3A_62, %dma_start3A_63] : memref<10240x64xf32, #tpu.memory_space<vmem_shared>> -> memref<10240x64xf32, #tpu.memory_space<vmem_shared>>
    tpu.enqueue_indirect_dma source(%arg9 : memref<128x64xf32, #tpu.memory_space<vmem>>) target(%dma_start3A_64 : memref<10240x64xf32, #tpu.memory_space<vmem_shared>>) offsets(%dma_start3A_61 : memref<128xi32, #tpu.memory_space<vmem>>) semaphore(%arg17 : memref<!tpu.dma_semaphore, #tpu.memory_space<semaphore_mem>>) {add = true}
    %dma_wait3A_65 = arith.constant 157 : i32
    %dma_wait3A_66 = arith.constant 0 : i32
    %dma_wait3A_67 = tpu.memref_slice %arg7[%dma_wait3A_65, %dma_wait3A_66] : memref<160x128xi32, #tpu.memory_space<vmem>> -> memref<1x128xi32, #tpu.memory_space<vmem>>
    %dma_wait3A_68 = tpu.memref_squeeze %dma_wait3A_67 : memref<1x128xi32, #tpu.memory_space<vmem>> -> memref<128xi32, #tpu.memory_space<vmem>>
    %dma_wait3A_69 = arith.constant 0 : i32
    %dma_wait3A_70 = arith.constant 0 : i32
    %dma_wait3A_71 = tpu.memref_slice %arg2[%arg0, %dma_wait3A_69, %dma_wait3A_70] : memref<2x10000x64xf32, #tpu.memory_space<hbm>> -> memref<1x10000x64xf32, #tpu.memory_space<hbm>>
    %dma_wait3A_72 = tpu.memref_squeeze %dma_wait3A_71 : memref<1x10000x64xf32, #tpu.memory_space<hbm>> -> memref<10000x64xf32, #tpu.memory_space<hbm>>
    %dma_wait3A_73 = arith.constant 0 : i32
    %dma_wait3A_74 = arith.constant 0 : i32
    %dma_wait3A_75 = tpu.memref_slice %dma_wait3A_72[%dma_wait3A_73, %dma_wait3A_74] : memref<10000x64xf32, #tpu.memory_space<hbm>> -> memref<10000x64xf32, #tpu.memory_space<hbm>>
    tpu.wait_indirect_dma semaphore(%arg14 : memref<!tpu.dma_semaphore, #tpu.memory_space<semaphore_mem>>) src(%dma_wait3A_75 : memref<10000x64xf32, #tpu.memory_space<hbm>>) dst(%arg10 : memref<128x64xf32, #tpu.memory_space<vmem>>)
    %dma_start3A_76 = arith.constant 157 : i32
    %dma_start3A_77 = arith.constant 0 : i32
    %dma_start3A_78 = tpu.memref_slice %arg8[%dma_start3A_76, %dma_start3A_77] : memref<160x128xi32, #tpu.memory_space<vmem>> -> memref<1x128xi32, #tpu.memory_space<vmem>>
    %dma_start3A_79 = tpu.memref_squeeze %dma_start3A_78 : memref<1x128xi32, #tpu.memory_space<vmem>> -> memref<128xi32, #tpu.memory_space<vmem>>
    %dma_start3A_80 = arith.constant 0 : i32
    %dma_start3A_81 = arith.constant 0 : i32
    %dma_start3A_82 = tpu.memref_slice %arg21[%dma_start3A_80, %dma_start3A_81] : memref<10240x64xf32, #tpu.memory_space<vmem_shared>> -> memref<10240x64xf32, #tpu.memory_space<vmem_shared>>
    tpu.enqueue_indirect_dma source(%arg10 : memref<128x64xf32, #tpu.memory_space<vmem>>) target(%dma_start3A_82 : memref<10240x64xf32, #tpu.memory_space<vmem_shared>>) offsets(%dma_start3A_79 : memref<128xi32, #tpu.memory_space<vmem>>) semaphore(%arg18 : memref<!tpu.dma_semaphore, #tpu.memory_space<semaphore_mem>>) {add = true}
    %dma_wait3A_83 = arith.constant 158 : i32
    %dma_wait3A_84 = arith.constant 0 : i32
    %dma_wait3A_85 = tpu.memref_slice %arg7[%dma_wait3A_83, %dma_wait3A_84] : memref<160x128xi32, #tpu.memory_space<vmem>> -> memref<1x128xi32, #tpu.memory_space<vmem>>
    %dma_wait3A_86 = tpu.memref_squeeze %dma_wait3A_85 : memref<1x128xi32, #tpu.memory_space<vmem>> -> memref<128xi32, #tpu.memory_space<vmem>>
    %dma_wait3A_87 = arith.constant 0 : i32
    %dma_wait3A_88 = arith.constant 0 : i32
    %dma_wait3A_89 = tpu.memref_slice %arg2[%arg0, %dma_wait3A_87, %dma_wait3A_88] : memref<2x10000x64xf32, #tpu.memory_space<hbm>> -> memref<1x10000x64xf32, #tpu.memory_space<hbm>>
    %dma_wait3A_90 = tpu.memref_squeeze %dma_wait3A_89 : memref<1x10000x64xf32, #tpu.memory_space<hbm>> -> memref<10000x64xf32, #tpu.memory_space<hbm>>
    %dma_wait3A_91 = arith.constant 0 : i32
    %dma_wait3A_92 = arith.constant 0 : i32
    %dma_wait3A_93 = tpu.memref_slice %dma_wait3A_90[%dma_wait3A_91, %dma_wait3A_92] : memref<10000x64xf32, #tpu.memory_space<hbm>> -> memref<10000x64xf32, #tpu.memory_space<hbm>>
    tpu.wait_indirect_dma semaphore(%arg15 : memref<!tpu.dma_semaphore, #tpu.memory_space<semaphore_mem>>) src(%dma_wait3A_93 : memref<10000x64xf32, #tpu.memory_space<hbm>>) dst(%arg11 : memref<128x64xf32, #tpu.memory_space<vmem>>)
    %dma_start3A_94 = arith.constant 158 : i32
    %dma_start3A_95 = arith.constant 0 : i32
    %dma_start3A_96 = tpu.memref_slice %arg8[%dma_start3A_94, %dma_start3A_95] : memref<160x128xi32, #tpu.memory_space<vmem>> -> memref<1x128xi32, #tpu.memory_space<vmem>>
    %dma_start3A_97 = tpu.memref_squeeze %dma_start3A_96 : memref<1x128xi32, #tpu.memory_space<vmem>> -> memref<128xi32, #tpu.memory_space<vmem>>
    %dma_start3A_98 = arith.constant 0 : i32
    %dma_start3A_99 = arith.constant 0 : i32
    %dma_start3A_100 = tpu.memref_slice %arg21[%dma_start3A_98, %dma_start3A_99] : memref<10240x64xf32, #tpu.memory_space<vmem_shared>> -> memref<10240x64xf32, #tpu.memory_space<vmem_shared>>
    tpu.enqueue_indirect_dma source(%arg11 : memref<128x64xf32, #tpu.memory_space<vmem>>) target(%dma_start3A_100 : memref<10240x64xf32, #tpu.memory_space<vmem_shared>>) offsets(%dma_start3A_97 : memref<128xi32, #tpu.memory_space<vmem>>) semaphore(%arg19 : memref<!tpu.dma_semaphore, #tpu.memory_space<semaphore_mem>>) {add = true}
    %dma_wait3A_101 = arith.constant 159 : i32
    %dma_wait3A_102 = arith.constant 0 : i32
    %dma_wait3A_103 = tpu.memref_slice %arg7[%dma_wait3A_101, %dma_wait3A_102] : memref<160x128xi32, #tpu.memory_space<vmem>> -> memref<1x128xi32, #tpu.memory_space<vmem>>
    %dma_wait3A_104 = tpu.memref_squeeze %dma_wait3A_103 : memref<1x128xi32, #tpu.memory_space<vmem>> -> memref<128xi32, #tpu.memory_space<vmem>>
    %dma_wait3A_105 = arith.constant 0 : i32
    %dma_wait3A_106 = arith.constant 0 : i32
    %dma_wait3A_107 = tpu.memref_slice %arg2[%arg0, %dma_wait3A_105, %dma_wait3A_106] : memref<2x10000x64xf32, #tpu.memory_space<hbm>> -> memref<1x10000x64xf32, #tpu.memory_space<hbm>>
    %dma_wait3A_108 = tpu.memref_squeeze %dma_wait3A_107 : memref<1x10000x64xf32, #tpu.memory_space<hbm>> -> memref<10000x64xf32, #tpu.memory_space<hbm>>
    %dma_wait3A_109 = arith.constant 0 : i32
    %dma_wait3A_110 = arith.constant 0 : i32
    %dma_wait3A_111 = tpu.memref_slice %dma_wait3A_108[%dma_wait3A_109, %dma_wait3A_110] : memref<10000x64xf32, #tpu.memory_space<hbm>> -> memref<10000x64xf32, #tpu.memory_space<hbm>>
    tpu.wait_indirect_dma semaphore(%arg16 : memref<!tpu.dma_semaphore, #tpu.memory_space<semaphore_mem>>) src(%dma_wait3A_111 : memref<10000x64xf32, #tpu.memory_space<hbm>>) dst(%arg12 : memref<128x64xf32, #tpu.memory_space<vmem>>)
    %dma_start3A_112 = arith.constant 159 : i32
    %dma_start3A_113 = arith.constant 0 : i32
    %dma_start3A_114 = tpu.memref_slice %arg8[%dma_start3A_112, %dma_start3A_113] : memref<160x128xi32, #tpu.memory_space<vmem>> -> memref<1x128xi32, #tpu.memory_space<vmem>>
    %dma_start3A_115 = tpu.memref_squeeze %dma_start3A_114 : memref<1x128xi32, #tpu.memory_space<vmem>> -> memref<128xi32, #tpu.memory_space<vmem>>
    %dma_start3A_116 = arith.constant 0 : i32
    %dma_start3A_117 = arith.constant 0 : i32
    %dma_start3A_118 = tpu.memref_slice %arg21[%dma_start3A_116, %dma_start3A_117] : memref<10240x64xf32, #tpu.memory_space<vmem_shared>> -> memref<10240x64xf32, #tpu.memory_space<vmem_shared>>
    tpu.enqueue_indirect_dma source(%arg12 : memref<128x64xf32, #tpu.memory_space<vmem>>) target(%dma_start3A_118 : memref<10240x64xf32, #tpu.memory_space<vmem_shared>>) offsets(%dma_start3A_115 : memref<128xi32, #tpu.memory_space<vmem>>) semaphore(%arg20 : memref<!tpu.dma_semaphore, #tpu.memory_space<semaphore_mem>>) {add = true}
    %dma_wait3A_119 = arith.constant 156 : i32
    %dma_wait3A_120 = arith.constant 0 : i32
    %dma_wait3A_121 = tpu.memref_slice %arg8[%dma_wait3A_119, %dma_wait3A_120] : memref<160x128xi32, #tpu.memory_space<vmem>> -> memref<1x128xi32, #tpu.memory_space<vmem>>
    %dma_wait3A_122 = tpu.memref_squeeze %dma_wait3A_121 : memref<1x128xi32, #tpu.memory_space<vmem>> -> memref<128xi32, #tpu.memory_space<vmem>>
    %dma_wait3A_123 = arith.constant 0 : i32
    %dma_wait3A_124 = arith.constant 0 : i32
    %dma_wait3A_125 = tpu.memref_slice %arg21[%dma_wait3A_123, %dma_wait3A_124] : memref<10240x64xf32, #tpu.memory_space<vmem_shared>> -> memref<10240x64xf32, #tpu.memory_space<vmem_shared>>
    tpu.wait_indirect_dma semaphore(%arg17 : memref<!tpu.dma_semaphore, #tpu.memory_space<semaphore_mem>>) src(%arg9 : memref<128x64xf32, #tpu.memory_space<vmem>>) dst(%dma_wait3A_125 : memref<10240x64xf32, #tpu.memory_space<vmem_shared>>)
    %dma_wait3A_126 = arith.constant 157 : i32
    %dma_wait3A_127 = arith.constant 0 : i32
    %dma_wait3A_128 = tpu.memref_slice %arg8[%dma_wait3A_126, %dma_wait3A_127] : memref<160x128xi32, #tpu.memory_space<vmem>> -> memref<1x128xi32, #tpu.memory_space<vmem>>
    %dma_wait3A_129 = tpu.memref_squeeze %dma_wait3A_128 : memref<1x128xi32, #tpu.memory_space<vmem>> -> memref<128xi32, #tpu.memory_space<vmem>>
    %dma_wait3A_130 = arith.constant 0 : i32
    %dma_wait3A_131 = arith.constant 0 : i32
    %dma_wait3A_132 = tpu.memref_slice %arg21[%dma_wait3A_130, %dma_wait3A_131] : memref<10240x64xf32, #tpu.memory_space<vmem_shared>> -> memref<10240x64xf32, #tpu.memory_space<vmem_shared>>
    tpu.wait_indirect_dma semaphore(%arg18 : memref<!tpu.dma_semaphore, #tpu.memory_space<semaphore_mem>>) src(%arg10 : memref<128x64xf32, #tpu.memory_space<vmem>>) dst(%dma_wait3A_132 : memref<10240x64xf32, #tpu.memory_space<vmem_shared>>)
    %dma_wait3A_133 = arith.constant 158 : i32
    %dma_wait3A_134 = arith.constant 0 : i32
    %dma_wait3A_135 = tpu.memref_slice %arg8[%dma_wait3A_133, %dma_wait3A_134] : memref<160x128xi32, #tpu.memory_space<vmem>> -> memref<1x128xi32, #tpu.memory_space<vmem>>
    %dma_wait3A_136 = tpu.memref_squeeze %dma_wait3A_135 : memref<1x128xi32, #tpu.memory_space<vmem>> -> memref<128xi32, #tpu.memory_space<vmem>>
    %dma_wait3A_137 = arith.constant 0 : i32
    %dma_wait3A_138 = arith.constant 0 : i32
    %dma_wait3A_139 = tpu.memref_slice %arg21[%dma_wait3A_137, %dma_wait3A_138] : memref<10240x64xf32, #tpu.memory_space<vmem_shared>> -> memref<10240x64xf32, #tpu.memory_space<vmem_shared>>
    tpu.wait_indirect_dma semaphore(%arg19 : memref<!tpu.dma_semaphore, #tpu.memory_space<semaphore_mem>>) src(%arg11 : memref<128x64xf32, #tpu.memory_space<vmem>>) dst(%dma_wait3A_139 : memref<10240x64xf32, #tpu.memory_space<vmem_shared>>)
    %dma_wait3A_140 = arith.constant 159 : i32
    %dma_wait3A_141 = arith.constant 0 : i32
    %dma_wait3A_142 = tpu.memref_slice %arg8[%dma_wait3A_140, %dma_wait3A_141] : memref<160x128xi32, #tpu.memory_space<vmem>> -> memref<1x128xi32, #tpu.memory_space<vmem>>
    %dma_wait3A_143 = tpu.memref_squeeze %dma_wait3A_142 : memref<1x128xi32, #tpu.memory_space<vmem>> -> memref<128xi32, #tpu.memory_space<vmem>>
    %dma_wait3A_144 = arith.constant 0 : i32
    %dma_wait3A_145 = arith.constant 0 : i32
    %dma_wait3A_146 = tpu.memref_slice %arg21[%dma_wait3A_144, %dma_wait3A_145] : memref<10240x64xf32, #tpu.memory_space<vmem_shared>> -> memref<10240x64xf32, #tpu.memory_space<vmem_shared>>
    tpu.wait_indirect_dma semaphore(%arg20 : memref<!tpu.dma_semaphore, #tpu.memory_space<semaphore_mem>>) src(%arg12 : memref<128x64xf32, #tpu.memory_space<vmem>>) dst(%dma_wait3A_146 : memref<10240x64xf32, #tpu.memory_space<vmem_shared>>)
    %barrier3A_147 = arith.constant 0 : index
    tpu.barrier barrier_id(%barrier3A_147)
    %mul3A_148 = arith.constant 640 : i32
    %mul3A_149 = arith.muli %arg1, %mul3A_148 : i32
    %mul3A_150 = arith.constant 640 : i32
    %mul3A_151 = arith.muli %arg1, %mul3A_150 : i32
    "tpu.region"() ({
      %run_scoped3A = tpu.sem_alloc : memref<!tpu.dma_semaphore, #tpu.memory_space<semaphore_mem>>
      %dma_start3A_152 = arith.constant 0 : i32
      %dma_start3A_153 = tpu.memref_slice %arg6[%arg0, %mul3A_151, %dma_start3A_152] : memref<2x10240x64xf32, #tpu.memory_space<hbm>> -> memref<1x640x64xf32, #tpu.memory_space<hbm>>
      %dma_start3A_154 = tpu.memref_squeeze %dma_start3A_153 : memref<1x640x64xf32, #tpu.memory_space<hbm>> -> memref<640x64xf32, #tpu.memory_space<hbm>>
      %dma_start3A_155 = arith.constant 0 : i32
      %dma_start3A_156 = tpu.memref_slice %arg21[%mul3A_149, %dma_start3A_155] : memref<10240x64xf32, #tpu.memory_space<vmem_shared>> -> memref<640x64xf32, #tpu.memory_space<vmem_shared>>
      tpu.enqueue_dma source(%dma_start3A_156 : memref<640x64xf32, #tpu.memory_space<vmem_shared>>) target(%dma_start3A_154 : memref<640x64xf32, #tpu.memory_space<hbm>>) target_semaphore(%run_scoped3A : memref<!tpu.dma_semaphore, #tpu.memory_space<semaphore_mem>>)
      %dma_wait3A_157 = arith.constant 0 : i32
      %dma_wait3A_158 = tpu.memref_slice %arg6[%arg0, %mul3A_151, %dma_wait3A_157] : memref<2x10240x64xf32, #tpu.memory_space<hbm>> -> memref<1x640x64xf32, #tpu.memory_space<hbm>>
      %dma_wait3A_159 = tpu.memref_squeeze %dma_wait3A_158 : memref<1x640x64xf32, #tpu.memory_space<hbm>> -> memref<640x64xf32, #tpu.memory_space<hbm>>
      %dma_wait3A_160 = arith.constant 0 : i32
      %dma_wait3A_161 = tpu.memref_slice %arg21[%mul3A_149, %dma_wait3A_160] : memref<10240x64xf32, #tpu.memory_space<vmem_shared>> -> memref<640x64xf32, #tpu.memory_space<vmem_shared>>
      tpu.wait_dma2 semaphore(%run_scoped3A : memref<!tpu.dma_semaphore, #tpu.memory_space<semaphore_mem>>) src(%dma_wait3A_161 : memref<640x64xf32, #tpu.memory_space<vmem_shared>>) dst(%dma_wait3A_159 : memref<640x64xf32, #tpu.memory_space<hbm>>)
      tpu.yield
    }) : () -> ()
    return
  }
}

module attributes {stable_mosaic.version = 14 : i64} {
  func.func @_tc0_body(%arg0: i32, %arg1: memref<1000x128xf32, #tpu.memory_space<vmem>>, %arg2: memref<128x128xf32, #tpu.memory_space<vmem>>, %arg3: memref<2x1000x8xf32, #tpu.memory_space<vmem>>, %arg4: memref<2x1000x64xf32, #tpu.memory_space<vmem>>) attributes {dimension_semantics = [#tpu.dimension_semantics<arbitrary>], iteration_bounds = array<i64: 10>, scalar_prefetch = 0 : i64, scratch_operands = 0 : i64, tpu.core_type = #tpu.core_type<tc>, window_params = [{transform_indices = @transform_0, window_bounds = array<i64: 1000, 128>}, {pipeline_mode = #tpu.pipeline_mode<synchronous>, transform_indices = @transform_1, window_bounds = array<i64: 128, 128>}, {transform_indices = @transform_2, window_bounds = array<i64: 2, 1000, 8>}, {transform_indices = @transform_3, window_bounds = array<i64: 2, 1000, 64>}]} {
    %get3A = arith.constant 0 : index
    %get3A_0 = arith.constant 0 : index
    %get3A_1 = arith.constant 0 : index
    %get3A_2 = vector.load %arg3[%get3A, %get3A_0, %get3A_1] : memref<2x1000x8xf32, #tpu.memory_space<vmem>>, vector<2x1000x8xf32>
    %slice3A = vector.extract_strided_slice %get3A_2 {offsets = [0, 0, 0], sizes = [1, 1000, 1], strides = [1, 1, 1]} : vector<2x1000x8xf32> to vector<1x1000x1xf32>
    %squeeze3A = vector.shape_cast %slice3A : vector<1x1000x1xf32> to vector<1000x1xf32>
    %slice3A_3 = vector.extract_strided_slice %get3A_2 {offsets = [1, 0, 0], sizes = [1, 1000, 1], strides = [1, 1, 1]} : vector<2x1000x8xf32> to vector<1x1000x1xf32>
    %squeeze3A_4 = vector.shape_cast %slice3A_3 : vector<1x1000x1xf32> to vector<1000x1xf32>
    %add3A = arith.addf %squeeze3A, %squeeze3A_4 : vector<1000x1xf32>
    %add3A_5 = arith.constant 1.000000e+00 : f32
    %add3A_6 = vector.broadcast %add3A_5 : f32 to vector<1000x1xf32>
    %add3A_7 = arith.addf %add3A, %add3A_6 : vector<1000x1xf32>
    %rsqrt3A = math.rsqrt %add3A_7 : vector<1000x1xf32>
    %get3A_8 = arith.constant 0 : index
    %get3A_9 = arith.constant 0 : index
    %get3A_10 = vector.load %arg1[%get3A_8, %get3A_9] : memref<1000x128xf32, #tpu.memory_space<vmem>>, vector<1000x128xf32>
    %get3A_11 = arith.constant 0 : index
    %get3A_12 = arith.constant 0 : index
    %get3A_13 = vector.load %arg2[%get3A_11, %get3A_12] : memref<128x128xf32, #tpu.memory_space<vmem>>, vector<128x128xf32>
    %dot_general3A = arith.constant dense<0.000000e+00> : vector<1000x128xf32>
    %dot_general3A_14 = tpu.matmul %get3A_10, %get3A_13, %dot_general3A {dimension_numbers = #tpu.dot_dimension_numbers<[1], [0], [0], [1], [0, 0, 1, 1], [], []>, transpose_lhs_hint = false} : vector<1000x128xf32>, vector<128x128xf32>, vector<1000x128xf32> -> vector<1000x128xf32>
    %mul3A = vector.broadcast %rsqrt3A : vector<1000x1xf32> to vector<1000x128xf32>
    %mul3A_15 = arith.mulf %dot_general3A_14, %mul3A : vector<1000x128xf32>
    %slice3A_16 = vector.extract_strided_slice %mul3A_15 {offsets = [0, 0], sizes = [1000, 64], strides = [1, 1]} : vector<1000x128xf32> to vector<1000x64xf32>
    %swap3A = arith.constant 0 : index
    %swap3A_17 = arith.constant 0 : index
    %swap3A_18 = arith.constant 0 : index
    %swap3A_19 = vector.load %arg4[%swap3A, %swap3A_17, %swap3A_18] : memref<2x1000x64xf32, #tpu.memory_space<vmem>>, vector<1x1000x64xf32>
    %swap3A_20 = vector.shape_cast %swap3A_19 : vector<1x1000x64xf32> to vector<1000x64xf32>
    %swap3A_21 = vector.shape_cast %slice3A_16 : vector<1000x64xf32> to vector<1x1000x64xf32>
    tpu.vector_store %arg4[%swap3A, %swap3A_17, %swap3A_18], %swap3A_21 {strides = array<i32>} : memref<2x1000x64xf32, #tpu.memory_space<vmem>>, vector<1x1000x64xf32>,
    %slice3A_22 = vector.extract_strided_slice %mul3A_15 {offsets = [0, 64], sizes = [1000, 64], strides = [1, 1]} : vector<1000x128xf32> to vector<1000x64xf32>
    %swap3A_23 = arith.constant 1 : index
    %swap3A_24 = arith.constant 0 : index
    %swap3A_25 = arith.constant 0 : index
    %swap3A_26 = vector.load %arg4[%swap3A_23, %swap3A_24, %swap3A_25] : memref<2x1000x64xf32, #tpu.memory_space<vmem>>, vector<1x1000x64xf32>
    %swap3A_27 = vector.shape_cast %swap3A_26 : vector<1x1000x64xf32> to vector<1000x64xf32>
    %swap3A_28 = vector.shape_cast %slice3A_22 : vector<1000x64xf32> to vector<1x1000x64xf32>
    tpu.vector_store %arg4[%swap3A_23, %swap3A_24, %swap3A_25], %swap3A_28 {strides = array<i32>} : memref<2x1000x64xf32, #tpu.memory_space<vmem>>, vector<1x1000x64xf32>,
    return
  }
  func.func @transform_0(%arg0: i32) -> (i32, i32) {
    %c0_i32 = arith.constant 0 : i32
    %c0_i32_0 = arith.constant 0 : i32
    return %arg0, %c0_i32 : i32, i32
  }
  func.func @transform_1(%arg0: i32) -> (i32, i32) {
    %c0_i32 = arith.constant 0 : i32
    %c0_i32_0 = arith.constant 0 : i32
    %c0_i32_1 = arith.constant 0 : i32
    return %c0_i32, %c0_i32_0 : i32, i32
  }
  func.func @transform_2(%arg0: i32) -> (i32, i32, i32) {
    %c0_i32 = arith.constant 0 : i32
    %c0_i32_0 = arith.constant 0 : i32
    %c0_i32_1 = arith.constant 0 : i32
    return %c0_i32, %arg0, %c0_i32_0 : i32, i32, i32
  }
  func.func @transform_3(%arg0: i32) -> (i32, i32, i32) {
    %c0_i32 = arith.constant 0 : i32
    %c0_i32_0 = arith.constant 0 : i32
    %c0_i32_1 = arith.constant 0 : i32
    return %c0_i32, %arg0, %c0_i32_0 : i32, i32, i32
  }
}

module attributes {stable_mosaic.version = 14 : i64} {
  func.func @_tcmid_body(%arg0: i32, %arg1: memref<2x1000x64xf32, #tpu.memory_space<vmem>>, %arg2: memref<2x1000x64xf32, #tpu.memory_space<vmem>>, %arg3: memref<2x1000x8xf32, #tpu.memory_space<vmem>>, %arg4: memref<1x128xf32, #tpu.memory_space<vmem>>, %arg5: memref<1x128xf32, #tpu.memory_space<vmem>>, %arg6: memref<1x128xf32, #tpu.memory_space<vmem>>, %arg7: memref<128x128xf32, #tpu.memory_space<vmem>>, %arg8: memref<2x1000x64xf32, #tpu.memory_space<vmem>>) attributes {dimension_semantics = [#tpu.dimension_semantics<arbitrary>], iteration_bounds = array<i64: 10>, scalar_prefetch = 0 : i64, scratch_operands = 0 : i64, tpu.core_type = #tpu.core_type<tc>, window_params = [{transform_indices = @transform_0, window_bounds = array<i64: 2, 1000, 64>}, {transform_indices = @transform_1, window_bounds = array<i64: 2, 1000, 64>}, {transform_indices = @transform_2, window_bounds = array<i64: 2, 1000, 8>}, {pipeline_mode = #tpu.pipeline_mode<synchronous>, transform_indices = @transform_3, window_bounds = array<i64: 1, 128>}, {pipeline_mode = #tpu.pipeline_mode<synchronous>, transform_indices = @transform_4, window_bounds = array<i64: 1, 128>}, {pipeline_mode = #tpu.pipeline_mode<synchronous>, transform_indices = @transform_5, window_bounds = array<i64: 1, 128>}, {pipeline_mode = #tpu.pipeline_mode<synchronous>, transform_indices = @transform_6, window_bounds = array<i64: 128, 128>}, {transform_indices = @transform_7, window_bounds = array<i64: 2, 1000, 64>}]} {
    %get3A = arith.constant 0 : index
    %get3A_0 = arith.constant 0 : index
    %get3A_1 = arith.constant 0 : index
    %get3A_2 = vector.load %arg3[%get3A, %get3A_0, %get3A_1] : memref<2x1000x8xf32, #tpu.memory_space<vmem>>, vector<2x1000x8xf32>
    %slice3A = vector.extract_strided_slice %get3A_2 {offsets = [0, 0, 0], sizes = [1, 1000, 1], strides = [1, 1, 1]} : vector<2x1000x8xf32> to vector<1x1000x1xf32>
    %squeeze3A = vector.shape_cast %slice3A : vector<1x1000x1xf32> to vector<1000x1xf32>
    %slice3A_3 = vector.extract_strided_slice %get3A_2 {offsets = [1, 0, 0], sizes = [1, 1000, 1], strides = [1, 1, 1]} : vector<2x1000x8xf32> to vector<1x1000x1xf32>
    %squeeze3A_4 = vector.shape_cast %slice3A_3 : vector<1x1000x1xf32> to vector<1000x1xf32>
    %add3A = arith.addf %squeeze3A, %squeeze3A_4 : vector<1000x1xf32>
    %add3A_5 = arith.constant 1.000000e+00 : f32
    %add3A_6 = vector.broadcast %add3A_5 : f32 to vector<1000x1xf32>
    %add3A_7 = arith.addf %add3A, %add3A_6 : vector<1000x1xf32>
    %rsqrt3A = math.rsqrt %add3A_7 : vector<1000x1xf32>
    %get3A_8 = arith.constant 0 : index
    %get3A_9 = arith.constant 0 : index
    %get3A_10 = arith.constant 0 : index
    %get3A_11 = vector.load %arg1[%get3A_8, %get3A_9, %get3A_10] : memref<2x1000x64xf32, #tpu.memory_space<vmem>>, vector<1x1000x64xf32>
    %get3A_12 = vector.shape_cast %get3A_11 : vector<1x1000x64xf32> to vector<1000x64xf32>
    %get3A_13 = arith.constant 0 : index
    %get3A_14 = arith.constant 0 : index
    %get3A_15 = arith.constant 0 : index
    %get3A_16 = vector.load %arg2[%get3A_13, %get3A_14, %get3A_15] : memref<2x1000x64xf32, #tpu.memory_space<vmem>>, vector<1x1000x64xf32>
    %get3A_17 = vector.shape_cast %get3A_16 : vector<1x1000x64xf32> to vector<1000x64xf32>
    %add3A_18 = arith.addf %get3A_12, %get3A_17 : vector<1000x64xf32>
    %get3A_19 = arith.constant 1 : index
    %get3A_20 = arith.constant 0 : index
    %get3A_21 = arith.constant 0 : index
    %get3A_22 = vector.load %arg1[%get3A_19, %get3A_20, %get3A_21] : memref<2x1000x64xf32, #tpu.memory_space<vmem>>, vector<1x1000x64xf32>
    %get3A_23 = vector.shape_cast %get3A_22 : vector<1x1000x64xf32> to vector<1000x64xf32>
    %get3A_24 = arith.constant 1 : index
    %get3A_25 = arith.constant 0 : index
    %get3A_26 = arith.constant 0 : index
    %get3A_27 = vector.load %arg2[%get3A_24, %get3A_25, %get3A_26] : memref<2x1000x64xf32, #tpu.memory_space<vmem>>, vector<1x1000x64xf32>
    %get3A_28 = vector.shape_cast %get3A_27 : vector<1x1000x64xf32> to vector<1000x64xf32>
    %add3A_29 = arith.addf %get3A_23, %get3A_28 : vector<1000x64xf32>
    %concatenate3A = tpu.concatenate %add3A_18, %add3A_29 in 1 : vector<1000x64xf32>, vector<1000x64xf32> -> vector<1000x128xf32>
    %mul3A = vector.broadcast %rsqrt3A : vector<1000x1xf32> to vector<1000x128xf32>
    %mul3A_30 = arith.mulf %mul3A, %concatenate3A : vector<1000x128xf32>
    %get3A_31 = arith.constant 0 : index
    %get3A_32 = arith.constant 0 : index
    %get3A_33 = vector.load %arg4[%get3A_31, %get3A_32] : memref<1x128xf32, #tpu.memory_space<vmem>>, vector<1x128xf32>
    %add3A_34 = vector.broadcast %get3A_33 : vector<1x128xf32> to vector<1000x128xf32>
    %add3A_35 = arith.addf %mul3A_30, %add3A_34 : vector<1000x128xf32>
    %get3A_36 = arith.constant 0 : index
    %get3A_37 = arith.constant 0 : index
    %get3A_38 = vector.load %arg5[%get3A_36, %get3A_37] : memref<1x128xf32, #tpu.memory_space<vmem>>, vector<1x128xf32>
    %get3A_39 = arith.constant 0 : index
    %get3A_40 = arith.constant 0 : index
    %get3A_41 = vector.load %arg6[%get3A_39, %get3A_40] : memref<1x128xf32, #tpu.memory_space<vmem>>, vector<1x128xf32>
    %reduce_sum3A = arith.constant dense<0.000000e+00> : vector<1000xf32>
    %reduce_sum3A_42 = vector.multi_reduction <add>, %add3A_35, %reduce_sum3A [1] : vector<1000x128xf32> to vector<1000xf32>
    %broadcast_in_dim3A = vector.shape_cast %reduce_sum3A_42 : vector<1000xf32> to vector<1000x1xf32>
    %div3A = arith.constant 1.280000e+02 : f32
    %div3A_43 = vector.broadcast %div3A : f32 to vector<1000x1xf32>
    %div3A_44 = arith.divf %broadcast_in_dim3A, %div3A_43 : vector<1000x1xf32>
    %sub3A = vector.broadcast %div3A_44 : vector<1000x1xf32> to vector<1000x128xf32>
    %sub3A_45 = arith.subf %add3A_35, %sub3A : vector<1000x128xf32>
    %mul3A_46 = arith.mulf %sub3A_45, %sub3A_45 : vector<1000x128xf32>
    %reduce_sum3A_47 = arith.constant dense<0.000000e+00> : vector<1000xf32>
    %reduce_sum3A_48 = vector.multi_reduction <add>, %mul3A_46, %reduce_sum3A_47 [1] : vector<1000x128xf32> to vector<1000xf32>
    %broadcast_in_dim3A_49 = vector.shape_cast %reduce_sum3A_48 : vector<1000xf32> to vector<1000x1xf32>
    %div3A_50 = arith.constant 1.280000e+02 : f32
    %div3A_51 = vector.broadcast %div3A_50 : f32 to vector<1000x1xf32>
    %div3A_52 = arith.divf %broadcast_in_dim3A_49, %div3A_51 : vector<1000x1xf32>
    %add3A_53 = arith.constant 9.99999974E-6 : f32
    %add3A_54 = vector.broadcast %add3A_53 : f32 to vector<1000x1xf32>
    %add3A_55 = arith.addf %div3A_52, %add3A_54 : vector<1000x1xf32>
    %rsqrt3A_56 = math.rsqrt %add3A_55 : vector<1000x1xf32>
    %mul3A_57 = vector.broadcast %rsqrt3A_56 : vector<1000x1xf32> to vector<1000x128xf32>
    %mul3A_58 = arith.mulf %sub3A_45, %mul3A_57 : vector<1000x128xf32>
    %mul3A_59 = vector.broadcast %get3A_38 : vector<1x128xf32> to vector<1000x128xf32>
    %mul3A_60 = arith.mulf %mul3A_58, %mul3A_59 : vector<1000x128xf32>
    %add3A_61 = vector.broadcast %get3A_41 : vector<1x128xf32> to vector<1000x128xf32>
    %add3A_62 = arith.addf %mul3A_60, %add3A_61 : vector<1000x128xf32>
    %max3A = arith.constant 0.000000e+00 : f32
    %max3A_63 = vector.broadcast %max3A : f32 to vector<1000x128xf32>
    %max3A_64 = arith.maximumf %add3A_62, %max3A_63 : vector<1000x128xf32>
    %get3A_65 = arith.constant 0 : index
    %get3A_66 = arith.constant 0 : index
    %get3A_67 = vector.load %arg7[%get3A_65, %get3A_66] : memref<128x128xf32, #tpu.memory_space<vmem>>, vector<128x128xf32>
    %dot_general3A = arith.constant dense<0.000000e+00> : vector<1000x128xf32>
    %dot_general3A_68 = tpu.matmul %max3A_64, %get3A_67, %dot_general3A {dimension_numbers = #tpu.dot_dimension_numbers<[1], [0], [0], [1], [0, 0, 1, 1], [], []>, transpose_lhs_hint = false} : vector<1000x128xf32>, vector<128x128xf32>, vector<1000x128xf32> -> vector<1000x128xf32>
    %mul3A_69 = vector.broadcast %rsqrt3A : vector<1000x1xf32> to vector<1000x128xf32>
    %mul3A_70 = arith.mulf %dot_general3A_68, %mul3A_69 : vector<1000x128xf32>
    %slice3A_71 = vector.extract_strided_slice %mul3A_70 {offsets = [0, 0], sizes = [1000, 64], strides = [1, 1]} : vector<1000x128xf32> to vector<1000x64xf32>
    %swap3A = arith.constant 0 : index
    %swap3A_72 = arith.constant 0 : index
    %swap3A_73 = arith.constant 0 : index
    %swap3A_74 = vector.load %arg8[%swap3A, %swap3A_72, %swap3A_73] : memref<2x1000x64xf32, #tpu.memory_space<vmem>>, vector<1x1000x64xf32>
    %swap3A_75 = vector.shape_cast %swap3A_74 : vector<1x1000x64xf32> to vector<1000x64xf32>
    %swap3A_76 = vector.shape_cast %slice3A_71 : vector<1000x64xf32> to vector<1x1000x64xf32>
    tpu.vector_store %arg8[%swap3A, %swap3A_72, %swap3A_73], %swap3A_76 {strides = array<i32>} : memref<2x1000x64xf32, #tpu.memory_space<vmem>>, vector<1x1000x64xf32>,
    %slice3A_77 = vector.extract_strided_slice %mul3A_70 {offsets = [0, 64], sizes = [1000, 64], strides = [1, 1]} : vector<1000x128xf32> to vector<1000x64xf32>
    %swap3A_78 = arith.constant 1 : index
    %swap3A_79 = arith.constant 0 : index
    %swap3A_80 = arith.constant 0 : index
    %swap3A_81 = vector.load %arg8[%swap3A_78, %swap3A_79, %swap3A_80] : memref<2x1000x64xf32, #tpu.memory_space<vmem>>, vector<1x1000x64xf32>
    %swap3A_82 = vector.shape_cast %swap3A_81 : vector<1x1000x64xf32> to vector<1000x64xf32>
    %swap3A_83 = vector.shape_cast %slice3A_77 : vector<1000x64xf32> to vector<1x1000x64xf32>
    tpu.vector_store %arg8[%swap3A_78, %swap3A_79, %swap3A_80], %swap3A_83 {strides = array<i32>} : memref<2x1000x64xf32, #tpu.memory_space<vmem>>, vector<1x1000x64xf32>,
    return
  }
  func.func @transform_0(%arg0: i32) -> (i32, i32, i32) {
    %c0_i32 = arith.constant 0 : i32
    %c0_i32_0 = arith.constant 0 : i32
    %c0_i32_1 = arith.constant 0 : i32
    return %c0_i32, %arg0, %c0_i32_0 : i32, i32, i32
  }
  func.func @transform_1(%arg0: i32) -> (i32, i32, i32) {
    %c0_i32 = arith.constant 0 : i32
    %c0_i32_0 = arith.constant 0 : i32
    %c0_i32_1 = arith.constant 0 : i32
    return %c0_i32, %arg0, %c0_i32_0 : i32, i32, i32
  }
  func.func @transform_2(%arg0: i32) -> (i32, i32, i32) {
    %c0_i32 = arith.constant 0 : i32
    %c0_i32_0 = arith.constant 0 : i32
    %c0_i32_1 = arith.constant 0 : i32
    return %c0_i32, %arg0, %c0_i32_0 : i32, i32, i32
  }
  func.func @transform_3(%arg0: i32) -> (i32, i32) {
    %c0_i32 = arith.constant 0 : i32
    %c0_i32_0 = arith.constant 0 : i32
    %c0_i32_1 = arith.constant 0 : i32
    return %c0_i32, %c0_i32_0 : i32, i32
  }
  func.func @transform_4(%arg0: i32) -> (i32, i32) {
    %c0_i32 = arith.constant 0 : i32
    %c0_i32_0 = arith.constant 0 : i32
    %c0_i32_1 = arith.constant 0 : i32
    return %c0_i32, %c0_i32_0 : i32, i32
  }
  func.func @transform_5(%arg0: i32) -> (i32, i32) {
    %c0_i32 = arith.constant 0 : i32
    %c0_i32_0 = arith.constant 0 : i32
    %c0_i32_1 = arith.constant 0 : i32
    return %c0_i32, %c0_i32_0 : i32, i32
  }
  func.func @transform_6(%arg0: i32) -> (i32, i32) {
    %c0_i32 = arith.constant 0 : i32
    %c0_i32_0 = arith.constant 0 : i32
    %c0_i32_1 = arith.constant 0 : i32
    return %c0_i32, %c0_i32_0 : i32, i32
  }
  func.func @transform_7(%arg0: i32) -> (i32, i32, i32) {
    %c0_i32 = arith.constant 0 : i32
    %c0_i32_0 = arith.constant 0 : i32
    %c0_i32_1 = arith.constant 0 : i32
    return %c0_i32, %arg0, %c0_i32_0 : i32, i32, i32
  }
}

module attributes {stable_mosaic.version = 14 : i64} {
  func.func @_tcfin_body(%arg0: i32, %arg1: memref<2x1000x64xf32, #tpu.memory_space<vmem>>, %arg2: memref<2x1000x64xf32, #tpu.memory_space<vmem>>, %arg3: memref<2x1000x8xf32, #tpu.memory_space<vmem>>, %arg4: memref<1x128xf32, #tpu.memory_space<vmem>>, %arg5: memref<1x128xf32, #tpu.memory_space<vmem>>, %arg6: memref<1x128xf32, #tpu.memory_space<vmem>>, %arg7: memref<128x40xf32, #tpu.memory_space<vmem>>, %arg8: memref<1x40xf32, #tpu.memory_space<vmem>>, %arg9: memref<1000x40xf32, #tpu.memory_space<vmem>>) attributes {dimension_semantics = [#tpu.dimension_semantics<arbitrary>], iteration_bounds = array<i64: 10>, scalar_prefetch = 0 : i64, scratch_operands = 0 : i64, tpu.core_type = #tpu.core_type<tc>, window_params = [{transform_indices = @transform_0, window_bounds = array<i64: 2, 1000, 64>}, {transform_indices = @transform_1, window_bounds = array<i64: 2, 1000, 64>}, {transform_indices = @transform_2, window_bounds = array<i64: 2, 1000, 8>}, {pipeline_mode = #tpu.pipeline_mode<synchronous>, transform_indices = @transform_3, window_bounds = array<i64: 1, 128>}, {pipeline_mode = #tpu.pipeline_mode<synchronous>, transform_indices = @transform_4, window_bounds = array<i64: 1, 128>}, {pipeline_mode = #tpu.pipeline_mode<synchronous>, transform_indices = @transform_5, window_bounds = array<i64: 1, 128>}, {pipeline_mode = #tpu.pipeline_mode<synchronous>, transform_indices = @transform_6, window_bounds = array<i64: 128, 40>}, {pipeline_mode = #tpu.pipeline_mode<synchronous>, transform_indices = @transform_7, window_bounds = array<i64: 1, 40>}, {transform_indices = @transform_8, window_bounds = array<i64: 1000, 40>}]} {
    %get3A = arith.constant 0 : index
    %get3A_0 = arith.constant 0 : index
    %get3A_1 = arith.constant 0 : index
    %get3A_2 = vector.load %arg3[%get3A, %get3A_0, %get3A_1] : memref<2x1000x8xf32, #tpu.memory_space<vmem>>, vector<2x1000x8xf32>
    %slice3A = vector.extract_strided_slice %get3A_2 {offsets = [0, 0, 0], sizes = [1, 1000, 1], strides = [1, 1, 1]} : vector<2x1000x8xf32> to vector<1x1000x1xf32>
    %squeeze3A = vector.shape_cast %slice3A : vector<1x1000x1xf32> to vector<1000x1xf32>
    %slice3A_3 = vector.extract_strided_slice %get3A_2 {offsets = [1, 0, 0], sizes = [1, 1000, 1], strides = [1, 1, 1]} : vector<2x1000x8xf32> to vector<1x1000x1xf32>
    %squeeze3A_4 = vector.shape_cast %slice3A_3 : vector<1x1000x1xf32> to vector<1000x1xf32>
    %add3A = arith.addf %squeeze3A, %squeeze3A_4 : vector<1000x1xf32>
    %add3A_5 = arith.constant 1.000000e+00 : f32
    %add3A_6 = vector.broadcast %add3A_5 : f32 to vector<1000x1xf32>
    %add3A_7 = arith.addf %add3A, %add3A_6 : vector<1000x1xf32>
    %rsqrt3A = math.rsqrt %add3A_7 : vector<1000x1xf32>
    %get3A_8 = arith.constant 0 : index
    %get3A_9 = arith.constant 0 : index
    %get3A_10 = arith.constant 0 : index
    %get3A_11 = vector.load %arg1[%get3A_8, %get3A_9, %get3A_10] : memref<2x1000x64xf32, #tpu.memory_space<vmem>>, vector<1x1000x64xf32>
    %get3A_12 = vector.shape_cast %get3A_11 : vector<1x1000x64xf32> to vector<1000x64xf32>
    %get3A_13 = arith.constant 0 : index
    %get3A_14 = arith.constant 0 : index
    %get3A_15 = arith.constant 0 : index
    %get3A_16 = vector.load %arg2[%get3A_13, %get3A_14, %get3A_15] : memref<2x1000x64xf32, #tpu.memory_space<vmem>>, vector<1x1000x64xf32>
    %get3A_17 = vector.shape_cast %get3A_16 : vector<1x1000x64xf32> to vector<1000x64xf32>
    %add3A_18 = arith.addf %get3A_12, %get3A_17 : vector<1000x64xf32>
    %get3A_19 = arith.constant 1 : index
    %get3A_20 = arith.constant 0 : index
    %get3A_21 = arith.constant 0 : index
    %get3A_22 = vector.load %arg1[%get3A_19, %get3A_20, %get3A_21] : memref<2x1000x64xf32, #tpu.memory_space<vmem>>, vector<1x1000x64xf32>
    %get3A_23 = vector.shape_cast %get3A_22 : vector<1x1000x64xf32> to vector<1000x64xf32>
    %get3A_24 = arith.constant 1 : index
    %get3A_25 = arith.constant 0 : index
    %get3A_26 = arith.constant 0 : index
    %get3A_27 = vector.load %arg2[%get3A_24, %get3A_25, %get3A_26] : memref<2x1000x64xf32, #tpu.memory_space<vmem>>, vector<1x1000x64xf32>
    %get3A_28 = vector.shape_cast %get3A_27 : vector<1x1000x64xf32> to vector<1000x64xf32>
    %add3A_29 = arith.addf %get3A_23, %get3A_28 : vector<1000x64xf32>
    %concatenate3A = tpu.concatenate %add3A_18, %add3A_29 in 1 : vector<1000x64xf32>, vector<1000x64xf32> -> vector<1000x128xf32>
    %mul3A = vector.broadcast %rsqrt3A : vector<1000x1xf32> to vector<1000x128xf32>
    %mul3A_30 = arith.mulf %mul3A, %concatenate3A : vector<1000x128xf32>
    %get3A_31 = arith.constant 0 : index
    %get3A_32 = arith.constant 0 : index
    %get3A_33 = vector.load %arg4[%get3A_31, %get3A_32] : memref<1x128xf32, #tpu.memory_space<vmem>>, vector<1x128xf32>
    %add3A_34 = vector.broadcast %get3A_33 : vector<1x128xf32> to vector<1000x128xf32>
    %add3A_35 = arith.addf %mul3A_30, %add3A_34 : vector<1000x128xf32>
    %get3A_36 = arith.constant 0 : index
    %get3A_37 = arith.constant 0 : index
    %get3A_38 = vector.load %arg5[%get3A_36, %get3A_37] : memref<1x128xf32, #tpu.memory_space<vmem>>, vector<1x128xf32>
    %get3A_39 = arith.constant 0 : index
    %get3A_40 = arith.constant 0 : index
    %get3A_41 = vector.load %arg6[%get3A_39, %get3A_40] : memref<1x128xf32, #tpu.memory_space<vmem>>, vector<1x128xf32>
    %reduce_sum3A = arith.constant dense<0.000000e+00> : vector<1000xf32>
    %reduce_sum3A_42 = vector.multi_reduction <add>, %add3A_35, %reduce_sum3A [1] : vector<1000x128xf32> to vector<1000xf32>
    %broadcast_in_dim3A = vector.shape_cast %reduce_sum3A_42 : vector<1000xf32> to vector<1000x1xf32>
    %div3A = arith.constant 1.280000e+02 : f32
    %div3A_43 = vector.broadcast %div3A : f32 to vector<1000x1xf32>
    %div3A_44 = arith.divf %broadcast_in_dim3A, %div3A_43 : vector<1000x1xf32>
    %sub3A = vector.broadcast %div3A_44 : vector<1000x1xf32> to vector<1000x128xf32>
    %sub3A_45 = arith.subf %add3A_35, %sub3A : vector<1000x128xf32>
    %mul3A_46 = arith.mulf %sub3A_45, %sub3A_45 : vector<1000x128xf32>
    %reduce_sum3A_47 = arith.constant dense<0.000000e+00> : vector<1000xf32>
    %reduce_sum3A_48 = vector.multi_reduction <add>, %mul3A_46, %reduce_sum3A_47 [1] : vector<1000x128xf32> to vector<1000xf32>
    %broadcast_in_dim3A_49 = vector.shape_cast %reduce_sum3A_48 : vector<1000xf32> to vector<1000x1xf32>
    %div3A_50 = arith.constant 1.280000e+02 : f32
    %div3A_51 = vector.broadcast %div3A_50 : f32 to vector<1000x1xf32>
    %div3A_52 = arith.divf %broadcast_in_dim3A_49, %div3A_51 : vector<1000x1xf32>
    %add3A_53 = arith.constant 9.99999974E-6 : f32
    %add3A_54 = vector.broadcast %add3A_53 : f32 to vector<1000x1xf32>
    %add3A_55 = arith.addf %div3A_52, %add3A_54 : vector<1000x1xf32>
    %rsqrt3A_56 = math.rsqrt %add3A_55 : vector<1000x1xf32>
    %mul3A_57 = vector.broadcast %rsqrt3A_56 : vector<1000x1xf32> to vector<1000x128xf32>
    %mul3A_58 = arith.mulf %sub3A_45, %mul3A_57 : vector<1000x128xf32>
    %mul3A_59 = vector.broadcast %get3A_38 : vector<1x128xf32> to vector<1000x128xf32>
    %mul3A_60 = arith.mulf %mul3A_58, %mul3A_59 : vector<1000x128xf32>
    %add3A_61 = vector.broadcast %get3A_41 : vector<1x128xf32> to vector<1000x128xf32>
    %add3A_62 = arith.addf %mul3A_60, %add3A_61 : vector<1000x128xf32>
    %max3A = arith.constant 0.000000e+00 : f32
    %max3A_63 = vector.broadcast %max3A : f32 to vector<1000x128xf32>
    %max3A_64 = arith.maximumf %add3A_62, %max3A_63 : vector<1000x128xf32>
    %get3A_65 = arith.constant 0 : index
    %get3A_66 = arith.constant 0 : index
    %get3A_67 = vector.load %arg7[%get3A_65, %get3A_66] : memref<128x40xf32, #tpu.memory_space<vmem>>, vector<128x40xf32>
    %dot_general3A = arith.constant dense<0.000000e+00> : vector<1000x40xf32>
    %dot_general3A_68 = tpu.matmul %max3A_64, %get3A_67, %dot_general3A {dimension_numbers = #tpu.dot_dimension_numbers<[1], [0], [0], [1], [0, 0, 1, 1], [], []>, transpose_lhs_hint = false} : vector<1000x128xf32>, vector<128x40xf32>, vector<1000x40xf32> -> vector<1000x40xf32>
    %get3A_69 = arith.constant 0 : index
    %get3A_70 = arith.constant 0 : index
    %get3A_71 = vector.load %arg8[%get3A_69, %get3A_70] : memref<1x40xf32, #tpu.memory_space<vmem>>, vector<1x40xf32>
    %add3A_72 = vector.broadcast %get3A_71 : vector<1x40xf32> to vector<1000x40xf32>
    %add3A_73 = arith.addf %dot_general3A_68, %add3A_72 : vector<1000x40xf32>
    %swap3A = arith.constant 0 : index
    %swap3A_74 = arith.constant 0 : index
    %swap3A_75 = vector.load %arg9[%swap3A, %swap3A_74] : memref<1000x40xf32, #tpu.memory_space<vmem>>, vector<1000x40xf32>
    tpu.vector_store %arg9[%swap3A, %swap3A_74], %add3A_73 {strides = array<i32>} : memref<1000x40xf32, #tpu.memory_space<vmem>>, vector<1000x40xf32>,
    return
  }
  func.func @transform_0(%arg0: i32) -> (i32, i32, i32) {
    %c0_i32 = arith.constant 0 : i32
    %c0_i32_0 = arith.constant 0 : i32
    %c0_i32_1 = arith.constant 0 : i32
    return %c0_i32, %arg0, %c0_i32_0 : i32, i32, i32
  }
  func.func @transform_1(%arg0: i32) -> (i32, i32, i32) {
    %c0_i32 = arith.constant 0 : i32
    %c0_i32_0 = arith.constant 0 : i32
    %c0_i32_1 = arith.constant 0 : i32
    return %c0_i32, %arg0, %c0_i32_0 : i32, i32, i32
  }
  func.func @transform_2(%arg0: i32) -> (i32, i32, i32) {
    %c0_i32 = arith.constant 0 : i32
    %c0_i32_0 = arith.constant 0 : i32
    %c0_i32_1 = arith.constant 0 : i32
    return %c0_i32, %arg0, %c0_i32_0 : i32, i32, i32
  }
  func.func @transform_3(%arg0: i32) -> (i32, i32) {
    %c0_i32 = arith.constant 0 : i32
    %c0_i32_0 = arith.constant 0 : i32
    %c0_i32_1 = arith.constant 0 : i32
    return %c0_i32, %c0_i32_0 : i32, i32
  }
  func.func @transform_4(%arg0: i32) -> (i32, i32) {
    %c0_i32 = arith.constant 0 : i32
    %c0_i32_0 = arith.constant 0 : i32
    %c0_i32_1 = arith.constant 0 : i32
    return %c0_i32, %c0_i32_0 : i32, i32
  }
  func.func @transform_5(%arg0: i32) -> (i32, i32) {
    %c0_i32 = arith.constant 0 : i32
    %c0_i32_0 = arith.constant 0 : i32
    %c0_i32_1 = arith.constant 0 : i32
    return %c0_i32, %c0_i32_0 : i32, i32
  }
  func.func @transform_6(%arg0: i32) -> (i32, i32) {
    %c0_i32 = arith.constant 0 : i32
    %c0_i32_0 = arith.constant 0 : i32
    %c0_i32_1 = arith.constant 0 : i32
    return %c0_i32, %c0_i32_0 : i32, i32
  }
  func.func @transform_7(%arg0: i32) -> (i32, i32) {
    %c0_i32 = arith.constant 0 : i32
    %c0_i32_0 = arith.constant 0 : i32
    %c0_i32_1 = arith.constant 0 : i32
    return %c0_i32, %c0_i32_0 : i32, i32
  }
  func.func @transform_8(%arg0: i32) -> (i32, i32) {
    %c0_i32 = arith.constant 0 : i32
    %c0_i32_0 = arith.constant 0 : i32
    return %arg0, %c0_i32 : i32, i32
  }
}

</mosaic_0001>

<sc_bundles>
// kernel: kernel.10.cloned.1.call-start
scs
__scs_entry_jumppad:
0x0: {  	(pc) =	sbr.rel $0x88, $3  }
0x1: {  	(tag) =	ssettag $0x0;
	lr =	simm.s32 $0x1  }
0x2: {  	[smem:$0x3F91] =	sst lr;
	_ =	strace $0xD0000000  }
0x3: {  	_ = 	snop  }
0x4: {  	_ = 	snop  }
0x5: {  	_ = 	snop  }
0x6: {  	_ = 	snop  }
0x7: {  	_ = 	snop  }
__scs_overlays_trampoline_lowered:
0x8: {  	[smem:$0x3FA0] =	sst s0  }
0x9: {  	[smem:$0x3FA1] =	sst s1  }
0xa: {  	[smem:$0x3FA2] =	sst s2  }
0xb: {  	[smem:$0x3FA3] =	sst s3  }
0xc: {  	[smem:$0x3FA4] =	sst s4  }
0xd: {  	[smem:$0x3FA5] =	sst s5  }
0xe: {  	[smem:$0x3FA6] =	sst s6  }
0xf: {  	[smem:$0x3FA7] =	sst s7  }
0x10: {  	[smem:$0x3FA8] =	sst s8  }
0x11: {  	[smem:$0x3FA9] =	sst s9;
	s0 =	simm.s32 @!p0 $0x0  }
0x12: {  	s1 =	sld [smem:$0x3F8F];
	s0 =	simm.s32 @p0 $0x1  }
0x13: {  	[smem:$0x3FAA] =	sst s0;
	s0 =	simm.s32 @!p1 $0x0  }
0x14: {  	s2 =	sld [smem:$0x3F8E];
	s0 =	simm.s32 @p1 $0x1  }
0x15: {  	[smem:$0x3FAB] =	sst s0;
	s0 =	simm.s32 @!p2 $0x0  }
0x16: {  	s3 =	sld [smem:$0x3FDB];
	s0 =	simm.s32 @p2 $0x1  }
0x17: {  	s4 =	simm.s32 $0x1BF5;
	[smem:$0x3FAD] =	sst s0  }
0x18: {  	s0 =	sld [smem:$0x3F90];
	_ =	swait.ge [sflag:s4], $0x0  }
0x19: {  	s7 =	sld [smem:$0x3F91]  }
0x1a: {  	s8 =	sadd.s32 $0xFFFFE003, lr  }
0x1b: {  	s9 =	sadd.s32 $0xFFFFFEF7, lr;
	s5 =	simm.s32 $0xFFFFFFFF;
	p2 =	slt.u32 s8, $0xFFFFF086  }
0x1c: {  	p1 =	slt.u32 s9, $0xF7A;
	s5 =	simm.s32 @!p2 $0x0  }
0x1d: {  	s5 =	simm.s32 @p1 $0x1;
	p0 =	seq.s32 s7, s2  }
0x1e: {  	s7 =	smul.u32 @!p0 $0xF7A, s2;
	p2 =	seq.s32 @!p0 s5, $0x0  }
0x1f: {  	s9 =	smul.u32 $0xF7A, s1;
	s8 =	simm.s32 @!p0 $0x1BF5;
	p2 =	por !p2, p0  }
0x20: {  	[sflag:s8] =	ssyncset.s32 @!p0 $0xFFFFF086;
	s6 =	sadd.s32 @!p0 s3, s7;
	s7 =	simm.s32 @!p0 $0x108  }
0x21: {  	s3 =	sadd.s32 s3, s9;
	s6 =	sadd.s32 @!p0 $0x88, s6;
	s7 =	simm.s32 @p2 $0x1082  }
0x22: {  	[simem:s7], [sflag:s8] =	dma.local @!p0 [hbm:s6], $0xF7A  }
0x23: {  	s9 =	sor.u32 $0xD0000000, s2;
	s6 =	simm.s32 $0x108;
	_ =	swait.ge @!p0 [sflag:s8], $0x0  }
0x24: {  	s3 =	sadd.s32 $0x88, s3;
	s6 =	simm.s32 @!p1 $0x1082;
	[sflag:s4] =	ssyncset.s32 $0xFFFFF086  }
0x25: {  	[simem:s6], [sflag:s4] =	dma.local [hbm:s3], $0xF7A  }
0x26: {  	[smem:$0x3F91] =	sst s1;
	(tag) =	ssettag s2;
	_ =	strace s9  }
0x27: {  	s1 =	sld [smem:$0x3FA1]  }
0x28: {  	s2 =	sld [smem:$0x3FA2]  }
0x29: {  	s4 =	sld [smem:$0x3FA4]  }
0x2a: {  	p0 =	seq.s32 s5, $0x0;
	s5 =	sld [smem:$0x3FA5]  }
0x2b: {  	s6 =	sld [smem:$0x3FA6]  }
0x2c: {  	s7 =	sld [smem:$0x3FA7]  }
0x2d: {  	s3 =	simm.s32 $0x108;
	s8 =	sld [smem:$0x3FA8]  }
0x2e: {  	s3 =	simm.s32 @!p0 $0x1082;
	s9 =	sld [smem:$0x3FA9]  }
0x2f: {  	lr =	sadd.s32 s0, s3;
	s0 =	sld [smem:$0x3FA0]  }
0x30: {  	s3 =	sld [smem:$0x3FA3]  }
0x31: {  	[smem:$0x3FAC] =	sst s10  }
0x32: {  	s10 =	sld [smem:$0x3FAA];
	_ =	sdelay $0x3  }
0x33: {  	p0 =	seq.s32 s10, $0x1;
	s10 =	sld [smem:$0x3FAC];
	_ =	sdelay $0x3  }
0x34: {  	[smem:$0x3FAC] =	sst s10  }
0x35: {  	s10 =	sld [smem:$0x3FAB];
	_ =	sdelay $0x3  }
0x36: {  	p1 =	seq.s32 s10, $0x1;
	s10 =	sld [smem:$0x3FAC];
	_ =	sdelay $0x3  }
0x37: {  	[smem:$0x3FAC] =	sst s10  }
0x38: {  	s10 =	sld [smem:$0x3FAD]  }
0x39: {  	_ = 	snop;
	(pc) =	sbr.ind lr, $3  }
0x3a: {  	_ = 	snop  }
0x3b: {  	_ = 	snop  }
0x3c: {  	p2 =	seq.s32 s10, $0x1;
	s10 =	sld [smem:$0x3FAC]  }
0x3d: {  	_ =	shalt  }
0x3e: {  	_ =	shalt  }
0x3f: {  	_ =	shalt  }
0x40: {  	_ =	shalt  }
0x41: {  	_ =	shalt  }
0x42: {  	_ =	shalt  }
0x43: {  	_ =	shalt  }
0x44: {  	_ =	shalt  }
0x45: {  	_ =	shalt  }
0x46: {  	_ =	shalt  }
0x47: {  	_ =	shalt  }
0x48: {  	_ =	shalt  }
0x49: {  	_ =	shalt  }
0x4a: {  	_ =	shalt  }
0x4b: {  	_ =	shalt  }
0x4c: {  	_ =	shalt  }
0x4d: {  	_ =	shalt  }
0x4e: {  	_ =	shalt  }
0x4f: {  	_ =	shalt  }
0x50: {  	_ =	shalt  }
0x51: {  	_ =	shalt  }
0x52: {  	_ =	shalt  }
0x53: {  	_ =	shalt  }
0x54: {  	_ =	shalt  }
0x55: {  	_ =	shalt  }
0x56: {  	_ =	shalt  }
0x57: {  	_ =	shalt  }
0x58: {  	_ =	shalt  }
0x59: {  	_ =	shalt  }
0x5a: {  	_ =	shalt  }
0x5b: {  	_ =	shalt  }
0x5c: {  	_ =	shalt  }
0x5d: {  	_ =	shalt  }
0x5e: {  	_ =	shalt  }
0x5f: {  	_ =	shalt  }
0x60: {  	_ =	shalt  }
0x61: {  	_ =	shalt  }
0x62: {  	_ =	shalt  }
0x63: {  	_ =	shalt  }
0x64: {  	_ =	shalt  }
0x65: {  	_ =	shalt  }
0x66: {  	_ =	shalt  }
0x67: {  	_ =	shalt  }
0x68: {  	_ =	shalt  }
0x69: {  	_ =	shalt  }
0x6a: {  	_ =	shalt  }
0x6b: {  	_ =	shalt  }
0x6c: {  	_ =	shalt  }
0x6d: {  	_ =	shalt  }
0x6e: {  	_ =	shalt  }
0x6f: {  	_ =	shalt  }
0x70: {  	_ =	shalt  }
0x71: {  	_ =	shalt  }
0x72: {  	_ =	shalt  }
0x73: {  	_ =	shalt  }
0x74: {  	_ =	shalt  }
0x75: {  	_ =	shalt  }
0x76: {  	_ =	shalt  }
0x77: {  	_ =	shalt  }
0x78: {  	_ =	shalt  }
0x79: {  	_ =	shalt  }
0x7a: {  	_ =	shalt  }
0x7b: {  	_ =	shalt  }
0x7c: {  	_ =	shalt  }
0x7d: {  	_ =	shalt  }
0x7e: {  	_ =	shalt  }
0x7f: {  	_ =	shalt  }
0x80: {  	_ =	shalt  }
0x81: {  	_ =	shalt  }
0x82: {  	_ =	shalt  }
0x83: {  	_ =	shalt  }
0x84: {  	_ =	shalt  }
0x85: {  	_ =	shalt  }
0x86: {  	_ =	shalt  }
0x87: {  	_ =	shalt  }
.Lfunc_end0:
.L_simem_size_0:
called_computation_lowered:
.L_overlay_start_0:
0x88: {  	s2 =	sld [smem:$0x3FD9]  }
0x89: {  	s3 =	sld [smem:$0x3FFE];
	_ =	sdelay $0x1  }
0x8a: {  	s1 =	srdreg.scid  }
0x8b: {  	s0 =	sand.u32 $0x1, s1  }
0x8c: {  	s17 =	sshll.u32 s0, $0xA;
	s2 =	sadd.s32 s3, s2  }
0x8d: {  	s2 =	sadd.s32 s2, s17  }
0x8e: {  	[smem:$0x3FB8] =	sst s2  }
0x8f: {  	_ = 	snop  }
0x90: {  	s2 =	sld [smem:$0x3FD0];
	(tm) =	ssettm $0x1  }
0x91: {  	s18 =	sld [smem:$0x3FFB];
	_ =	sdelay $0x3  }
0x92: {  	_ =	strace s18  }
0x93: {  	s3 =	sld [smem:$0x3FFC];
	_ =	sdelay $0x3  }
0x94: {  	_ =	strace s3  }
0x95: {  	s3 =	sld [smem:$0x3FFD];
	_ =	sdelay $0x3  }
0x96: {  	_ =	strace s3  }
0x97: {  	_ =	strace $0x8FFFFFFF  }
0x98: {  	s19 =	sld [smem:$0x3FDB];
	_ =	sdelay $0x1  }
0x99: {  	s4 =	simm.s32 $_scs_section_size  }
0x9a: {  	s5 =	simm.s32 $_size__tile_overlayer_lowered;
	s6 =	simm.s32 $_tile_overlayer_lowered  }
0x9b: {  	s22 =	simm.s32 $0x1BFF;
	s21 =	sshll.u32 s6, $0x1;
	s3 =	sadd.s32 s4, s19  }
0x9c: {  	s7 =	simm.s32 $0x0;
	s20 =	sshll.u32 s5, $0x1;
	s5 =	sadd.s32 s21, s3  }
0x9d: {  	[timem:s7], [sflag:s22] =	dma.local [hbm:s5], s20  }
0x9e: {  	_ =	swait.ge [sflag:s22], s20  }
0x9f: {  	s4 =	ssub.s32 $0x0, s20;
	[sflag:s22] =	ssyncset.done $0x0  }
0xa0: {  	[sflag:s22] =	ssyncadd.s32 s4;
	_ =	sdelay $0x1  }
0xa1: {  	s23 =	simm.s32 $0x1B8B  }
0xa2: {  	_ =	swait.ge [sflag:s23], $0x1  }
0xa3: {  	[sflag:s23] =	ssyncset.done $0x0  }
0xa4: {  	s25 =	simm.s32 $0x1B8E;
	s24 =	sld [smem:$0x3FFE];
	[sflag:s23] =	ssyncadd.s32 $0xFFFFFFFF  }
0xa5: {  	s26 =	simm.s32 $execute0_lowered;
	[smem:$0x3FD2] =	sst s25  }
0xa6: {  	s5 =	sshll.u32 s26, $0x1;
	_ =	strace $0x80000046;
	[dreg:$0x1] =	wrdreg $0xFFFFFFFF  }
0xa7: {  	s28 =	simm.s32 $_size_execute0_lowered;
	s3 =	sadd.s32 s3, s5;
	[dreg:$0x0] =	wrdreg $0x0  }
0xa8: {  	s5 =	sshll.u32 s28, $0x1;
	[dreg:$0x2] =	wrdreg s3  }
0xa9: {  	[dreg:$0x3] =	wrdreg s5  }
0xaa: {  	[dreg:$0x4] =	wrdreg $0xC0  }
0xab: {  	_ =	task [dreg:s7], $0x5FFFF  }
0xac: {  	[dreg:$0x1] =	wrdreg $0xFFFFFFFF  }
0xad: {  	[dreg:$0x0] =	wrdreg $0x60  }
0xae: {  	[dreg:$0x2] =	wrdreg s2  }
0xaf: {  	[dreg:$0x3] =	wrdreg s24  }
0xb0: {  	[dreg:$0x4] =	wrdreg $0x2BC00  }
0xb1: {  	[dreg:$0x5] =	wrdreg $0x9  }
0xb2: {  	_ =	task.clear_ibuf [dreg:s7], $0x6FFFF;
	_ =	strace $0x90000046  }
0xb3: {  	s29 =	simm.s32 $0x9;
	_ =	strace $0x80000048  }
0xb4: {  	_ =	swait.ge [sflag:s29], $0x1  }
0xb5: {  	[sflag:s29] =	ssyncadd.s32 $0xFFFFFFFF  }
0xb6: {  	_ =	strace $0x90000048  }
0xb7: {  	_ =	sfence  }
0xb8: {  	s30 =	sld [smem:$0x0];
	_ =	sdelay $0x2  }
0xb9: {  	s31 =	sshll.u32 s1, $0xD;
	s1 =	sshrl.u32 s1, $0x2  }
0xba: {  	s3 =	sand.u32 $0x4000, s31;
	s1 =	sadd.s32 s1, s30  }
0xbb: {  	s0 =	sor.u32 s3, s0;
	s1 =	sshll.u32 s1, $0x11  }
0xbc: {  	s0 =	sor.u32 s1, s0  }
0xbd: {  	s0 =	sadd.s32 $0x8F2B, s0  }
0xbe: {  	[sflag:s0] =	ssyncadd.remote.s32 $0x1  }
0xbf: {  	_ =	sfence.sel $0xFFFF  }
0xc0: {  	[dreg:$0x0] =	wrdreg $0xFFFFFFFF;
	(pc) =	sbr.abs _section_cstart, $3  }
0xc1: {  	[dreg:$0x1] =	wrdreg $0xFFFFFFFF  }
0xc2: {  	_ =	task.clear_ibuf [dreg:s7], $0x2FFFF;
	_ =	strace $0x9FFFFFFF  }
0xc3: {  	(tm) =	ssettm $0x7FFFFFFF  }
tec
execute0_lowered:
.L_overlay_start_1:
0x0: {  	(tag) =	ssettag $0x1  }
0x1: {  	s6 =	rddreg [dreg:$0x0]  }
0x2: {  	s7 =	rddreg [dreg:$0x1]  }
0x3: {  	s2 =	rddreg [dreg:$0x2]  }
0x4: {  	s0 =	rddreg [dreg:$0x3]  }
0x5: {  	s4 =	srdreg.scid;
	s1 =	stileid.u32;
	s3 =	simm.s32 $0x0  }
0x6: {  	s13 =	simm.s32 $0x64;
	s14 =	simm.s32 $0x0;
	s5 =	sand.u32 $0x1, s4  }
0x7: {  	s8 =	smul.u32 $0x1400, s1;
	[smem:$0x7FF] =	sst s3;
	s10 =	sshll.u32 s1, $0x1  }
0x8: {  	s4 =	sadd.s32 $0x3000, s7;
	s31 =	sshll.u32 s1, $0x6;
	s9 =	smul.u32 $0x14000, s5  }
0x9: {  	_ =	strace $0x80000047;
	s10 =	sor.u32 s5, s10;
	s11 =	ssub.s32 $0x2, s5  }
0xa: {  	s5 =	sadd.s32 $0x2C00, s7;
	s10 =	smul.u32 $0x514, s10;
	s12 =	sadd.s32 s8, s2  }
0xb: {  	s30 =	sshrl.u32 s11, $0x1;
	s9 =	sadd.s32 s8, s9;
	s12 =	sshrl.u32 s12, $0x3  }
0xc: {  	s9 =	sshrl.u32 s9, $0x3;
	s6 =	sadd.s32 s6, s10;
	s10 =	simm.s32 $0x28A0  }
0xd: {  	s7 =	sadd.s32 s9, s7;
	s9 =	ssub.s32 s11, s30;
	s11 =	sor.u32 $0x1C01, s31  }
0xe: {  	s7 =	sadd.s32 $0x3200, s7;
	s8 =	smax.u32 s9, $0x1;
	s9 =	simm.s32 $0x1  }
.LBB2_1:
0xf: {  	[tilespmem:s3], [sflag:$0x1] =	stream.linear.gather [hbm4b:s6+s3], $0x28A0, $0x38;
	[tilespmem:$0x3FC0] =	vst v63  }
0x10: {  	_ =	swait.ge [sflag:s9], $0x28A0  }
0x11: {  	[sflag:s9] =	ssyncset.done $0x0  }
0x12: {  	[sflag:s9] =	ssyncadd.s32 $0xFFFFD760  }
0x13: {  	[tilespmem:s10], [sflag:$0x1] =	stream.linear.gather [hbm4b:s4+s3], $0x320, $0x38;
	[tilespmem:$0x3FC0] =	vst v63  }
0x14: {  	_ =	swait.ge [sflag:s9], $0x320  }
0x15: {  	[sflag:s9] =	ssyncset.done $0x0  }
0x16: {  	[sflag:s9] =	ssyncadd.s32 $0xFFFFFCE0  }
0x17: {  	[spmem:s12], [sflag:s11] =	dma.local [hbm:s5], $0x280  }
0x18: {  	_ =	swait.ge [sflag:s9], $0x280  }
0x19: {  	[sflag:s9] =	ssyncset.done $0x0  }
0x1a: {  	[sflag:s9] =	ssyncadd.s32 $0xFFFFFD80  }
0x1b: {  	s15 =	simm.s32 $0x0;
	[bflag:$0x0] =	sbarrier.arrive $0xFFFF  }
0x1c: {  	[spmem:s2] =	stream.indirect.scatter.add.f32 [tilespmem:s10], [sflag:$0x1], $0x8, s15, s13, $0xb8;
	[tilespmem:$0x3FC0] =	vst v63  }
0x1d: {  	_ =	swait.ge [sflag:s9], $0x320  }
0x1e: {  	s15 =	simm.s32 $0x1A0;
	[sflag:s9] =	ssyncset.done $0x0  }
.LBB2_2:
0x1f: {  	s16 =	sshra.s32 s15, $0x2;
	[sflag:s9] =	ssyncadd.s32 $0xFFFFFCE0;
	p0 =	sne.s32 s15, $0xA0E0  }
0x20: {  	[spmem:s2] =	stream.indirect.scatter.add.f32 [tilespmem:s10], [sflag:$0x1], $0x8, s16, s13, $0xb8;
	[tilespmem:$0x3FC0] =	vst v63  }
.Ltmp0:
0x21: {  	_ = 	snop;
	(pc) =	sbr.rel @p0 .LBB2_2-.Ltmp0, $4  }
0x22: {  	_ = 	snop  }
0x23: {  	s15 =	sadd.s32 $0x1A0, s15  }
0x24: {  	_ =	swait.ge [sflag:s9], $0x320  }
0x25: {  	[sflag:s9] =	ssyncset.done $0x0  }
0x26: {  	s14 =	sadd.s32 $0x1, s14  }
0x27: {  	[sflag:s9] =	ssyncadd.s32 $0xFFFFFCE0;
	p0 =	sne.s32 s14, s8  }
.Ltmp1:
0x28: {  	[bflag:$0x0] =	sbarrier.arrive $0xFFFF;
	(pc) =	sbr.rel @p0 .LBB2_1-.Ltmp1, $4  }
0x29: {  	[hbm:s7], [sflag:s11] =	dma.local [spmem:s12], $0x280  }
0x2a: {  	_ =	swait.ge [sflag:s9], $0x280  }
0x2b: {  	[sflag:s9] =	ssyncset.done $0x0  }
0x2c: {  	[sflag:s9] =	ssyncadd.s32 $0xFFFFFD80  }
0x2d: {  	_ =	sfence.sel $0x180000  }
0x2e: {  	[bflag:$0x0] =	sbarrier.arrive $0xFFFF  }
0x2f: {  	p0 =	sne.s32 s1, $0x0;
	_ =	strace $0x90000047  }
0x30: {  	s0 =	sadd.s32 @!p0 $0x100000, s0;
	[bflag:$0x2] =	sbarrier.arrive $0xFFFF  }
0x31: {  	[sflag:s0] =	ssyncadd.tile.s32 @!p0 $0x1;
	_ =	shalt  }
.Lfunc_end2:
_tile_overlayer_lowered:
.L_overlay_start_2:
0x32: {  	(tag) =	ssettag $0x2  }
0x33: {  	s0 =	rddreg [dreg:$0x0];
	s2 =	stileid.u32  }
0x34: {  	s1 =	rddreg [dreg:$0x1];
	p0 =	sne.s32 s2, $0x0  }
0x35: {  	s3 =	rddreg [dreg:$0x2];
	[bflag:$0x3] =	sbarrier.arrive $0xFFFF;
	s2 =	simm.s32 @!p0 $0x1C01  }
0x36: {  	[timem:s3], [sflag:s2] =	dma.local @!p0 [hbm:s0], s1  }
0x37: {  	s0 =	simm.s32 @!p0 $0x1  }
0x38: {  	_ =	swait.ge @!p0 [sflag:s0], s1  }
0x39: {  	s1 =	ssub.s32 @!p0 $0x0, s1;
	[sflag:s0] =	ssyncset.done @!p0 $0x0  }
0x3a: {  	[sflag:s0] =	ssyncadd.s32 @!p0 s1  }
0x3b: {  	[bflag:$0x3] =	sbarrier.arrive $0xFFFF  }
0x3c: {  	_ =	shalt  }

// kernel: kernel.13.cloned.1.call-start
scs
__scs_entry_jumppad:
0x0: {  	(pc) =	sbr.rel $0x88, $3  }
0x1: {  	(tag) =	ssettag $0x0;
	lr =	simm.s32 $0x1  }
0x2: {  	[smem:$0x3F91] =	sst lr;
	_ =	strace $0xD0000000  }
0x3: {  	_ = 	snop  }
0x4: {  	_ = 	snop  }
0x5: {  	_ = 	snop  }
0x6: {  	_ = 	snop  }
0x7: {  	_ = 	snop  }
__scs_overlays_trampoline_lowered:
0x8: {  	[smem:$0x3FA0] =	sst s0  }
0x9: {  	[smem:$0x3FA1] =	sst s1  }
0xa: {  	[smem:$0x3FA2] =	sst s2  }
0xb: {  	[smem:$0x3FA3] =	sst s3  }
0xc: {  	[smem:$0x3FA4] =	sst s4  }
0xd: {  	[smem:$0x3FA5] =	sst s5  }
0xe: {  	[smem:$0x3FA6] =	sst s6  }
0xf: {  	[smem:$0x3FA7] =	sst s7  }
0x10: {  	[smem:$0x3FA8] =	sst s8  }
0x11: {  	[smem:$0x3FA9] =	sst s9;
	s0 =	simm.s32 @!p0 $0x0  }
0x12: {  	s1 =	sld [smem:$0x3F8F];
	s0 =	simm.s32 @p0 $0x1  }
0x13: {  	[smem:$0x3FAA] =	sst s0;
	s0 =	simm.s32 @!p1 $0x0  }
0x14: {  	s2 =	sld [smem:$0x3F8E];
	s0 =	simm.s32 @p1 $0x1  }
0x15: {  	[smem:$0x3FAB] =	sst s0;
	s0 =	simm.s32 @!p2 $0x0  }
0x16: {  	s3 =	sld [smem:$0x3FDB];
	s0 =	simm.s32 @p2 $0x1  }
0x17: {  	s4 =	simm.s32 $0x1BF5;
	[smem:$0x3FAD] =	sst s0  }
0x18: {  	s0 =	sld [smem:$0x3F90];
	_ =	swait.ge [sflag:s4], $0x0  }
0x19: {  	s7 =	sld [smem:$0x3F91]  }
0x1a: {  	s8 =	sadd.s32 $0xFFFFE003, lr  }
0x1b: {  	s9 =	sadd.s32 $0xFFFFFEF7, lr;
	s5 =	simm.s32 $0xFFFFFFFF;
	p2 =	slt.u32 s8, $0xFFFFF086  }
0x1c: {  	p1 =	slt.u32 s9, $0xF7A;
	s5 =	simm.s32 @!p2 $0x0  }
0x1d: {  	s5 =	simm.s32 @p1 $0x1;
	p0 =	seq.s32 s7, s2  }
0x1e: {  	s7 =	smul.u32 @!p0 $0xF7A, s2;
	p2 =	seq.s32 @!p0 s5, $0x0  }
0x1f: {  	s9 =	smul.u32 $0xF7A, s1;
	s8 =	simm.s32 @!p0 $0x1BF5;
	p2 =	por !p2, p0  }
0x20: {  	[sflag:s8] =	ssyncset.s32 @!p0 $0xFFFFF086;
	s6 =	sadd.s32 @!p0 s3, s7;
	s7 =	simm.s32 @!p0 $0x108  }
0x21: {  	s3 =	sadd.s32 s3, s9;
	s6 =	sadd.s32 @!p0 $0x88, s6;
	s7 =	simm.s32 @p2 $0x1082  }
0x22: {  	[simem:s7], [sflag:s8] =	dma.local @!p0 [hbm:s6], $0xF7A  }
0x23: {  	s9 =	sor.u32 $0xD0000000, s2;
	s6 =	simm.s32 $0x108;
	_ =	swait.ge @!p0 [sflag:s8], $0x0  }
0x24: {  	s3 =	sadd.s32 $0x88, s3;
	s6 =	simm.s32 @!p1 $0x1082;
	[sflag:s4] =	ssyncset.s32 $0xFFFFF086  }
0x25: {  	[simem:s6], [sflag:s4] =	dma.local [hbm:s3], $0xF7A  }
0x26: {  	[smem:$0x3F91] =	sst s1;
	(tag) =	ssettag s2;
	_ =	strace s9  }
0x27: {  	s1 =	sld [smem:$0x3FA1]  }
0x28: {  	s2 =	sld [smem:$0x3FA2]  }
0x29: {  	s4 =	sld [smem:$0x3FA4]  }
0x2a: {  	p0 =	seq.s32 s5, $0x0;
	s5 =	sld [smem:$0x3FA5]  }
0x2b: {  	s6 =	sld [smem:$0x3FA6]  }
0x2c: {  	s7 =	sld [smem:$0x3FA7]  }
0x2d: {  	s3 =	simm.s32 $0x108;
	s8 =	sld [smem:$0x3FA8]  }
0x2e: {  	s3 =	simm.s32 @!p0 $0x1082;
	s9 =	sld [smem:$0x3FA9]  }
0x2f: {  	lr =	sadd.s32 s0, s3;
	s0 =	sld [smem:$0x3FA0]  }
0x30: {  	s3 =	sld [smem:$0x3FA3]  }
0x31: {  	[smem:$0x3FAC] =	sst s10  }
0x32: {  	s10 =	sld [smem:$0x3FAA];
	_ =	sdelay $0x3  }
0x33: {  	p0 =	seq.s32 s10, $0x1;
	s10 =	sld [smem:$0x3FAC];
	_ =	sdelay $0x3  }
0x34: {  	[smem:$0x3FAC] =	sst s10  }
0x35: {  	s10 =	sld [smem:$0x3FAB];
	_ =	sdelay $0x3  }
0x36: {  	p1 =	seq.s32 s10, $0x1;
	s10 =	sld [smem:$0x3FAC];
	_ =	sdelay $0x3  }
0x37: {  	[smem:$0x3FAC] =	sst s10  }
0x38: {  	s10 =	sld [smem:$0x3FAD]  }
0x39: {  	_ = 	snop;
	(pc) =	sbr.ind lr, $3  }
0x3a: {  	_ = 	snop  }
0x3b: {  	_ = 	snop  }
0x3c: {  	p2 =	seq.s32 s10, $0x1;
	s10 =	sld [smem:$0x3FAC]  }
0x3d: {  	_ =	shalt  }
0x3e: {  	_ =	shalt  }
0x3f: {  	_ =	shalt  }
0x40: {  	_ =	shalt  }
0x41: {  	_ =	shalt  }
0x42: {  	_ =	shalt  }
0x43: {  	_ =	shalt  }
0x44: {  	_ =	shalt  }
0x45: {  	_ =	shalt  }
0x46: {  	_ =	shalt  }
0x47: {  	_ =	shalt  }
0x48: {  	_ =	shalt  }
0x49: {  	_ =	shalt  }
0x4a: {  	_ =	shalt  }
0x4b: {  	_ =	shalt  }
0x4c: {  	_ =	shalt  }
0x4d: {  	_ =	shalt  }
0x4e: {  	_ =	shalt  }
0x4f: {  	_ =	shalt  }
0x50: {  	_ =	shalt  }
0x51: {  	_ =	shalt  }
0x52: {  	_ =	shalt  }
0x53: {  	_ =	shalt  }
0x54: {  	_ =	shalt  }
0x55: {  	_ =	shalt  }
0x56: {  	_ =	shalt  }
0x57: {  	_ =	shalt  }
0x58: {  	_ =	shalt  }
0x59: {  	_ =	shalt  }
0x5a: {  	_ =	shalt  }
0x5b: {  	_ =	shalt  }
0x5c: {  	_ =	shalt  }
0x5d: {  	_ =	shalt  }
0x5e: {  	_ =	shalt  }
0x5f: {  	_ =	shalt  }
0x60: {  	_ =	shalt  }
0x61: {  	_ =	shalt  }
0x62: {  	_ =	shalt  }
0x63: {  	_ =	shalt  }
0x64: {  	_ =	shalt  }
0x65: {  	_ =	shalt  }
0x66: {  	_ =	shalt  }
0x67: {  	_ =	shalt  }
0x68: {  	_ =	shalt  }
0x69: {  	_ =	shalt  }
0x6a: {  	_ =	shalt  }
0x6b: {  	_ =	shalt  }
0x6c: {  	_ =	shalt  }
0x6d: {  	_ =	shalt  }
0x6e: {  	_ =	shalt  }
0x6f: {  	_ =	shalt  }
0x70: {  	_ =	shalt  }
0x71: {  	_ =	shalt  }
0x72: {  	_ =	shalt  }
0x73: {  	_ =	shalt  }
0x74: {  	_ =	shalt  }
0x75: {  	_ =	shalt  }
0x76: {  	_ =	shalt  }
0x77: {  	_ =	shalt  }
0x78: {  	_ =	shalt  }
0x79: {  	_ =	shalt  }
0x7a: {  	_ =	shalt  }
0x7b: {  	_ =	shalt  }
0x7c: {  	_ =	shalt  }
0x7d: {  	_ =	shalt  }
0x7e: {  	_ =	shalt  }
0x7f: {  	_ =	shalt  }
0x80: {  	_ =	shalt  }
0x81: {  	_ =	shalt  }
0x82: {  	_ =	shalt  }
0x83: {  	_ =	shalt  }
0x84: {  	_ =	shalt  }
0x85: {  	_ =	shalt  }
0x86: {  	_ =	shalt  }
0x87: {  	_ =	shalt  }
.Lfunc_end0:
.L_simem_size_0:
called_computation.1_lowered:
.L_overlay_start_0:
0x88: {  	s2 =	sld [smem:$0x3FD9]  }
0x89: {  	s3 =	sld [smem:$0x3FFE];
	_ =	sdelay $0x1  }
0x8a: {  	s1 =	srdreg.scid  }
0x8b: {  	s0 =	sand.u32 $0x1, s1  }
0x8c: {  	s17 =	sshll.u32 s0, $0xA;
	s2 =	sadd.s32 s3, s2  }
0x8d: {  	s2 =	sadd.s32 s2, s17  }
0x8e: {  	[smem:$0x3FB8] =	sst s2  }
0x8f: {  	_ = 	snop  }
0x90: {  	s2 =	sld [smem:$0x3FD0];
	(tm) =	ssettm $0x1  }
0x91: {  	s18 =	sld [smem:$0x3FFB];
	_ =	sdelay $0x3  }
0x92: {  	_ =	strace s18  }
0x93: {  	s3 =	sld [smem:$0x3FFC];
	_ =	sdelay $0x3  }
0x94: {  	_ =	strace s3  }
0x95: {  	s3 =	sld [smem:$0x3FFD];
	_ =	sdelay $0x3  }
0x96: {  	_ =	strace s3  }
0x97: {  	_ =	strace $0x8FFFFFFF  }
0x98: {  	s19 =	sld [smem:$0x3FDB];
	_ =	sdelay $0x1  }
0x99: {  	s4 =	simm.s32 $_scs_section_size  }
0x9a: {  	s5 =	simm.s32 $_size__tile_overlayer_lowered;
	s6 =	simm.s32 $_tile_overlayer_lowered  }
0x9b: {  	s22 =	simm.s32 $0x1BFF;
	s21 =	sshll.u32 s6, $0x1;
	s3 =	sadd.s32 s4, s19  }
0x9c: {  	s7 =	simm.s32 $0x0;
	s20 =	sshll.u32 s5, $0x1;
	s5 =	sadd.s32 s21, s3  }
0x9d: {  	[timem:s7], [sflag:s22] =	dma.local [hbm:s5], s20  }
0x9e: {  	_ =	swait.ge [sflag:s22], s20  }
0x9f: {  	s4 =	ssub.s32 $0x0, s20;
	[sflag:s22] =	ssyncset.done $0x0  }
0xa0: {  	[sflag:s22] =	ssyncadd.s32 s4;
	_ =	sdelay $0x1  }
0xa1: {  	s23 =	simm.s32 $0x1B8B  }
0xa2: {  	_ =	swait.ge [sflag:s23], $0x1  }
0xa3: {  	[sflag:s23] =	ssyncset.done $0x0  }
0xa4: {  	s25 =	simm.s32 $0x1B8E;
	s24 =	sld [smem:$0x3FFE];
	[sflag:s23] =	ssyncadd.s32 $0xFFFFFFFF  }
0xa5: {  	s26 =	simm.s32 $execute0_lowered;
	[smem:$0x3FD2] =	sst s25  }
0xa6: {  	s5 =	sshll.u32 s26, $0x1;
	_ =	strace $0x80000049;
	[dreg:$0x1] =	wrdreg $0xFFFFFFFF  }
0xa7: {  	s28 =	simm.s32 $_size_execute0_lowered;
	s3 =	sadd.s32 s3, s5;
	[dreg:$0x0] =	wrdreg $0x0  }
0xa8: {  	s5 =	sshll.u32 s28, $0x1;
	[dreg:$0x2] =	wrdreg s3  }
0xa9: {  	[dreg:$0x3] =	wrdreg s5  }
0xaa: {  	[dreg:$0x4] =	wrdreg $0xC0  }
0xab: {  	_ =	task [dreg:s7], $0x5FFFF  }
0xac: {  	[dreg:$0x1] =	wrdreg $0xFFFFFFFF  }
0xad: {  	[dreg:$0x0] =	wrdreg $0x60  }
0xae: {  	[dreg:$0x2] =	wrdreg s24  }
0xaf: {  	[dreg:$0x3] =	wrdreg s2  }
0xb0: {  	[dreg:$0x4] =	wrdreg $0x120000  }
0xb1: {  	[dreg:$0x5] =	wrdreg $0x9  }
0xb2: {  	_ =	task.clear_ibuf [dreg:s7], $0x6FFFF;
	_ =	strace $0x90000049  }
0xb3: {  	s29 =	simm.s32 $0x9;
	_ =	strace $0x8000004B  }
0xb4: {  	_ =	swait.ge [sflag:s29], $0x1  }
0xb5: {  	[sflag:s29] =	ssyncadd.s32 $0xFFFFFFFF  }
0xb6: {  	_ =	strace $0x9000004B  }
0xb7: {  	_ =	sfence  }
0xb8: {  	s30 =	sld [smem:$0x0];
	_ =	sdelay $0x2  }
0xb9: {  	s31 =	sshll.u32 s1, $0xD;
	s1 =	sshrl.u32 s1, $0x2  }
0xba: {  	s3 =	sand.u32 $0x4000, s31;
	s1 =	sadd.s32 s1, s30  }
0xbb: {  	s0 =	sor.u32 s3, s0;
	s1 =	sshll.u32 s1, $0x11  }
0xbc: {  	s0 =	sor.u32 s1, s0  }
0xbd: {  	s0 =	sadd.s32 $0x8F2B, s0  }
0xbe: {  	[sflag:s0] =	ssyncadd.remote.s32 $0x1  }
0xbf: {  	_ =	sfence.sel $0xFFFF  }
0xc0: {  	[dreg:$0x0] =	wrdreg $0xFFFFFFFF;
	(pc) =	sbr.abs _section_cstart, $3  }
0xc1: {  	[dreg:$0x1] =	wrdreg $0xFFFFFFFF  }
0xc2: {  	_ =	task.clear_ibuf [dreg:s7], $0x2FFFF;
	_ =	strace $0x9FFFFFFF  }
0xc3: {  	(tm) =	ssettm $0x7FFFFFFF  }
tec
execute0_lowered:
.L_overlay_start_1:
0x0: {  	(tag) =	ssettag $0x1  }
0x1: {  	s0 =	rddreg [dreg:$0x0]  }
0x2: {  	s1 =	srdreg.scid;
	s3 =	rddreg [dreg:$0x2]  }
0x3: {  	s10 =	stileid.u32;
	s4 =	simm.s32 $0x0;
	s14 =	simm.s32 $0x80  }
0x4: {  	s15 =	simm.s32 $0xA000;
	s16 =	simm.s32 $0xC000;
	s18 =	simm.s32 $0xE000  }
0x5: {  	s20 =	simm.s32 $0x10000;
	s21 =	simm.s32 $0x1;
	s22 =	simm.s32 $0x2  }
0x6: {  	s23 =	simm.s32 $0x3;
	s24 =	simm.s32 $0x4;
	s25 =	simm.s32 $0x5  }
0x7: {  	s28 =	simm.s32 $0x7;
	s29 =	simm.s32 $0x8;
	s7 =	smul.u32 $0xA000, s10  }
0x8: {  	s30 =	simm.s32 $0x9E00;
	s1 =	sand.u32 $0x1, s1;
	s6 =	smul.u32 $0xA00, s10  }
0x9: {  	s31 =	simm.s32 $0x9E80;
	[smem:$0x7FF] =	sst s4;
	s2 =	smul.u32 $0x13880, s1  }
0xa: {  	s26 =	sshll.u32 s10, $0x6;
	s10 =	simm.s32 $0x9;
	s5 =	smul.u32 $0xA0000, s1  }
0xb: {  	_ =	strace $0x8000004A;
	s1 =	ssub.s32 $0x2, s1;
	s12 =	sor.u32 $0x1C09, s26  }
0xc: {  	s26 =	simm.s32 $0x6;
	s6 =	sadd.s32 s6, s0;
	s8 =	sshrl.u32 s1, $0x1  }
0xd: {  	s11 =	sadd.s32 s7, s3;
	s2 =	sadd.s32 s2, s0;
	s5 =	sadd.s32 s7, s5  }
0xe: {  	s1 =	ssub.s32 s1, s8;
	s13 =	sshrl.u32 s11, $0x3;
	s5 =	sshrl.u32 s5, $0x3  }
0xf: {  	s7 =	sadd.s32 $0x6C200, s2;
	s9 =	smax.u32 s1, $0x1;
	s2 =	simm.s32 $0x9F80  }
0x10: {  	s1 =	simm.s32 $0x0;
	s0 =	sadd.s32 s5, s0;
	s5 =	sadd.s32 $0x12200, s6  }
0x11: {  	s6 =	sadd.s32 $0x8200, s6;
	s8 =	sadd.s32 $0x93400, s0;
	s0 =	simm.s32 $0x9F00  }
.LBB2_1:
0x12: {  	[tilespmem:s4], [sflag:$0x9] =	stream.linear.gather [hbm4b:s5+s4], $0x5000, $0x38;
	[tilespmem:$0x1C000] =	vst v63  }
0x13: {  	_ =	swait.ge [sflag:s10], $0x5000  }
0x14: {  	[sflag:s10] =	ssyncset.done $0x0  }
0x15: {  	s11 =	simm.s32 $0x5000;
	[sflag:s10] =	ssyncadd.s32 $0xFFFFB000  }
0x16: {  	[tilespmem:s11], [sflag:$0x9] =	stream.linear.gather [hbm4b:s6+s4], $0x5000, $0x38;
	[tilespmem:$0x1C000] =	vst v63  }
0x17: {  	_ =	swait.ge [sflag:s10], $0x5000  }
0x18: {  	[sflag:s10] =	ssyncset.done $0x0  }
0x19: {  	[sflag:s10] =	ssyncadd.s32 $0xFFFFB000  }
0x1a: {  	s17 =	rddreg [dreg:$0x1]  }
0x1b: {  	[spmem:s13], [sflag:s12] =	dma.local [hbm:s17], $0x1400  }
0x1c: {  	_ =	swait.ge [sflag:s10], $0x1400  }
0x1d: {  	[sflag:s10] =	ssyncset.done $0x0  }
0x1e: {  	[sflag:s10] =	ssyncadd.s32 $0xFFFFEC00  }
0x1f: {  	[bflag:$0x0] =	sbarrier.arrive $0xFFFF  }
0x20: {  	[tilespmem:s15], [sflag:$0x1] =	stream.indirect.gather [hbm4b:s7+s14], $0x40, s4, s14, $0xb8;
	[tilespmem:$0x1C000] =	vst v63  }
0x21: {  	_ = 	snop  }
0x22: {  	[tilespmem:s16], [sflag:$0x2] =	stream.indirect.gather [hbm4b:s7+s14], $0x40, s14, s14, $0xb8;
	[tilespmem:$0x1C000] =	vst v63  }
0x23: {  	s19 =	simm.s32 $0x100  }
0x24: {  	[tilespmem:s18], [sflag:$0x3] =	stream.indirect.gather [hbm4b:s7+s14], $0x40, s19, s14, $0xb8;
	[tilespmem:$0x1C000] =	vst v63  }
0x25: {  	s17 =	simm.s32 $0x180  }
0x26: {  	[tilespmem:s20], [sflag:$0x4] =	stream.indirect.gather [hbm4b:s7+s14], $0x40, s17, s14, $0xb8;
	[tilespmem:$0x1C000] =	vst v63  }
0x27: {  	_ =	swait.ge [sflag:s21], $0x2000  }
0x28: {  	[sflag:s21] =	ssyncset.done $0x0  }
0x29: {  	s19 =	simm.s32 $0x5000;
	[sflag:s21] =	ssyncadd.s32 $0xFFFFE000  }
0x2a: {  	[spmem:s3] =	stream.indirect.scatter.add.f32 [tilespmem:s15], [sflag:$0x5], $0x40, s19, s14, $0xb8;
	[tilespmem:$0x1C000] =	vst v63  }
0x2b: {  	_ =	swait.ge [sflag:s22], $0x2000  }
0x2c: {  	[sflag:s22] =	ssyncset.done $0x0  }
0x2d: {  	s17 =	simm.s32 $0x5080;
	[sflag:s22] =	ssyncadd.s32 $0xFFFFE000  }
0x2e: {  	[spmem:s3] =	stream.indirect.scatter.add.f32 [tilespmem:s16], [sflag:$0x6], $0x40, s17, s14, $0xb8;
	[tilespmem:$0x1C000] =	vst v63  }
0x2f: {  	_ =	swait.ge [sflag:s23], $0x2000  }
0x30: {  	[sflag:s23] =	ssyncset.done $0x0  }
0x31: {  	s19 =	simm.s32 $0x5100;
	[sflag:s23] =	ssyncadd.s32 $0xFFFFE000  }
0x32: {  	[spmem:s3] =	stream.indirect.scatter.add.f32 [tilespmem:s18], [sflag:$0x7], $0x40, s19, s14, $0xb8;
	[tilespmem:$0x1C000] =	vst v63  }
0x33: {  	_ =	swait.ge [sflag:s24], $0x2000  }
0x34: {  	[sflag:s24] =	ssyncset.done $0x0  }
0x35: {  	s17 =	simm.s32 $0x5180;
	[sflag:s24] =	ssyncadd.s32 $0xFFFFE000  }
0x36: {  	[spmem:s3] =	stream.indirect.scatter.add.f32 [tilespmem:s20], [sflag:$0x8], $0x40, s17, s14, $0xb8;
	[tilespmem:$0x1C000] =	vst v63  }
0x37: {  	_ =	swait.ge [sflag:s25], $0x2000  }
0x38: {  	[sflag:s25] =	ssyncset.done $0x0  }
0x39: {  	s19 =	simm.s32 $0x200;
	[sflag:s25] =	ssyncadd.s32 $0xFFFFE000  }
0x3a: {  	[tilespmem:s15], [sflag:$0x1] =	stream.indirect.gather [hbm4b:s7+s14], $0x40, s19, s14, $0xb8;
	[tilespmem:$0x1C000] =	vst v63  }
0x3b: {  	_ =	swait.ge [sflag:s26], $0x2000  }
0x3c: {  	[sflag:s26] =	ssyncset.done $0x0  }
0x3d: {  	s17 =	simm.s32 $0x280;
	[sflag:s26] =	ssyncadd.s32 $0xFFFFE000  }
0x3e: {  	[tilespmem:s16], [sflag:$0x2] =	stream.indirect.gather [hbm4b:s7+s14], $0x40, s17, s14, $0xb8;
	[tilespmem:$0x1C000] =	vst v63  }
0x3f: {  	_ =	swait.ge [sflag:s28], $0x2000  }
0x40: {  	[sflag:s28] =	ssyncset.done $0x0  }
0x41: {  	s19 =	simm.s32 $0x300;
	[sflag:s28] =	ssyncadd.s32 $0xFFFFE000  }
0x42: {  	[tilespmem:s18], [sflag:$0x3] =	stream.indirect.gather [hbm4b:s7+s14], $0x40, s19, s14, $0xb8;
	[tilespmem:$0x1C000] =	vst v63  }
0x43: {  	_ =	swait.ge [sflag:s29], $0x2000  }
0x44: {  	[sflag:s29] =	ssyncset.done $0x0  }
0x45: {  	s11 =	simm.s32 $0x800;
	s17 =	simm.s32 $0x380;
	[sflag:s29] =	ssyncadd.s32 $0xFFFFE000  }
.LBB2_2:
0x46: {  	[tilespmem:s20], [sflag:$0x4] =	stream.indirect.gather [hbm4b:s7+s14], $0x40, s17, s14, $0xb8;
	[tilespmem:$0x1C000] =	vst v63  }
0x47: {  	s17 =	smov.u32 s11  }
0x48: {  	p0 =	sne.s32 s11, $0x13000;
	s11 =	sadd.s32 $0x800, s11;
	_ =	swait.ge [sflag:s21], $0x2000  }
0x49: {  	s17 =	sshra.s32 s17, $0x2;
	[sflag:s21] =	ssyncset.done $0x0  }
0x4a: {  	s19 =	sadd.s32 $0x5000, s17;
	[sflag:s21] =	ssyncadd.s32 $0xFFFFE000  }
0x4b: {  	[spmem:s3] =	stream.indirect.scatter.add.f32 [tilespmem:s15], [sflag:$0x5], $0x40, s19, s14, $0xb8;
	[tilespmem:$0x1C000] =	vst v63  }
0x4c: {  	_ =	swait.ge [sflag:s22], $0x2000  }
0x4d: {  	[sflag:s22] =	ssyncset.done $0x0  }
0x4e: {  	s19 =	sadd.s32 $0x5080, s17;
	[sflag:s22] =	ssyncadd.s32 $0xFFFFE000  }
0x4f: {  	[spmem:s3] =	stream.indirect.scatter.add.f32 [tilespmem:s16], [sflag:$0x6], $0x40, s19, s14, $0xb8;
	[tilespmem:$0x1C000] =	vst v63  }
0x50: {  	_ =	swait.ge [sflag:s23], $0x2000  }
0x51: {  	[sflag:s23] =	ssyncset.done $0x0  }
0x52: {  	s19 =	sadd.s32 $0x5100, s17;
	[sflag:s23] =	ssyncadd.s32 $0xFFFFE000  }
0x53: {  	[spmem:s3] =	stream.indirect.scatter.add.f32 [tilespmem:s18], [sflag:$0x7], $0x40, s19, s14, $0xb8;
	[tilespmem:$0x1C000] =	vst v63  }
0x54: {  	_ =	swait.ge [sflag:s24], $0x2000  }
0x55: {  	[sflag:s24] =	ssyncset.done $0x0  }
0x56: {  	s19 =	sadd.s32 $0x5180, s17;
	[sflag:s24] =	ssyncadd.s32 $0xFFFFE000  }
0x57: {  	[spmem:s3] =	stream.indirect.scatter.add.f32 [tilespmem:s20], [sflag:$0x8], $0x40, s19, s14, $0xb8;
	[tilespmem:$0x1C000] =	vst v63  }
0x58: {  	_ =	swait.ge [sflag:s25], $0x2000  }
0x59: {  	[sflag:s25] =	ssyncset.done $0x0  }
0x5a: {  	s19 =	sadd.s32 $0x200, s17;
	[sflag:s25] =	ssyncadd.s32 $0xFFFFE000  }
0x5b: {  	[tilespmem:s15], [sflag:$0x1] =	stream.indirect.gather [hbm4b:s7+s14], $0x40, s19, s14, $0xb8;
	[tilespmem:$0x1C000] =	vst v63  }
0x5c: {  	_ =	swait.ge [sflag:s26], $0x2000  }
0x5d: {  	[sflag:s26] =	ssyncset.done $0x0  }
0x5e: {  	s19 =	sadd.s32 $0x280, s17;
	[sflag:s26] =	ssyncadd.s32 $0xFFFFE000  }
0x5f: {  	[tilespmem:s16], [sflag:$0x2] =	stream.indirect.gather [hbm4b:s7+s14], $0x40, s19, s14, $0xb8;
	[tilespmem:$0x1C000] =	vst v63  }
0x60: {  	_ =	swait.ge [sflag:s28], $0x2000  }
0x61: {  	[sflag:s28] =	ssyncset.done $0x0  }
.Ltmp0:
0x62: {  	s19 =	sadd.s32 $0x300, s17;
	[sflag:s28] =	ssyncadd.s32 $0xFFFFE000;
	(pc) =	sbr.rel @p0 .LBB2_2-.Ltmp0, $4  }
0x63: {  	[tilespmem:s18], [sflag:$0x3] =	stream.indirect.gather [hbm4b:s7+s14], $0x40, s19, s14, $0xb8;
	[tilespmem:$0x1C000] =	vst v63  }
0x64: {  	_ =	swait.ge [sflag:s29], $0x2000  }
0x65: {  	[sflag:s29] =	ssyncset.done $0x0  }
0x66: {  	s17 =	sadd.s32 $0x380, s17;
	[sflag:s29] =	ssyncadd.s32 $0xFFFFE000  }
0x67: {  	[tilespmem:s20], [sflag:$0x4] =	stream.indirect.gather [hbm4b:s7+s14], $0x40, s17, s14, $0xb8;
	[tilespmem:$0x1C000] =	vst v63  }
0x68: {  	_ =	swait.ge [sflag:s21], $0x2000  }
0x69: {  	[sflag:s21] =	ssyncset.done $0x0  }
0x6a: {  	[sflag:s21] =	ssyncadd.s32 $0xFFFFE000  }
0x6b: {  	[spmem:s3] =	stream.indirect.scatter.add.f32 [tilespmem:s15], [sflag:$0x5], $0x40, s30, s14, $0xb8;
	[tilespmem:$0x1C000] =	vst v63  }
0x6c: {  	_ =	swait.ge [sflag:s22], $0x2000  }
0x6d: {  	[sflag:s22] =	ssyncset.done $0x0  }
0x6e: {  	[sflag:s22] =	ssyncadd.s32 $0xFFFFE000  }
0x6f: {  	[spmem:s3] =	stream.indirect.scatter.add.f32 [tilespmem:s16], [sflag:$0x6], $0x40, s31, s14, $0xb8;
	[tilespmem:$0x1C000] =	vst v63  }
0x70: {  	_ =	swait.ge [sflag:s23], $0x2000  }
0x71: {  	[sflag:s23] =	ssyncset.done $0x0  }
0x72: {  	[sflag:s23] =	ssyncadd.s32 $0xFFFFE000  }
0x73: {  	[spmem:s3] =	stream.indirect.scatter.add.f32 [tilespmem:s18], [sflag:$0x7], $0x40, s0, s14, $0xb8;
	[tilespmem:$0x1C000] =	vst v63  }
0x74: {  	_ =	swait.ge [sflag:s24], $0x2000  }
0x75: {  	[sflag:s24] =	ssyncset.done $0x0  }
0x76: {  	[sflag:s24] =	ssyncadd.s32 $0xFFFFE000  }
0x77: {  	[spmem:s3] =	stream.indirect.scatter.add.f32 [tilespmem:s20], [sflag:$0x8], $0x40, s2, s14, $0xb8;
	[tilespmem:$0x1C000] =	vst v63  }
0x78: {  	_ =	swait.ge [sflag:s25], $0x2000  }
0x79: {  	[sflag:s25] =	ssyncset.done $0x0  }
0x7a: {  	[sflag:s25] =	ssyncadd.s32 $0xFFFFE000  }
0x7b: {  	_ =	swait.ge [sflag:s26], $0x2000  }
0x7c: {  	[sflag:s26] =	ssyncset.done $0x0  }
0x7d: {  	[sflag:s26] =	ssyncadd.s32 $0xFFFFE000  }
0x7e: {  	_ =	swait.ge [sflag:s28], $0x2000  }
0x7f: {  	[sflag:s28] =	ssyncset.done $0x0  }
0x80: {  	[sflag:s28] =	ssyncadd.s32 $0xFFFFE000  }
0x81: {  	_ =	swait.ge [sflag:s29], $0x2000  }
0x82: {  	s1 =	sadd.s32 $0x1, s1;
	[sflag:s29] =	ssyncset.done $0x0  }
0x83: {  	p0 =	sne.s32 s1, s9;
	[sflag:s29] =	ssyncadd.s32 $0xFFFFE000  }
.Ltmp1:
0x84: {  	[bflag:$0x0] =	sbarrier.arrive $0xFFFF;
	(pc) =	sbr.rel @p0 .LBB2_1-.Ltmp1, $4  }
0x85: {  	[hbm:s8], [sflag:s12] =	dma.local [spmem:s13], $0x1400  }
0x86: {  	_ =	swait.ge [sflag:s10], $0x1400  }
0x87: {  	[sflag:s10] =	ssyncset.done $0x0  }
0x88: {  	[sflag:s10] =	ssyncadd.s32 $0xFFFFEC00  }
0x89: {  	_ =	sfence.sel $0x180000  }
0x8a: {  	[bflag:$0x0] =	sbarrier.arrive $0xFFFF  }
0x8b: {  	_ =	strace $0x9000004A  }
0x8c: {  	s0 =	stileid.u32;
	[bflag:$0x2] =	sbarrier.arrive $0xFFFF  }
0x8d: {  	p0 =	sne.s32 s0, $0x0;
	s0 =	rddreg [dreg:$0x3]  }
0x8e: {  	s0 =	sadd.s32 @!p0 $0x100000, s0  }
0x8f: {  	[sflag:s0] =	ssyncadd.tile.s32 @!p0 $0x1;
	_ =	shalt  }
.Lfunc_end2:
_tile_overlayer_lowered:
.L_overlay_start_2:
0x90: {  	(tag) =	ssettag $0x2  }
0x91: {  	s0 =	rddreg [dreg:$0x0];
	s2 =	stileid.u32  }
0x92: {  	s1 =	rddreg [dreg:$0x1];
	p0 =	sne.s32 s2, $0x0  }
0x93: {  	s3 =	rddreg [dreg:$0x2];
	[bflag:$0x3] =	sbarrier.arrive $0xFFFF;
	s2 =	simm.s32 @!p0 $0x1C09  }
0x94: {  	[timem:s3], [sflag:s2] =	dma.local @!p0 [hbm:s0], s1  }
0x95: {  	s0 =	simm.s32 @!p0 $0x9  }
0x96: {  	_ =	swait.ge @!p0 [sflag:s0], s1  }
0x97: {  	s1 =	ssub.s32 @!p0 $0x0, s1;
	[sflag:s0] =	ssyncset.done @!p0 $0x0  }
0x98: {  	[sflag:s0] =	ssyncadd.s32 @!p0 s1  }
0x99: {  	[bflag:$0x3] =	sbarrier.arrive $0xFFFF  }
0x9a: {  	_ =	shalt  }

// kernel: kernel.16.cloned.1.call-start
scs
__scs_entry_jumppad:
0x0: {  	(pc) =	sbr.rel $0x88, $3  }
0x1: {  	(tag) =	ssettag $0x0;
	lr =	simm.s32 $0x1  }
0x2: {  	[smem:$0x3F91] =	sst lr;
	_ =	strace $0xD0000000  }
0x3: {  	_ = 	snop  }
0x4: {  	_ = 	snop  }
0x5: {  	_ = 	snop  }
0x6: {  	_ = 	snop  }
0x7: {  	_ = 	snop  }
__scs_overlays_trampoline_lowered:
0x8: {  	[smem:$0x3FA0] =	sst s0  }
0x9: {  	[smem:$0x3FA1] =	sst s1  }
0xa: {  	[smem:$0x3FA2] =	sst s2  }
0xb: {  	[smem:$0x3FA3] =	sst s3  }
0xc: {  	[smem:$0x3FA4] =	sst s4  }
0xd: {  	[smem:$0x3FA5] =	sst s5  }
0xe: {  	[smem:$0x3FA6] =	sst s6  }
0xf: {  	[smem:$0x3FA7] =	sst s7  }
0x10: {  	[smem:$0x3FA8] =	sst s8  }
0x11: {  	[smem:$0x3FA9] =	sst s9;
	s0 =	simm.s32 @!p0 $0x0  }
0x12: {  	s1 =	sld [smem:$0x3F8F];
	s0 =	simm.s32 @p0 $0x1  }
0x13: {  	[smem:$0x3FAA] =	sst s0;
	s0 =	simm.s32 @!p1 $0x0  }
0x14: {  	s2 =	sld [smem:$0x3F8E];
	s0 =	simm.s32 @p1 $0x1  }
0x15: {  	[smem:$0x3FAB] =	sst s0;
	s0 =	simm.s32 @!p2 $0x0  }
0x16: {  	s3 =	sld [smem:$0x3FDB];
	s0 =	simm.s32 @p2 $0x1  }
0x17: {  	s4 =	simm.s32 $0x1BF5;
	[smem:$0x3FAD] =	sst s0  }
0x18: {  	s0 =	sld [smem:$0x3F90];
	_ =	swait.ge [sflag:s4], $0x0  }
0x19: {  	s7 =	sld [smem:$0x3F91]  }
0x1a: {  	s8 =	sadd.s32 $0xFFFFE003, lr  }
0x1b: {  	s9 =	sadd.s32 $0xFFFFFEF7, lr;
	s5 =	simm.s32 $0xFFFFFFFF;
	p2 =	slt.u32 s8, $0xFFFFF086  }
0x1c: {  	p1 =	slt.u32 s9, $0xF7A;
	s5 =	simm.s32 @!p2 $0x0  }
0x1d: {  	s5 =	simm.s32 @p1 $0x1;
	p0 =	seq.s32 s7, s2  }
0x1e: {  	s7 =	smul.u32 @!p0 $0xF7A, s2;
	p2 =	seq.s32 @!p0 s5, $0x0  }
0x1f: {  	s9 =	smul.u32 $0xF7A, s1;
	s8 =	simm.s32 @!p0 $0x1BF5;
	p2 =	por !p2, p0  }
0x20: {  	[sflag:s8] =	ssyncset.s32 @!p0 $0xFFFFF086;
	s6 =	sadd.s32 @!p0 s3, s7;
	s7 =	simm.s32 @!p0 $0x108  }
0x21: {  	s3 =	sadd.s32 s3, s9;
	s6 =	sadd.s32 @!p0 $0x88, s6;
	s7 =	simm.s32 @p2 $0x1082  }
0x22: {  	[simem:s7], [sflag:s8] =	dma.local @!p0 [hbm:s6], $0xF7A  }
0x23: {  	s9 =	sor.u32 $0xD0000000, s2;
	s6 =	simm.s32 $0x108;
	_ =	swait.ge @!p0 [sflag:s8], $0x0  }
0x24: {  	s3 =	sadd.s32 $0x88, s3;
	s6 =	simm.s32 @!p1 $0x1082;
	[sflag:s4] =	ssyncset.s32 $0xFFFFF086  }
0x25: {  	[simem:s6], [sflag:s4] =	dma.local [hbm:s3], $0xF7A  }
0x26: {  	[smem:$0x3F91] =	sst s1;
	(tag) =	ssettag s2;
	_ =	strace s9  }
0x27: {  	s1 =	sld [smem:$0x3FA1]  }
0x28: {  	s2 =	sld [smem:$0x3FA2]  }
0x29: {  	s4 =	sld [smem:$0x3FA4]  }
0x2a: {  	p0 =	seq.s32 s5, $0x0;
	s5 =	sld [smem:$0x3FA5]  }
0x2b: {  	s6 =	sld [smem:$0x3FA6]  }
0x2c: {  	s7 =	sld [smem:$0x3FA7]  }
0x2d: {  	s3 =	simm.s32 $0x108;
	s8 =	sld [smem:$0x3FA8]  }
0x2e: {  	s3 =	simm.s32 @!p0 $0x1082;
	s9 =	sld [smem:$0x3FA9]  }
0x2f: {  	lr =	sadd.s32 s0, s3;
	s0 =	sld [smem:$0x3FA0]  }
0x30: {  	s3 =	sld [smem:$0x3FA3]  }
0x31: {  	[smem:$0x3FAC] =	sst s10  }
0x32: {  	s10 =	sld [smem:$0x3FAA];
	_ =	sdelay $0x3  }
0x33: {  	p0 =	seq.s32 s10, $0x1;
	s10 =	sld [smem:$0x3FAC];
	_ =	sdelay $0x3  }
0x34: {  	[smem:$0x3FAC] =	sst s10  }
0x35: {  	s10 =	sld [smem:$0x3FAB];
	_ =	sdelay $0x3  }
0x36: {  	p1 =	seq.s32 s10, $0x1;
	s10 =	sld [smem:$0x3FAC];
	_ =	sdelay $0x3  }
0x37: {  	[smem:$0x3FAC] =	sst s10  }
0x38: {  	s10 =	sld [smem:$0x3FAD]  }
0x39: {  	_ = 	snop;
	(pc) =	sbr.ind lr, $3  }
0x3a: {  	_ = 	snop  }
0x3b: {  	_ = 	snop  }
0x3c: {  	p2 =	seq.s32 s10, $0x1;
	s10 =	sld [smem:$0x3FAC]  }
0x3d: {  	_ =	shalt  }
0x3e: {  	_ =	shalt  }
0x3f: {  	_ =	shalt  }
0x40: {  	_ =	shalt  }
0x41: {  	_ =	shalt  }
0x42: {  	_ =	shalt  }
0x43: {  	_ =	shalt  }
0x44: {  	_ =	shalt  }
0x45: {  	_ =	shalt  }
0x46: {  	_ =	shalt  }
0x47: {  	_ =	shalt  }
0x48: {  	_ =	shalt  }
0x49: {  	_ =	shalt  }
0x4a: {  	_ =	shalt  }
0x4b: {  	_ =	shalt  }
0x4c: {  	_ =	shalt  }
0x4d: {  	_ =	shalt  }
0x4e: {  	_ =	shalt  }
0x4f: {  	_ =	shalt  }
0x50: {  	_ =	shalt  }
0x51: {  	_ =	shalt  }
0x52: {  	_ =	shalt  }
0x53: {  	_ =	shalt  }
0x54: {  	_ =	shalt  }
0x55: {  	_ =	shalt  }
0x56: {  	_ =	shalt  }
0x57: {  	_ =	shalt  }
0x58: {  	_ =	shalt  }
0x59: {  	_ =	shalt  }
0x5a: {  	_ =	shalt  }
0x5b: {  	_ =	shalt  }
0x5c: {  	_ =	shalt  }
0x5d: {  	_ =	shalt  }
0x5e: {  	_ =	shalt  }
0x5f: {  	_ =	shalt  }
0x60: {  	_ =	shalt  }
0x61: {  	_ =	shalt  }
0x62: {  	_ =	shalt  }
0x63: {  	_ =	shalt  }
0x64: {  	_ =	shalt  }
0x65: {  	_ =	shalt  }
0x66: {  	_ =	shalt  }
0x67: {  	_ =	shalt  }
0x68: {  	_ =	shalt  }
0x69: {  	_ =	shalt  }
0x6a: {  	_ =	shalt  }
0x6b: {  	_ =	shalt  }
0x6c: {  	_ =	shalt  }
0x6d: {  	_ =	shalt  }
0x6e: {  	_ =	shalt  }
0x6f: {  	_ =	shalt  }
0x70: {  	_ =	shalt  }
0x71: {  	_ =	shalt  }
0x72: {  	_ =	shalt  }
0x73: {  	_ =	shalt  }
0x74: {  	_ =	shalt  }
0x75: {  	_ =	shalt  }
0x76: {  	_ =	shalt  }
0x77: {  	_ =	shalt  }
0x78: {  	_ =	shalt  }
0x79: {  	_ =	shalt  }
0x7a: {  	_ =	shalt  }
0x7b: {  	_ =	shalt  }
0x7c: {  	_ =	shalt  }
0x7d: {  	_ =	shalt  }
0x7e: {  	_ =	shalt  }
0x7f: {  	_ =	shalt  }
0x80: {  	_ =	shalt  }
0x81: {  	_ =	shalt  }
0x82: {  	_ =	shalt  }
0x83: {  	_ =	shalt  }
0x84: {  	_ =	shalt  }
0x85: {  	_ =	shalt  }
0x86: {  	_ =	shalt  }
0x87: {  	_ =	shalt  }
.Lfunc_end0:
.L_simem_size_0:
called_computation.2_lowered:
.L_overlay_start_0:
0x88: {  	s2 =	sld [smem:$0x3FD9]  }
0x89: {  	s3 =	sld [smem:$0x3FFE];
	_ =	sdelay $0x1  }
0x8a: {  	s1 =	srdreg.scid  }
0x8b: {  	s0 =	sand.u32 $0x1, s1  }
0x8c: {  	s17 =	sshll.u32 s0, $0xA;
	s2 =	sadd.s32 s3, s2  }
0x8d: {  	s2 =	sadd.s32 s2, s17  }
0x8e: {  	[smem:$0x3FB8] =	sst s2  }
0x8f: {  	_ = 	snop  }
0x90: {  	s2 =	sld [smem:$0x3FD0];
	(tm) =	ssettm $0x1  }
0x91: {  	s18 =	sld [smem:$0x3FFB];
	_ =	sdelay $0x3  }
0x92: {  	_ =	strace s18  }
0x93: {  	s3 =	sld [smem:$0x3FFC];
	_ =	sdelay $0x3  }
0x94: {  	_ =	strace s3  }
0x95: {  	s3 =	sld [smem:$0x3FFD];
	_ =	sdelay $0x3  }
0x96: {  	_ =	strace s3  }
0x97: {  	_ =	strace $0x8FFFFFFF  }
0x98: {  	s19 =	sld [smem:$0x3FDB];
	_ =	sdelay $0x1  }
0x99: {  	s4 =	simm.s32 $_scs_section_size  }
0x9a: {  	s5 =	simm.s32 $_size__tile_overlayer_lowered;
	s6 =	simm.s32 $_tile_overlayer_lowered  }
0x9b: {  	s22 =	simm.s32 $0x1BFF;
	s21 =	sshll.u32 s6, $0x1;
	s3 =	sadd.s32 s4, s19  }
0x9c: {  	s7 =	simm.s32 $0x0;
	s20 =	sshll.u32 s5, $0x1;
	s5 =	sadd.s32 s21, s3  }
0x9d: {  	[timem:s7], [sflag:s22] =	dma.local [hbm:s5], s20  }
0x9e: {  	_ =	swait.ge [sflag:s22], s20  }
0x9f: {  	s4 =	ssub.s32 $0x0, s20;
	[sflag:s22] =	ssyncset.done $0x0  }
0xa0: {  	[sflag:s22] =	ssyncadd.s32 s4;
	_ =	sdelay $0x1  }
0xa1: {  	s23 =	simm.s32 $0x1B8B  }
0xa2: {  	_ =	swait.ge [sflag:s23], $0x1  }
0xa3: {  	[sflag:s23] =	ssyncset.done $0x0  }
0xa4: {  	s25 =	simm.s32 $0x1B8E;
	s24 =	sld [smem:$0x3FFE];
	[sflag:s23] =	ssyncadd.s32 $0xFFFFFFFF  }
0xa5: {  	s26 =	simm.s32 $execute0_lowered;
	[smem:$0x3FD2] =	sst s25  }
0xa6: {  	s5 =	sshll.u32 s26, $0x1;
	_ =	strace $0x8000004C;
	[dreg:$0x1] =	wrdreg $0xFFFFFFFF  }
0xa7: {  	s28 =	simm.s32 $_size_execute0_lowered;
	s3 =	sadd.s32 s3, s5;
	[dreg:$0x0] =	wrdreg $0x0  }
0xa8: {  	s5 =	sshll.u32 s28, $0x1;
	[dreg:$0x2] =	wrdreg s3  }
0xa9: {  	[dreg:$0x3] =	wrdreg s5  }
0xaa: {  	[dreg:$0x4] =	wrdreg $0xC0  }
0xab: {  	_ =	task [dreg:s7], $0x5FFFF  }
0xac: {  	[dreg:$0x1] =	wrdreg $0xFFFFFFFF  }
0xad: {  	[dreg:$0x0] =	wrdreg $0x60  }
0xae: {  	[dreg:$0x2] =	wrdreg s24  }
0xaf: {  	[dreg:$0x3] =	wrdreg s2  }
0xb0: {  	[dreg:$0x4] =	wrdreg $0x120000  }
0xb1: {  	[dreg:$0x5] =	wrdreg $0x9  }
0xb2: {  	_ =	task.clear_ibuf [dreg:s7], $0x6FFFF;
	_ =	strace $0x9000004C  }
0xb3: {  	s29 =	simm.s32 $0x9;
	_ =	strace $0x8000004E  }
0xb4: {  	_ =	swait.ge [sflag:s29], $0x1  }
0xb5: {  	[sflag:s29] =	ssyncadd.s32 $0xFFFFFFFF  }
0xb6: {  	_ =	strace $0x9000004E  }
0xb7: {  	_ =	sfence  }
0xb8: {  	s30 =	sld [smem:$0x0];
	_ =	sdelay $0x2  }
0xb9: {  	s31 =	sshll.u32 s1, $0xD;
	s1 =	sshrl.u32 s1, $0x2  }
0xba: {  	s3 =	sand.u32 $0x4000, s31;
	s1 =	sadd.s32 s1, s30  }
0xbb: {  	s0 =	sor.u32 s3, s0;
	s1 =	sshll.u32 s1, $0x11  }
0xbc: {  	s0 =	sor.u32 s1, s0  }
0xbd: {  	s0 =	sadd.s32 $0x8F2B, s0  }
0xbe: {  	[sflag:s0] =	ssyncadd.remote.s32 $0x1  }
0xbf: {  	_ =	sfence.sel $0xFFFF  }
0xc0: {  	[dreg:$0x0] =	wrdreg $0xFFFFFFFF;
	(pc) =	sbr.abs _section_cstart, $3  }
0xc1: {  	[dreg:$0x1] =	wrdreg $0xFFFFFFFF  }
0xc2: {  	_ =	task.clear_ibuf [dreg:s7], $0x2FFFF;
	_ =	strace $0x9FFFFFFF  }
0xc3: {  	(tm) =	ssettm $0x7FFFFFFF  }
tec
execute0_lowered:
.L_overlay_start_1:
0x0: {  	(tag) =	ssettag $0x1  }
0x1: {  	s0 =	rddreg [dreg:$0x0]  }
0x2: {  	s1 =	srdreg.scid;
	s3 =	rddreg [dreg:$0x2]  }
0x3: {  	s10 =	stileid.u32;
	s4 =	simm.s32 $0x0;
	s14 =	simm.s32 $0x80  }
0x4: {  	s15 =	simm.s32 $0xA000;
	s16 =	simm.s32 $0xC000;
	s18 =	simm.s32 $0xE000  }
0x5: {  	s20 =	simm.s32 $0x10000;
	s21 =	simm.s32 $0x1;
	s22 =	simm.s32 $0x2  }
0x6: {  	s23 =	simm.s32 $0x3;
	s24 =	simm.s32 $0x4;
	s25 =	simm.s32 $0x5  }
0x7: {  	s28 =	simm.s32 $0x7;
	s29 =	simm.s32 $0x8;
	s7 =	smul.u32 $0xA000, s10  }
0x8: {  	s30 =	simm.s32 $0x9E00;
	s1 =	sand.u32 $0x1, s1;
	s6 =	smul.u32 $0xA00, s10  }
0x9: {  	s31 =	simm.s32 $0x9E80;
	[smem:$0x7FF] =	sst s4;
	s2 =	smul.u32 $0x13880, s1  }
0xa: {  	s26 =	sshll.u32 s10, $0x6;
	s10 =	simm.s32 $0x9;
	s5 =	smul.u32 $0xA0000, s1  }
0xb: {  	_ =	strace $0x8000004D;
	s1 =	ssub.s32 $0x2, s1;
	s12 =	sor.u32 $0x1C09, s26  }
0xc: {  	s26 =	simm.s32 $0x6;
	s6 =	sadd.s32 s6, s0;
	s8 =	sshrl.u32 s1, $0x1  }
0xd: {  	s11 =	sadd.s32 s7, s3;
	s2 =	sadd.s32 s2, s0;
	s5 =	sadd.s32 s7, s5  }
0xe: {  	s1 =	ssub.s32 s1, s8;
	s13 =	sshrl.u32 s11, $0x3;
	s5 =	sshrl.u32 s5, $0x3  }
0xf: {  	s7 =	sadd.s32 $0x6C200, s2;
	s9 =	smax.u32 s1, $0x1;
	s2 =	simm.s32 $0x9F80  }
0x10: {  	s1 =	simm.s32 $0x0;
	s0 =	sadd.s32 s5, s0;
	s5 =	sadd.s32 $0x12200, s6  }
0x11: {  	s6 =	sadd.s32 $0x8200, s6;
	s8 =	sadd.s32 $0x93400, s0;
	s0 =	simm.s32 $0x9F00  }
.LBB2_1:
0x12: {  	[tilespmem:s4], [sflag:$0x9] =	stream.linear.gather [hbm4b:s5+s4], $0x5000, $0x38;
	[tilespmem:$0x1C000] =	vst v63  }
0x13: {  	_ =	swait.ge [sflag:s10], $0x5000  }
0x14: {  	[sflag:s10] =	ssyncset.done $0x0  }
0x15: {  	s11 =	simm.s32 $0x5000;
	[sflag:s10] =	ssyncadd.s32 $0xFFFFB000  }
0x16: {  	[tilespmem:s11], [sflag:$0x9] =	stream.linear.gather [hbm4b:s6+s4], $0x5000, $0x38;
	[tilespmem:$0x1C000] =	vst v63  }
0x17: {  	_ =	swait.ge [sflag:s10], $0x5000  }
0x18: {  	[sflag:s10] =	ssyncset.done $0x0  }
0x19: {  	[sflag:s10] =	ssyncadd.s32 $0xFFFFB000  }
0x1a: {  	s17 =	rddreg [dreg:$0x1]  }
0x1b: {  	[spmem:s13], [sflag:s12] =	dma.local [hbm:s17], $0x1400  }
0x1c: {  	_ =	swait.ge [sflag:s10], $0x1400  }
0x1d: {  	[sflag:s10] =	ssyncset.done $0x0  }
0x1e: {  	[sflag:s10] =	ssyncadd.s32 $0xFFFFEC00  }
0x1f: {  	[bflag:$0x0] =	sbarrier.arrive $0xFFFF  }
0x20: {  	[tilespmem:s15], [sflag:$0x1] =	stream.indirect.gather [hbm4b:s7+s14], $0x40, s4, s14, $0xb8;
	[tilespmem:$0x1C000] =	vst v63  }
0x21: {  	_ = 	snop  }
0x22: {  	[tilespmem:s16], [sflag:$0x2] =	stream.indirect.gather [hbm4b:s7+s14], $0x40, s14, s14, $0xb8;
	[tilespmem:$0x1C000] =	vst v63  }
0x23: {  	s19 =	simm.s32 $0x100  }
0x24: {  	[tilespmem:s18], [sflag:$0x3] =	stream.indirect.gather [hbm4b:s7+s14], $0x40, s19, s14, $0xb8;
	[tilespmem:$0x1C000] =	vst v63  }
0x25: {  	s17 =	simm.s32 $0x180  }
0x26: {  	[tilespmem:s20], [sflag:$0x4] =	stream.indirect.gather [hbm4b:s7+s14], $0x40, s17, s14, $0xb8;
	[tilespmem:$0x1C000] =	vst v63  }
0x27: {  	_ =	swait.ge [sflag:s21], $0x2000  }
0x28: {  	[sflag:s21] =	ssyncset.done $0x0  }
0x29: {  	s19 =	simm.s32 $0x5000;
	[sflag:s21] =	ssyncadd.s32 $0xFFFFE000  }
0x2a: {  	[spmem:s3] =	stream.indirect.scatter.add.f32 [tilespmem:s15], [sflag:$0x5], $0x40, s19, s14, $0xb8;
	[tilespmem:$0x1C000] =	vst v63  }
0x2b: {  	_ =	swait.ge [sflag:s22], $0x2000  }
0x2c: {  	[sflag:s22] =	ssyncset.done $0x0  }
0x2d: {  	s17 =	simm.s32 $0x5080;
	[sflag:s22] =	ssyncadd.s32 $0xFFFFE000  }
0x2e: {  	[spmem:s3] =	stream.indirect.scatter.add.f32 [tilespmem:s16], [sflag:$0x6], $0x40, s17, s14, $0xb8;
	[tilespmem:$0x1C000] =	vst v63  }
0x2f: {  	_ =	swait.ge [sflag:s23], $0x2000  }
0x30: {  	[sflag:s23] =	ssyncset.done $0x0  }
0x31: {  	s19 =	simm.s32 $0x5100;
	[sflag:s23] =	ssyncadd.s32 $0xFFFFE000  }
0x32: {  	[spmem:s3] =	stream.indirect.scatter.add.f32 [tilespmem:s18], [sflag:$0x7], $0x40, s19, s14, $0xb8;
	[tilespmem:$0x1C000] =	vst v63  }
0x33: {  	_ =	swait.ge [sflag:s24], $0x2000  }
0x34: {  	[sflag:s24] =	ssyncset.done $0x0  }
0x35: {  	s17 =	simm.s32 $0x5180;
	[sflag:s24] =	ssyncadd.s32 $0xFFFFE000  }
0x36: {  	[spmem:s3] =	stream.indirect.scatter.add.f32 [tilespmem:s20], [sflag:$0x8], $0x40, s17, s14, $0xb8;
	[tilespmem:$0x1C000] =	vst v63  }
0x37: {  	_ =	swait.ge [sflag:s25], $0x2000  }
0x38: {  	[sflag:s25] =	ssyncset.done $0x0  }
0x39: {  	s19 =	simm.s32 $0x200;
	[sflag:s25] =	ssyncadd.s32 $0xFFFFE000  }
0x3a: {  	[tilespmem:s15], [sflag:$0x1] =	stream.indirect.gather [hbm4b:s7+s14], $0x40, s19, s14, $0xb8;
	[tilespmem:$0x1C000] =	vst v63  }
0x3b: {  	_ =	swait.ge [sflag:s26], $0x2000  }
0x3c: {  	[sflag:s26] =	ssyncset.done $0x0  }
0x3d: {  	s17 =	simm.s32 $0x280;
	[sflag:s26] =	ssyncadd.s32 $0xFFFFE000  }
0x3e: {  	[tilespmem:s16], [sflag:$0x2] =	stream.indirect.gather [hbm4b:s7+s14], $0x40, s17, s14, $0xb8;
	[tilespmem:$0x1C000] =	vst v63  }
0x3f: {  	_ =	swait.ge [sflag:s28], $0x2000  }
0x40: {  	[sflag:s28] =	ssyncset.done $0x0  }
0x41: {  	s19 =	simm.s32 $0x300;
	[sflag:s28] =	ssyncadd.s32 $0xFFFFE000  }
0x42: {  	[tilespmem:s18], [sflag:$0x3] =	stream.indirect.gather [hbm4b:s7+s14], $0x40, s19, s14, $0xb8;
	[tilespmem:$0x1C000] =	vst v63  }
0x43: {  	_ =	swait.ge [sflag:s29], $0x2000  }
0x44: {  	[sflag:s29] =	ssyncset.done $0x0  }
0x45: {  	s11 =	simm.s32 $0x800;
	s17 =	simm.s32 $0x380;
	[sflag:s29] =	ssyncadd.s32 $0xFFFFE000  }
.LBB2_2:
0x46: {  	[tilespmem:s20], [sflag:$0x4] =	stream.indirect.gather [hbm4b:s7+s14], $0x40, s17, s14, $0xb8;
	[tilespmem:$0x1C000] =	vst v63  }
0x47: {  	s17 =	smov.u32 s11  }
0x48: {  	p0 =	sne.s32 s11, $0x13000;
	s11 =	sadd.s32 $0x800, s11;
	_ =	swait.ge [sflag:s21], $0x2000  }
0x49: {  	s17 =	sshra.s32 s17, $0x2;
	[sflag:s21] =	ssyncset.done $0x0  }
0x4a: {  	s19 =	sadd.s32 $0x5000, s17;
	[sflag:s21] =	ssyncadd.s32 $0xFFFFE000  }
0x4b: {  	[spmem:s3] =	stream.indirect.scatter.add.f32 [tilespmem:s15], [sflag:$0x5], $0x40, s19, s14, $0xb8;
	[tilespmem:$0x1C000] =	vst v63  }
0x4c: {  	_ =	swait.ge [sflag:s22], $0x2000  }
0x4d: {  	[sflag:s22] =	ssyncset.done $0x0  }
0x4e: {  	s19 =	sadd.s32 $0x5080, s17;
	[sflag:s22] =	ssyncadd.s32 $0xFFFFE000  }
0x4f: {  	[spmem:s3] =	stream.indirect.scatter.add.f32 [tilespmem:s16], [sflag:$0x6], $0x40, s19, s14, $0xb8;
	[tilespmem:$0x1C000] =	vst v63  }
0x50: {  	_ =	swait.ge [sflag:s23], $0x2000  }
0x51: {  	[sflag:s23] =	ssyncset.done $0x0  }
0x52: {  	s19 =	sadd.s32 $0x5100, s17;
	[sflag:s23] =	ssyncadd.s32 $0xFFFFE000  }
0x53: {  	[spmem:s3] =	stream.indirect.scatter.add.f32 [tilespmem:s18], [sflag:$0x7], $0x40, s19, s14, $0xb8;
	[tilespmem:$0x1C000] =	vst v63  }
0x54: {  	_ =	swait.ge [sflag:s24], $0x2000  }
0x55: {  	[sflag:s24] =	ssyncset.done $0x0  }
0x56: {  	s19 =	sadd.s32 $0x5180, s17;
	[sflag:s24] =	ssyncadd.s32 $0xFFFFE000  }
0x57: {  	[spmem:s3] =	stream.indirect.scatter.add.f32 [tilespmem:s20], [sflag:$0x8], $0x40, s19, s14, $0xb8;
	[tilespmem:$0x1C000] =	vst v63  }
0x58: {  	_ =	swait.ge [sflag:s25], $0x2000  }
0x59: {  	[sflag:s25] =	ssyncset.done $0x0  }
0x5a: {  	s19 =	sadd.s32 $0x200, s17;
	[sflag:s25] =	ssyncadd.s32 $0xFFFFE000  }
0x5b: {  	[tilespmem:s15], [sflag:$0x1] =	stream.indirect.gather [hbm4b:s7+s14], $0x40, s19, s14, $0xb8;
	[tilespmem:$0x1C000] =	vst v63  }
0x5c: {  	_ =	swait.ge [sflag:s26], $0x2000  }
0x5d: {  	[sflag:s26] =	ssyncset.done $0x0  }
0x5e: {  	s19 =	sadd.s32 $0x280, s17;
	[sflag:s26] =	ssyncadd.s32 $0xFFFFE000  }
0x5f: {  	[tilespmem:s16], [sflag:$0x2] =	stream.indirect.gather [hbm4b:s7+s14], $0x40, s19, s14, $0xb8;
	[tilespmem:$0x1C000] =	vst v63  }
0x60: {  	_ =	swait.ge [sflag:s28], $0x2000  }
0x61: {  	[sflag:s28] =	ssyncset.done $0x0  }
.Ltmp0:
0x62: {  	s19 =	sadd.s32 $0x300, s17;
	[sflag:s28] =	ssyncadd.s32 $0xFFFFE000;
	(pc) =	sbr.rel @p0 .LBB2_2-.Ltmp0, $4  }
0x63: {  	[tilespmem:s18], [sflag:$0x3] =	stream.indirect.gather [hbm4b:s7+s14], $0x40, s19, s14, $0xb8;
	[tilespmem:$0x1C000] =	vst v63  }
0x64: {  	_ =	swait.ge [sflag:s29], $0x2000  }
0x65: {  	[sflag:s29] =	ssyncset.done $0x0  }
0x66: {  	s17 =	sadd.s32 $0x380, s17;
	[sflag:s29] =	ssyncadd.s32 $0xFFFFE000  }
0x67: {  	[tilespmem:s20], [sflag:$0x4] =	stream.indirect.gather [hbm4b:s7+s14], $0x40, s17, s14, $0xb8;
	[tilespmem:$0x1C000] =	vst v63  }
0x68: {  	_ =	swait.ge [sflag:s21], $0x2000  }
0x69: {  	[sflag:s21] =	ssyncset.done $0x0  }
0x6a: {  	[sflag:s21] =	ssyncadd.s32 $0xFFFFE000  }
0x6b: {  	[spmem:s3] =	stream.indirect.scatter.add.f32 [tilespmem:s15], [sflag:$0x5], $0x40, s30, s14, $0xb8;
	[tilespmem:$0x1C000] =	vst v63  }
0x6c: {  	_ =	swait.ge [sflag:s22], $0x2000  }
0x6d: {  	[sflag:s22] =	ssyncset.done $0x0  }
0x6e: {  	[sflag:s22] =	ssyncadd.s32 $0xFFFFE000  }
0x6f: {  	[spmem:s3] =	stream.indirect.scatter.add.f32 [tilespmem:s16], [sflag:$0x6], $0x40, s31, s14, $0xb8;
	[tilespmem:$0x1C000] =	vst v63  }
0x70: {  	_ =	swait.ge [sflag:s23], $0x2000  }
0x71: {  	[sflag:s23] =	ssyncset.done $0x0  }
0x72: {  	[sflag:s23] =	ssyncadd.s32 $0xFFFFE000  }
0x73: {  	[spmem:s3] =	stream.indirect.scatter.add.f32 [tilespmem:s18], [sflag:$0x7], $0x40, s0, s14, $0xb8;
	[tilespmem:$0x1C000] =	vst v63  }
0x74: {  	_ =	swait.ge [sflag:s24], $0x2000  }
0x75: {  	[sflag:s24] =	ssyncset.done $0x0  }
0x76: {  	[sflag:s24] =	ssyncadd.s32 $0xFFFFE000  }
0x77: {  	[spmem:s3] =	stream.indirect.scatter.add.f32 [tilespmem:s20], [sflag:$0x8], $0x40, s2, s14, $0xb8;
	[tilespmem:$0x1C000] =	vst v63  }
0x78: {  	_ =	swait.ge [sflag:s25], $0x2000  }
0x79: {  	[sflag:s25] =	ssyncset.done $0x0  }
0x7a: {  	[sflag:s25] =	ssyncadd.s32 $0xFFFFE000  }
0x7b: {  	_ =	swait.ge [sflag:s26], $0x2000  }
0x7c: {  	[sflag:s26] =	ssyncset.done $0x0  }
0x7d: {  	[sflag:s26] =	ssyncadd.s32 $0xFFFFE000  }
0x7e: {  	_ =	swait.ge [sflag:s28], $0x2000  }
0x7f: {  	[sflag:s28] =	ssyncset.done $0x0  }
0x80: {  	[sflag:s28] =	ssyncadd.s32 $0xFFFFE000  }
0x81: {  	_ =	swait.ge [sflag:s29], $0x2000  }
0x82: {  	s1 =	sadd.s32 $0x1, s1;
	[sflag:s29] =	ssyncset.done $0x0  }
0x83: {  	p0 =	sne.s32 s1, s9;
	[sflag:s29] =	ssyncadd.s32 $0xFFFFE000  }
.Ltmp1:
0x84: {  	[bflag:$0x0] =	sbarrier.arrive $0xFFFF;
	(pc) =	sbr.rel @p0 .LBB2_1-.Ltmp1, $4  }
0x85: {  	[hbm:s8], [sflag:s12] =	dma.local [spmem:s13], $0x1400  }
0x86: {  	_ =	swait.ge [sflag:s10], $0x1400  }
0x87: {  	[sflag:s10] =	ssyncset.done $0x0  }
0x88: {  	[sflag:s10] =	ssyncadd.s32 $0xFFFFEC00  }
0x89: {  	_ =	sfence.sel $0x180000  }
0x8a: {  	[bflag:$0x0] =	sbarrier.arrive $0xFFFF  }
0x8b: {  	_ =	strace $0x9000004D  }
0x8c: {  	s0 =	stileid.u32;
	[bflag:$0x2] =	sbarrier.arrive $0xFFFF  }
0x8d: {  	p0 =	sne.s32 s0, $0x0;
	s0 =	rddreg [dreg:$0x3]  }
0x8e: {  	s0 =	sadd.s32 @!p0 $0x100000, s0  }
0x8f: {  	[sflag:s0] =	ssyncadd.tile.s32 @!p0 $0x1;
	_ =	shalt  }
.Lfunc_end2:
_tile_overlayer_lowered:
.L_overlay_start_2:
0x90: {  	(tag) =	ssettag $0x2  }
0x91: {  	s0 =	rddreg [dreg:$0x0];
	s2 =	stileid.u32  }
0x92: {  	s1 =	rddreg [dreg:$0x1];
	p0 =	sne.s32 s2, $0x0  }
0x93: {  	s3 =	rddreg [dreg:$0x2];
	[bflag:$0x3] =	sbarrier.arrive $0xFFFF;
	s2 =	simm.s32 @!p0 $0x1C09  }
0x94: {  	[timem:s3], [sflag:s2] =	dma.local @!p0 [hbm:s0], s1  }
0x95: {  	s0 =	simm.s32 @!p0 $0x9  }
0x96: {  	_ =	swait.ge @!p0 [sflag:s0], s1  }
0x97: {  	s1 =	ssub.s32 @!p0 $0x0, s1;
	[sflag:s0] =	ssyncset.done @!p0 $0x0  }
0x98: {  	[sflag:s0] =	ssyncadd.s32 @!p0 s1  }
0x99: {  	[bflag:$0x3] =	sbarrier.arrive $0xFFFF  }
0x9a: {  	_ =	shalt  }

// kernel: kernel.19.cloned.1.call-start
scs
__scs_entry_jumppad:
0x0: {  	(pc) =	sbr.rel $0x88, $3  }
0x1: {  	(tag) =	ssettag $0x0;
	lr =	simm.s32 $0x1  }
0x2: {  	[smem:$0x3F91] =	sst lr;
	_ =	strace $0xD0000000  }
0x3: {  	_ = 	snop  }
0x4: {  	_ = 	snop  }
0x5: {  	_ = 	snop  }
0x6: {  	_ = 	snop  }
0x7: {  	_ = 	snop  }
__scs_overlays_trampoline_lowered:
0x8: {  	[smem:$0x3FA0] =	sst s0  }
0x9: {  	[smem:$0x3FA1] =	sst s1  }
0xa: {  	[smem:$0x3FA2] =	sst s2  }
0xb: {  	[smem:$0x3FA3] =	sst s3  }
0xc: {  	[smem:$0x3FA4] =	sst s4  }
0xd: {  	[smem:$0x3FA5] =	sst s5  }
0xe: {  	[smem:$0x3FA6] =	sst s6  }
0xf: {  	[smem:$0x3FA7] =	sst s7  }
0x10: {  	[smem:$0x3FA8] =	sst s8  }
0x11: {  	[smem:$0x3FA9] =	sst s9;
	s0 =	simm.s32 @!p0 $0x0  }
0x12: {  	s1 =	sld [smem:$0x3F8F];
	s0 =	simm.s32 @p0 $0x1  }
0x13: {  	[smem:$0x3FAA] =	sst s0;
	s0 =	simm.s32 @!p1 $0x0  }
0x14: {  	s2 =	sld [smem:$0x3F8E];
	s0 =	simm.s32 @p1 $0x1  }
0x15: {  	[smem:$0x3FAB] =	sst s0;
	s0 =	simm.s32 @!p2 $0x0  }
0x16: {  	s3 =	sld [smem:$0x3FDB];
	s0 =	simm.s32 @p2 $0x1  }
0x17: {  	s4 =	simm.s32 $0x1BF5;
	[smem:$0x3FAD] =	sst s0  }
0x18: {  	s0 =	sld [smem:$0x3F90];
	_ =	swait.ge [sflag:s4], $0x0  }
0x19: {  	s7 =	sld [smem:$0x3F91]  }
0x1a: {  	s8 =	sadd.s32 $0xFFFFE003, lr  }
0x1b: {  	s9 =	sadd.s32 $0xFFFFFEF7, lr;
	s5 =	simm.s32 $0xFFFFFFFF;
	p2 =	slt.u32 s8, $0xFFFFF086  }
0x1c: {  	p1 =	slt.u32 s9, $0xF7A;
	s5 =	simm.s32 @!p2 $0x0  }
0x1d: {  	s5 =	simm.s32 @p1 $0x1;
	p0 =	seq.s32 s7, s2  }
0x1e: {  	s7 =	smul.u32 @!p0 $0xF7A, s2;
	p2 =	seq.s32 @!p0 s5, $0x0  }
0x1f: {  	s9 =	smul.u32 $0xF7A, s1;
	s8 =	simm.s32 @!p0 $0x1BF5;
	p2 =	por !p2, p0  }
0x20: {  	[sflag:s8] =	ssyncset.s32 @!p0 $0xFFFFF086;
	s6 =	sadd.s32 @!p0 s3, s7;
	s7 =	simm.s32 @!p0 $0x108  }
0x21: {  	s3 =	sadd.s32 s3, s9;
	s6 =	sadd.s32 @!p0 $0x88, s6;
	s7 =	simm.s32 @p2 $0x1082  }
0x22: {  	[simem:s7], [sflag:s8] =	dma.local @!p0 [hbm:s6], $0xF7A  }
0x23: {  	s9 =	sor.u32 $0xD0000000, s2;
	s6 =	simm.s32 $0x108;
	_ =	swait.ge @!p0 [sflag:s8], $0x0  }
0x24: {  	s3 =	sadd.s32 $0x88, s3;
	s6 =	simm.s32 @!p1 $0x1082;
	[sflag:s4] =	ssyncset.s32 $0xFFFFF086  }
0x25: {  	[simem:s6], [sflag:s4] =	dma.local [hbm:s3], $0xF7A  }
0x26: {  	[smem:$0x3F91] =	sst s1;
	(tag) =	ssettag s2;
	_ =	strace s9  }
0x27: {  	s1 =	sld [smem:$0x3FA1]  }
0x28: {  	s2 =	sld [smem:$0x3FA2]  }
0x29: {  	s4 =	sld [smem:$0x3FA4]  }
0x2a: {  	p0 =	seq.s32 s5, $0x0;
	s5 =	sld [smem:$0x3FA5]  }
0x2b: {  	s6 =	sld [smem:$0x3FA6]  }
0x2c: {  	s7 =	sld [smem:$0x3FA7]  }
0x2d: {  	s3 =	simm.s32 $0x108;
	s8 =	sld [smem:$0x3FA8]  }
0x2e: {  	s3 =	simm.s32 @!p0 $0x1082;
	s9 =	sld [smem:$0x3FA9]  }
0x2f: {  	lr =	sadd.s32 s0, s3;
	s0 =	sld [smem:$0x3FA0]  }
0x30: {  	s3 =	sld [smem:$0x3FA3]  }
0x31: {  	[smem:$0x3FAC] =	sst s10  }
0x32: {  	s10 =	sld [smem:$0x3FAA];
	_ =	sdelay $0x3  }
0x33: {  	p0 =	seq.s32 s10, $0x1;
	s10 =	sld [smem:$0x3FAC];
	_ =	sdelay $0x3  }
0x34: {  	[smem:$0x3FAC] =	sst s10  }
0x35: {  	s10 =	sld [smem:$0x3FAB];
	_ =	sdelay $0x3  }
0x36: {  	p1 =	seq.s32 s10, $0x1;
	s10 =	sld [smem:$0x3FAC];
	_ =	sdelay $0x3  }
0x37: {  	[smem:$0x3FAC] =	sst s10  }
0x38: {  	s10 =	sld [smem:$0x3FAD]  }
0x39: {  	_ = 	snop;
	(pc) =	sbr.ind lr, $3  }
0x3a: {  	_ = 	snop  }
0x3b: {  	_ = 	snop  }
0x3c: {  	p2 =	seq.s32 s10, $0x1;
	s10 =	sld [smem:$0x3FAC]  }
0x3d: {  	_ =	shalt  }
0x3e: {  	_ =	shalt  }
0x3f: {  	_ =	shalt  }
0x40: {  	_ =	shalt  }
0x41: {  	_ =	shalt  }
0x42: {  	_ =	shalt  }
0x43: {  	_ =	shalt  }
0x44: {  	_ =	shalt  }
0x45: {  	_ =	shalt  }
0x46: {  	_ =	shalt  }
0x47: {  	_ =	shalt  }
0x48: {  	_ =	shalt  }
0x49: {  	_ =	shalt  }
0x4a: {  	_ =	shalt  }
0x4b: {  	_ =	shalt  }
0x4c: {  	_ =	shalt  }
0x4d: {  	_ =	shalt  }
0x4e: {  	_ =	shalt  }
0x4f: {  	_ =	shalt  }
0x50: {  	_ =	shalt  }
0x51: {  	_ =	shalt  }
0x52: {  	_ =	shalt  }
0x53: {  	_ =	shalt  }
0x54: {  	_ =	shalt  }
0x55: {  	_ =	shalt  }
0x56: {  	_ =	shalt  }
0x57: {  	_ =	shalt  }
0x58: {  	_ =	shalt  }
0x59: {  	_ =	shalt  }
0x5a: {  	_ =	shalt  }
0x5b: {  	_ =	shalt  }
0x5c: {  	_ =	shalt  }
0x5d: {  	_ =	shalt  }
0x5e: {  	_ =	shalt  }
0x5f: {  	_ =	shalt  }
0x60: {  	_ =	shalt  }
0x61: {  	_ =	shalt  }
0x62: {  	_ =	shalt  }
0x63: {  	_ =	shalt  }
0x64: {  	_ =	shalt  }
0x65: {  	_ =	shalt  }
0x66: {  	_ =	shalt  }
0x67: {  	_ =	shalt  }
0x68: {  	_ =	shalt  }
0x69: {  	_ =	shalt  }
0x6a: {  	_ =	shalt  }
0x6b: {  	_ =	shalt  }
0x6c: {  	_ =	shalt  }
0x6d: {  	_ =	shalt  }
0x6e: {  	_ =	shalt  }
0x6f: {  	_ =	shalt  }
0x70: {  	_ =	shalt  }
0x71: {  	_ =	shalt  }
0x72: {  	_ =	shalt  }
0x73: {  	_ =	shalt  }
0x74: {  	_ =	shalt  }
0x75: {  	_ =	shalt  }
0x76: {  	_ =	shalt  }
0x77: {  	_ =	shalt  }
0x78: {  	_ =	shalt  }
0x79: {  	_ =	shalt  }
0x7a: {  	_ =	shalt  }
0x7b: {  	_ =	shalt  }
0x7c: {  	_ =	shalt  }
0x7d: {  	_ =	shalt  }
0x7e: {  	_ =	shalt  }
0x7f: {  	_ =	shalt  }
0x80: {  	_ =	shalt  }
0x81: {  	_ =	shalt  }
0x82: {  	_ =	shalt  }
0x83: {  	_ =	shalt  }
0x84: {  	_ =	shalt  }
0x85: {  	_ =	shalt  }
0x86: {  	_ =	shalt  }
0x87: {  	_ =	shalt  }
.Lfunc_end0:
.L_simem_size_0:
called_computation.3_lowered:
.L_overlay_start_0:
0x88: {  	s2 =	sld [smem:$0x3FD9]  }
0x89: {  	s3 =	sld [smem:$0x3FFE];
	_ =	sdelay $0x1  }
0x8a: {  	s1 =	srdreg.scid  }
0x8b: {  	s0 =	sand.u32 $0x1, s1  }
0x8c: {  	s17 =	sshll.u32 s0, $0xA;
	s2 =	sadd.s32 s3, s2  }
0x8d: {  	s2 =	sadd.s32 s2, s17  }
0x8e: {  	[smem:$0x3FB8] =	sst s2  }
0x8f: {  	_ = 	snop  }
0x90: {  	s2 =	sld [smem:$0x3FD0];
	(tm) =	ssettm $0x1  }
0x91: {  	s18 =	sld [smem:$0x3FFB];
	_ =	sdelay $0x3  }
0x92: {  	_ =	strace s18  }
0x93: {  	s3 =	sld [smem:$0x3FFC];
	_ =	sdelay $0x3  }
0x94: {  	_ =	strace s3  }
0x95: {  	s3 =	sld [smem:$0x3FFD];
	_ =	sdelay $0x3  }
0x96: {  	_ =	strace s3  }
0x97: {  	_ =	strace $0x8FFFFFFF  }
0x98: {  	s19 =	sld [smem:$0x3FDB];
	_ =	sdelay $0x1  }
0x99: {  	s4 =	simm.s32 $_scs_section_size  }
0x9a: {  	s5 =	simm.s32 $_size__tile_overlayer_lowered;
	s6 =	simm.s32 $_tile_overlayer_lowered  }
0x9b: {  	s22 =	simm.s32 $0x1BFF;
	s21 =	sshll.u32 s6, $0x1;
	s3 =	sadd.s32 s4, s19  }
0x9c: {  	s7 =	simm.s32 $0x0;
	s20 =	sshll.u32 s5, $0x1;
	s5 =	sadd.s32 s21, s3  }
0x9d: {  	[timem:s7], [sflag:s22] =	dma.local [hbm:s5], s20  }
0x9e: {  	_ =	swait.ge [sflag:s22], s20  }
0x9f: {  	s4 =	ssub.s32 $0x0, s20;
	[sflag:s22] =	ssyncset.done $0x0  }
0xa0: {  	[sflag:s22] =	ssyncadd.s32 s4;
	_ =	sdelay $0x1  }
0xa1: {  	s23 =	simm.s32 $0x1B8B  }
0xa2: {  	_ =	swait.ge [sflag:s23], $0x1  }
0xa3: {  	[sflag:s23] =	ssyncset.done $0x0  }
0xa4: {  	s25 =	simm.s32 $0x1B8E;
	s24 =	sld [smem:$0x3FFE];
	[sflag:s23] =	ssyncadd.s32 $0xFFFFFFFF  }
0xa5: {  	s26 =	simm.s32 $execute0_lowered;
	[smem:$0x3FD2] =	sst s25  }
0xa6: {  	s5 =	sshll.u32 s26, $0x1;
	_ =	strace $0x8000004F;
	[dreg:$0x1] =	wrdreg $0xFFFFFFFF  }
0xa7: {  	s28 =	simm.s32 $_size_execute0_lowered;
	s3 =	sadd.s32 s3, s5;
	[dreg:$0x0] =	wrdreg $0x0  }
0xa8: {  	s5 =	sshll.u32 s28, $0x1;
	[dreg:$0x2] =	wrdreg s3  }
0xa9: {  	[dreg:$0x3] =	wrdreg s5  }
0xaa: {  	[dreg:$0x4] =	wrdreg $0xC0  }
0xab: {  	_ =	task [dreg:s7], $0x5FFFF  }
0xac: {  	[dreg:$0x1] =	wrdreg $0xFFFFFFFF  }
0xad: {  	[dreg:$0x0] =	wrdreg $0x60  }
0xae: {  	[dreg:$0x2] =	wrdreg s24  }
0xaf: {  	[dreg:$0x3] =	wrdreg s2  }
0xb0: {  	[dreg:$0x4] =	wrdreg $0x120000  }
0xb1: {  	[dreg:$0x5] =	wrdreg $0x9  }
0xb2: {  	_ =	task.clear_ibuf [dreg:s7], $0x6FFFF;
	_ =	strace $0x9000004F  }
0xb3: {  	s29 =	simm.s32 $0x9;
	_ =	strace $0x80000051  }
0xb4: {  	_ =	swait.ge [sflag:s29], $0x1  }
0xb5: {  	[sflag:s29] =	ssyncadd.s32 $0xFFFFFFFF  }
0xb6: {  	_ =	strace $0x90000051  }
0xb7: {  	_ =	sfence  }
0xb8: {  	s30 =	sld [smem:$0x0];
	_ =	sdelay $0x2  }
0xb9: {  	s31 =	sshll.u32 s1, $0xD;
	s1 =	sshrl.u32 s1, $0x2  }
0xba: {  	s3 =	sand.u32 $0x4000, s31;
	s1 =	sadd.s32 s1, s30  }
0xbb: {  	s0 =	sor.u32 s3, s0;
	s1 =	sshll.u32 s1, $0x11  }
0xbc: {  	s0 =	sor.u32 s1, s0  }
0xbd: {  	s0 =	sadd.s32 $0x8F2B, s0  }
0xbe: {  	[sflag:s0] =	ssyncadd.remote.s32 $0x1  }
0xbf: {  	_ =	sfence.sel $0xFFFF  }
0xc0: {  	[dreg:$0x0] =	wrdreg $0xFFFFFFFF;
	(pc) =	sbr.abs _section_cstart, $3  }
0xc1: {  	[dreg:$0x1] =	wrdreg $0xFFFFFFFF  }
0xc2: {  	_ =	task.clear_ibuf [dreg:s7], $0x2FFFF;
	_ =	strace $0x9FFFFFFF  }
0xc3: {  	(tm) =	ssettm $0x7FFFFFFF  }
tec
execute0_lowered:
.L_overlay_start_1:
0x0: {  	(tag) =	ssettag $0x1  }
0x1: {  	s0 =	rddreg [dreg:$0x0]  }
0x2: {  	s1 =	srdreg.scid;
	s3 =	rddreg [dreg:$0x2]  }
0x3: {  	s10 =	stileid.u32;
	s4 =	simm.s32 $0x0;
	s14 =	simm.s32 $0x80  }
0x4: {  	s15 =	simm.s32 $0xA000;
	s16 =	simm.s32 $0xC000;
	s18 =	simm.s32 $0xE000  }
0x5: {  	s20 =	simm.s32 $0x10000;
	s21 =	simm.s32 $0x1;
	s22 =	simm.s32 $0x2  }
0x6: {  	s23 =	simm.s32 $0x3;
	s24 =	simm.s32 $0x4;
	s25 =	simm.s32 $0x5  }
0x7: {  	s28 =	simm.s32 $0x7;
	s29 =	simm.s32 $0x8;
	s7 =	smul.u32 $0xA000, s10  }
0x8: {  	s30 =	simm.s32 $0x9E00;
	s1 =	sand.u32 $0x1, s1;
	s6 =	smul.u32 $0xA00, s10  }
0x9: {  	s31 =	simm.s32 $0x9E80;
	[smem:$0x7FF] =	sst s4;
	s2 =	smul.u32 $0x13880, s1  }
0xa: {  	s26 =	sshll.u32 s10, $0x6;
	s10 =	simm.s32 $0x9;
	s5 =	smul.u32 $0xA0000, s1  }
0xb: {  	_ =	strace $0x80000050;
	s1 =	ssub.s32 $0x2, s1;
	s12 =	sor.u32 $0x1C09, s26  }
0xc: {  	s26 =	simm.s32 $0x6;
	s6 =	sadd.s32 s6, s0;
	s8 =	sshrl.u32 s1, $0x1  }
0xd: {  	s11 =	sadd.s32 s7, s3;
	s2 =	sadd.s32 s2, s0;
	s5 =	sadd.s32 s7, s5  }
0xe: {  	s1 =	ssub.s32 s1, s8;
	s13 =	sshrl.u32 s11, $0x3;
	s5 =	sshrl.u32 s5, $0x3  }
0xf: {  	s7 =	sadd.s32 $0x6C200, s2;
	s9 =	smax.u32 s1, $0x1;
	s2 =	simm.s32 $0x9F80  }
0x10: {  	s1 =	simm.s32 $0x0;
	s0 =	sadd.s32 s5, s0;
	s5 =	sadd.s32 $0x12200, s6  }
0x11: {  	s6 =	sadd.s32 $0x8200, s6;
	s8 =	sadd.s32 $0x93400, s0;
	s0 =	simm.s32 $0x9F00  }
.LBB2_1:
0x12: {  	[tilespmem:s4], [sflag:$0x9] =	stream.linear.gather [hbm4b:s5+s4], $0x5000, $0x38;
	[tilespmem:$0x1C000] =	vst v63  }
0x13: {  	_ =	swait.ge [sflag:s10], $0x5000  }
0x14: {  	[sflag:s10] =	ssyncset.done $0x0  }
0x15: {  	s11 =	simm.s32 $0x5000;
	[sflag:s10] =	ssyncadd.s32 $0xFFFFB000  }
0x16: {  	[tilespmem:s11], [sflag:$0x9] =	stream.linear.gather [hbm4b:s6+s4], $0x5000, $0x38;
	[tilespmem:$0x1C000] =	vst v63  }
0x17: {  	_ =	swait.ge [sflag:s10], $0x5000  }
0x18: {  	[sflag:s10] =	ssyncset.done $0x0  }
0x19: {  	[sflag:s10] =	ssyncadd.s32 $0xFFFFB000  }
0x1a: {  	s17 =	rddreg [dreg:$0x1]  }
0x1b: {  	[spmem:s13], [sflag:s12] =	dma.local [hbm:s17], $0x1400  }
0x1c: {  	_ =	swait.ge [sflag:s10], $0x1400  }
0x1d: {  	[sflag:s10] =	ssyncset.done $0x0  }
0x1e: {  	[sflag:s10] =	ssyncadd.s32 $0xFFFFEC00  }
0x1f: {  	[bflag:$0x0] =	sbarrier.arrive $0xFFFF  }
0x20: {  	[tilespmem:s15], [sflag:$0x1] =	stream.indirect.gather [hbm4b:s7+s14], $0x40, s4, s14, $0xb8;
	[tilespmem:$0x1C000] =	vst v63  }
0x21: {  	_ = 	snop  }
0x22: {  	[tilespmem:s16], [sflag:$0x2] =	stream.indirect.gather [hbm4b:s7+s14], $0x40, s14, s14, $0xb8;
	[tilespmem:$0x1C000] =	vst v63  }
0x23: {  	s19 =	simm.s32 $0x100  }
0x24: {  	[tilespmem:s18], [sflag:$0x3] =	stream.indirect.gather [hbm4b:s7+s14], $0x40, s19, s14, $0xb8;
	[tilespmem:$0x1C000] =	vst v63  }
0x25: {  	s17 =	simm.s32 $0x180  }
0x26: {  	[tilespmem:s20], [sflag:$0x4] =	stream.indirect.gather [hbm4b:s7+s14], $0x40, s17, s14, $0xb8;
	[tilespmem:$0x1C000] =	vst v63  }
0x27: {  	_ =	swait.ge [sflag:s21], $0x2000  }
0x28: {  	[sflag:s21] =	ssyncset.done $0x0  }
0x29: {  	s19 =	simm.s32 $0x5000;
	[sflag:s21] =	ssyncadd.s32 $0xFFFFE000  }
0x2a: {  	[spmem:s3] =	stream.indirect.scatter.add.f32 [tilespmem:s15], [sflag:$0x5], $0x40, s19, s14, $0xb8;
	[tilespmem:$0x1C000] =	vst v63  }
0x2b: {  	_ =	swait.ge [sflag:s22], $0x2000  }
0x2c: {  	[sflag:s22] =	ssyncset.done $0x0  }
0x2d: {  	s17 =	simm.s32 $0x5080;
	[sflag:s22] =	ssyncadd.s32 $0xFFFFE000  }
0x2e: {  	[spmem:s3] =	stream.indirect.scatter.add.f32 [tilespmem:s16], [sflag:$0x6], $0x40, s17, s14, $0xb8;
	[tilespmem:$0x1C000] =	vst v63  }
0x2f: {  	_ =	swait.ge [sflag:s23], $0x2000  }
0x30: {  	[sflag:s23] =	ssyncset.done $0x0  }
0x31: {  	s19 =	simm.s32 $0x5100;
	[sflag:s23] =	ssyncadd.s32 $0xFFFFE000  }
0x32: {  	[spmem:s3] =	stream.indirect.scatter.add.f32 [tilespmem:s18], [sflag:$0x7], $0x40, s19, s14, $0xb8;
	[tilespmem:$0x1C000] =	vst v63  }
0x33: {  	_ =	swait.ge [sflag:s24], $0x2000  }
0x34: {  	[sflag:s24] =	ssyncset.done $0x0  }
0x35: {  	s17 =	simm.s32 $0x5180;
	[sflag:s24] =	ssyncadd.s32 $0xFFFFE000  }
0x36: {  	[spmem:s3] =	stream.indirect.scatter.add.f32 [tilespmem:s20], [sflag:$0x8], $0x40, s17, s14, $0xb8;
	[tilespmem:$0x1C000] =	vst v63  }
0x37: {  	_ =	swait.ge [sflag:s25], $0x2000  }
0x38: {  	[sflag:s25] =	ssyncset.done $0x0  }
0x39: {  	s19 =	simm.s32 $0x200;
	[sflag:s25] =	ssyncadd.s32 $0xFFFFE000  }
0x3a: {  	[tilespmem:s15], [sflag:$0x1] =	stream.indirect.gather [hbm4b:s7+s14], $0x40, s19, s14, $0xb8;
	[tilespmem:$0x1C000] =	vst v63  }
0x3b: {  	_ =	swait.ge [sflag:s26], $0x2000  }
0x3c: {  	[sflag:s26] =	ssyncset.done $0x0  }
0x3d: {  	s17 =	simm.s32 $0x280;
	[sflag:s26] =	ssyncadd.s32 $0xFFFFE000  }
0x3e: {  	[tilespmem:s16], [sflag:$0x2] =	stream.indirect.gather [hbm4b:s7+s14], $0x40, s17, s14, $0xb8;
	[tilespmem:$0x1C000] =	vst v63  }
0x3f: {  	_ =	swait.ge [sflag:s28], $0x2000  }
0x40: {  	[sflag:s28] =	ssyncset.done $0x0  }
0x41: {  	s19 =	simm.s32 $0x300;
	[sflag:s28] =	ssyncadd.s32 $0xFFFFE000  }
0x42: {  	[tilespmem:s18], [sflag:$0x3] =	stream.indirect.gather [hbm4b:s7+s14], $0x40, s19, s14, $0xb8;
	[tilespmem:$0x1C000] =	vst v63  }
0x43: {  	_ =	swait.ge [sflag:s29], $0x2000  }
0x44: {  	[sflag:s29] =	ssyncset.done $0x0  }
0x45: {  	s11 =	simm.s32 $0x800;
	s17 =	simm.s32 $0x380;
	[sflag:s29] =	ssyncadd.s32 $0xFFFFE000  }
.LBB2_2:
0x46: {  	[tilespmem:s20], [sflag:$0x4] =	stream.indirect.gather [hbm4b:s7+s14], $0x40, s17, s14, $0xb8;
	[tilespmem:$0x1C000] =	vst v63  }
0x47: {  	s17 =	smov.u32 s11  }
0x48: {  	p0 =	sne.s32 s11, $0x13000;
	s11 =	sadd.s32 $0x800, s11;
	_ =	swait.ge [sflag:s21], $0x2000  }
0x49: {  	s17 =	sshra.s32 s17, $0x2;
	[sflag:s21] =	ssyncset.done $0x0  }
0x4a: {  	s19 =	sadd.s32 $0x5000, s17;
	[sflag:s21] =	ssyncadd.s32 $0xFFFFE000  }
0x4b: {  	[spmem:s3] =	stream.indirect.scatter.add.f32 [tilespmem:s15], [sflag:$0x5], $0x40, s19, s14, $0xb8;
	[tilespmem:$0x1C000] =	vst v63  }
0x4c: {  	_ =	swait.ge [sflag:s22], $0x2000  }
0x4d: {  	[sflag:s22] =	ssyncset.done $0x0  }
0x4e: {  	s19 =	sadd.s32 $0x5080, s17;
	[sflag:s22] =	ssyncadd.s32 $0xFFFFE000  }
0x4f: {  	[spmem:s3] =	stream.indirect.scatter.add.f32 [tilespmem:s16], [sflag:$0x6], $0x40, s19, s14, $0xb8;
	[tilespmem:$0x1C000] =	vst v63  }
0x50: {  	_ =	swait.ge [sflag:s23], $0x2000  }
0x51: {  	[sflag:s23] =	ssyncset.done $0x0  }
0x52: {  	s19 =	sadd.s32 $0x5100, s17;
	[sflag:s23] =	ssyncadd.s32 $0xFFFFE000  }
0x53: {  	[spmem:s3] =	stream.indirect.scatter.add.f32 [tilespmem:s18], [sflag:$0x7], $0x40, s19, s14, $0xb8;
	[tilespmem:$0x1C000] =	vst v63  }
0x54: {  	_ =	swait.ge [sflag:s24], $0x2000  }
0x55: {  	[sflag:s24] =	ssyncset.done $0x0  }
0x56: {  	s19 =	sadd.s32 $0x5180, s17;
	[sflag:s24] =	ssyncadd.s32 $0xFFFFE000  }
0x57: {  	[spmem:s3] =	stream.indirect.scatter.add.f32 [tilespmem:s20], [sflag:$0x8], $0x40, s19, s14, $0xb8;
	[tilespmem:$0x1C000] =	vst v63  }
0x58: {  	_ =	swait.ge [sflag:s25], $0x2000  }
0x59: {  	[sflag:s25] =	ssyncset.done $0x0  }
0x5a: {  	s19 =	sadd.s32 $0x200, s17;
	[sflag:s25] =	ssyncadd.s32 $0xFFFFE000  }
0x5b: {  	[tilespmem:s15], [sflag:$0x1] =	stream.indirect.gather [hbm4b:s7+s14], $0x40, s19, s14, $0xb8;
	[tilespmem:$0x1C000] =	vst v63  }
0x5c: {  	_ =	swait.ge [sflag:s26], $0x2000  }
0x5d: {  	[sflag:s26] =	ssyncset.done $0x0  }
0x5e: {  	s19 =	sadd.s32 $0x280, s17;
	[sflag:s26] =	ssyncadd.s32 $0xFFFFE000  }
0x5f: {  	[tilespmem:s16], [sflag:$0x2] =	stream.indirect.gather [hbm4b:s7+s14], $0x40, s19, s14, $0xb8;
	[tilespmem:$0x1C000] =	vst v63  }
0x60: {  	_ =	swait.ge [sflag:s28], $0x2000  }
0x61: {  	[sflag:s28] =	ssyncset.done $0x0  }
.Ltmp0:
0x62: {  	s19 =	sadd.s32 $0x300, s17;
	[sflag:s28] =	ssyncadd.s32 $0xFFFFE000;
	(pc) =	sbr.rel @p0 .LBB2_2-.Ltmp0, $4  }
0x63: {  	[tilespmem:s18], [sflag:$0x3] =	stream.indirect.gather [hbm4b:s7+s14], $0x40, s19, s14, $0xb8;
	[tilespmem:$0x1C000] =	vst v63  }
0x64: {  	_ =	swait.ge [sflag:s29], $0x2000  }
0x65: {  	[sflag:s29] =	ssyncset.done $0x0  }
0x66: {  	s17 =	sadd.s32 $0x380, s17;
	[sflag:s29] =	ssyncadd.s32 $0xFFFFE000  }
0x67: {  	[tilespmem:s20], [sflag:$0x4] =	stream.indirect.gather [hbm4b:s7+s14], $0x40, s17, s14, $0xb8;
	[tilespmem:$0x1C000] =	vst v63  }
0x68: {  	_ =	swait.ge [sflag:s21], $0x2000  }
0x69: {  	[sflag:s21] =	ssyncset.done $0x0  }
0x6a: {  	[sflag:s21] =	ssyncadd.s32 $0xFFFFE000  }
0x6b: {  	[spmem:s3] =	stream.indirect.scatter.add.f32 [tilespmem:s15], [sflag:$0x5], $0x40, s30, s14, $0xb8;
	[tilespmem:$0x1C000] =	vst v63  }
0x6c: {  	_ =	swait.ge [sflag:s22], $0x2000  }
0x6d: {  	[sflag:s22] =	ssyncset.done $0x0  }
0x6e: {  	[sflag:s22] =	ssyncadd.s32 $0xFFFFE000  }
0x6f: {  	[spmem:s3] =	stream.indirect.scatter.add.f32 [tilespmem:s16], [sflag:$0x6], $0x40, s31, s14, $0xb8;
	[tilespmem:$0x1C000] =	vst v63  }
0x70: {  	_ =	swait.ge [sflag:s23], $0x2000  }
0x71: {  	[sflag:s23] =	ssyncset.done $0x0  }
0x72: {  	[sflag:s23] =	ssyncadd.s32 $0xFFFFE000  }
0x73: {  	[spmem:s3] =	stream.indirect.scatter.add.f32 [tilespmem:s18], [sflag:$0x7], $0x40, s0, s14, $0xb8;
	[tilespmem:$0x1C000] =	vst v63  }
0x74: {  	_ =	swait.ge [sflag:s24], $0x2000  }
0x75: {  	[sflag:s24] =	ssyncset.done $0x0  }
0x76: {  	[sflag:s24] =	ssyncadd.s32 $0xFFFFE000  }
0x77: {  	[spmem:s3] =	stream.indirect.scatter.add.f32 [tilespmem:s20], [sflag:$0x8], $0x40, s2, s14, $0xb8;
	[tilespmem:$0x1C000] =	vst v63  }
0x78: {  	_ =	swait.ge [sflag:s25], $0x2000  }
0x79: {  	[sflag:s25] =	ssyncset.done $0x0  }
0x7a: {  	[sflag:s25] =	ssyncadd.s32 $0xFFFFE000  }
0x7b: {  	_ =	swait.ge [sflag:s26], $0x2000  }
0x7c: {  	[sflag:s26] =	ssyncset.done $0x0  }
0x7d: {  	[sflag:s26] =	ssyncadd.s32 $0xFFFFE000  }
0x7e: {  	_ =	swait.ge [sflag:s28], $0x2000  }
0x7f: {  	[sflag:s28] =	ssyncset.done $0x0  }
0x80: {  	[sflag:s28] =	ssyncadd.s32 $0xFFFFE000  }
0x81: {  	_ =	swait.ge [sflag:s29], $0x2000  }
0x82: {  	s1 =	sadd.s32 $0x1, s1;
	[sflag:s29] =	ssyncset.done $0x0  }
0x83: {  	p0 =	sne.s32 s1, s9;
	[sflag:s29] =	ssyncadd.s32 $0xFFFFE000  }
.Ltmp1:
0x84: {  	[bflag:$0x0] =	sbarrier.arrive $0xFFFF;
	(pc) =	sbr.rel @p0 .LBB2_1-.Ltmp1, $4  }
0x85: {  	[hbm:s8], [sflag:s12] =	dma.local [spmem:s13], $0x1400  }
0x86: {  	_ =	swait.ge [sflag:s10], $0x1400  }
0x87: {  	[sflag:s10] =	ssyncset.done $0x0  }
0x88: {  	[sflag:s10] =	ssyncadd.s32 $0xFFFFEC00  }
0x89: {  	_ =	sfence.sel $0x180000  }
0x8a: {  	[bflag:$0x0] =	sbarrier.arrive $0xFFFF  }
0x8b: {  	_ =	strace $0x90000050  }
0x8c: {  	s0 =	stileid.u32;
	[bflag:$0x2] =	sbarrier.arrive $0xFFFF  }
0x8d: {  	p0 =	sne.s32 s0, $0x0;
	s0 =	rddreg [dreg:$0x3]  }
0x8e: {  	s0 =	sadd.s32 @!p0 $0x100000, s0  }
0x8f: {  	[sflag:s0] =	ssyncadd.tile.s32 @!p0 $0x1;
	_ =	shalt  }
.Lfunc_end2:
_tile_overlayer_lowered:
.L_overlay_start_2:
0x90: {  	(tag) =	ssettag $0x2  }
0x91: {  	s0 =	rddreg [dreg:$0x0];
	s2 =	stileid.u32  }
0x92: {  	s1 =	rddreg [dreg:$0x1];
	p0 =	sne.s32 s2, $0x0  }
0x93: {  	s3 =	rddreg [dreg:$0x2];
	[bflag:$0x3] =	sbarrier.arrive $0xFFFF;
	s2 =	simm.s32 @!p0 $0x1C09  }
0x94: {  	[timem:s3], [sflag:s2] =	dma.local @!p0 [hbm:s0], s1  }
0x95: {  	s0 =	simm.s32 @!p0 $0x9  }
0x96: {  	_ =	swait.ge @!p0 [sflag:s0], s1  }
0x97: {  	s1 =	ssub.s32 @!p0 $0x0, s1;
	[sflag:s0] =	ssyncset.done @!p0 $0x0  }
0x98: {  	[sflag:s0] =	ssyncadd.s32 @!p0 s1  }
0x99: {  	[bflag:$0x3] =	sbarrier.arrive $0xFFFF  }
0x9a: {  	_ =	shalt  }

</sc_bundles>
